<compile_context>
chip_gen: v7x
topology: tpu7x:2x2x1
jax: 0.10.2.dev20260603
libtpu: 0.0.44.dev20260713+nightly
codegen_flags: <defaults>
</compile_context>

<pallas_src>
import jax
import jax.numpy as jnp
from jax import lax
from jax.experimental import pallas as pl
from jax.experimental.pallas import tpu as pltpu
from jax.experimental.pallas import tpu_sc as plsc

N, D_IN, D_OUT, E = 4096, 1024, 1024, 16
L = 16
NC, NS = 2, 16
BN = 512
LOG_BN = 9
NB = N // BN + E
P = NB * BN
NBPAD = ((NB + L - 1) // L) * L
TPW1 = N // NS
TPW3 = N // (NC * NS)
RPD = 16


NBUF = 7


def _route_body(idx_hbm, x_hbm, x_pad_hbm, dest_hbm, be_hbm,
                idx_v, rank_v, cnt_v, allcnt_v, tb_v, dest_v, bev,
                *ring):
    cid = lax.axis_index("c")
    sid = lax.axis_index("s")
    base = sid * TPW1
    half = cid * (TPW1 // 2)
    lane = lax.iota(jnp.int32, L)

    nch = TPW1 // 2 // RPD
    bufs = ring[:NBUF]
    shared_cnt = ring[NBUF]
    lsems = ring[NBUF + 1:2 * NBUF + 1]
    ssems = ring[2 * NBUF + 1:3 * NBUF + 1]
    dsem = ring[3 * NBUF + 1]
    ld = [None] * NBUF

    def start_load(j):
        b = j % NBUF
        ld[b] = pltpu.async_copy(
            x_hbm.at[pl.ds(base + half + j * RPD, RPD)], bufs[b], lsems[b])

    for j in range(NBUF):
        start_load(j)

    pltpu.sync_copy(idx_hbm.at[pl.ds(base, TPW1)], idx_v)

    def vreg_body(j, cnt):
        ev = idx_v[pl.ds(j * L, L)]
        rank = jnp.zeros((L,), jnp.int32)
        for k in range(L):
            ek = jnp.sum(jnp.where(lane == k, ev, 0))
            is_ek = (lane == ek)
            rk = jnp.sum(jnp.where(is_ek, cnt, 0))
            rank = jnp.where(lane == k, rk, rank)
            cnt = cnt + is_ek.astype(jnp.int32)
        rank_v[pl.ds(j * L, L)] = rank
        return cnt

    cnt = lax.fori_loop(0, TPW1 // L, vreg_body, jnp.zeros((L,), jnp.int32))

    cnt_v[...] = cnt
    pltpu.sync_copy(cnt_v, shared_cnt.at[pl.ds(sid * L, L)])
    plsc.subcore_barrier()
    pltpu.sync_copy(shared_cnt, allcnt_v)

    def acc_body(t, carry):
        tot, pri = carry
        row = allcnt_v[pl.ds(t * L, L)]
        tot = tot + row
        pri = pri + jnp.where(t < sid, row, 0)
        return tot, pri

    zeros = jnp.zeros((L,), jnp.int32)
    tot, pri = lax.fori_loop(0, NS, acc_body, (zeros, zeros))

    padded = ((tot + (BN - 1)) >> LOG_BN) << LOG_BN
    pend = plsc.cumsum(padded)
    pstart = pend - padded
    tb_v[...] = pstart + pri

    for j in range(TPW1 // L):
        ev = idx_v[pl.ds(j * L, L)]
        rk = rank_v[pl.ds(j * L, L)]
        dest_v[pl.ds(j * L, L)] = plsc.load_gather(tb_v, [ev]) + rk

    dest_wr = pltpu.async_copy(dest_v.at[pl.ds(half, TPW1 // 2)],
                               dest_hbm.at[pl.ds(base + half, TPW1 // 2)],
                               dsem)

    st_desc = [None] * nch
    waited = [False] * nch
    for j in range(nch):
        b = j % NBUF
        ld[b].wait()
        dv = dest_v[pl.ds(half + j * RPD, RPD)]
        st_desc[j] = pltpu.async_copy(bufs[b], x_pad_hbm.at[dv], ssems[b])
        nxt = j + NBUF - 1
        if NBUF <= nxt < nch:
            st_desc[j - 1].wait()
            waited[j - 1] = True
            start_load(nxt)
    for j in range(nch):
        if st_desc[j] is not None and not waited[j]:
            st_desc[j].wait()
    dest_wr.wait()

    @pl.when((sid == 0) & (cid == 0))
    def _():
        pend_blk = pend >> LOG_BN
        for v in range(NBPAD // L):
            blk = lane + v * L
            acc = jnp.zeros((L,), jnp.int32)
            for e in range(E):
                pe = jnp.sum(jnp.where(lane == e, pend_blk, 0))
                acc = acc + (pe <= blk).astype(jnp.int32)
            bev[pl.ds(v * L, L)] = jnp.minimum(acc, E - 1)
        nblk = jnp.sum(jnp.where(lane == L - 1, pend_blk, 0))
        bev[pl.ds(NBPAD, L)] = jnp.where(lane == 0, nblk, 0)
        pltpu.sync_copy(bev, be_hbm)


def _gmm_body(be_ref, x_ref, w_ref, o_ref):
    @pl.when(pl.program_id(0) < be_ref[NBPAD])
    def _():
        o_ref[...] = jnp.dot(x_ref[...], w_ref[0],
                             preferred_element_type=jnp.float32)


def _gather_body(dest_hbm, out_pad_hbm, out_hbm, dest_v, *ring):
    wid = lax.axis_index("s") * NC + lax.axis_index("c")
    base = wid * TPW3
    pltpu.sync_copy(dest_hbm.at[pl.ds(base, TPW3)], dest_v)

    nch = TPW3 // RPD
    bufs = ring[:NBUF]
    gsems = ring[NBUF:2 * NBUF]
    wsems = ring[2 * NBUF:3 * NBUF]
    g = [None] * NBUF

    def start_gather(j):
        b = j % NBUF
        dv = dest_v[pl.ds(j * RPD, RPD)]
        g[b] = pltpu.async_copy(out_pad_hbm.at[dv], bufs[b], gsems[b])

    for j in range(min(NBUF, nch)):
        start_gather(j)

    w_desc = [None] * nch
    waited = [False] * nch
    for j in range(nch):
        b = j % NBUF
        g[b].wait()
        w_desc[j] = pltpu.async_copy(
            bufs[b], out_hbm.at[pl.ds(base + j * RPD, RPD)], wsems[b])
        nxt = j + NBUF - 1
        if NBUF <= nxt < nch:
            w_desc[j - 1].wait()
            waited[j - 1] = True
            start_gather(nxt)
    for j in range(nch):
        if w_desc[j] is not None and not waited[j]:
            w_desc[j].wait()


@jax.jit
def kernel(x, indices, weight):
    route = pl.kernel(
        _route_body,
        out_type=(
            jax.ShapeDtypeStruct((P, D_IN), jnp.float32),
            jax.ShapeDtypeStruct((N,), jnp.int32),
            jax.ShapeDtypeStruct((NBPAD + L,), jnp.int32),
        ),
        mesh=plsc.VectorSubcoreMesh(
            core_axis_name="c", subcore_axis_name="s", num_cores=NC),
        compiler_params=pltpu.CompilerParams(needs_layout_passes=False),
        scratch_types=(
            pltpu.VMEM((TPW1,), jnp.int32),
            pltpu.VMEM((TPW1,), jnp.int32),
            pltpu.VMEM((L,), jnp.int32),
            pltpu.VMEM((NS * L,), jnp.int32),
            pltpu.VMEM((L,), jnp.int32),
            pltpu.VMEM((TPW1,), jnp.int32),
            pltpu.VMEM((NBPAD + L,), jnp.int32),
        ) + (pltpu.VMEM((RPD, D_IN), jnp.float32),) * NBUF
          + (pltpu.VMEM_SHARED((NS * L,), jnp.int32),)
          + (pltpu.SemaphoreType.DMA,) * (2 * NBUF + 1),
    )
    x_pad, dest, block_expert = route(indices, x)

    out_pad = pl.pallas_call(
        _gmm_body,
        grid_spec=pltpu.PrefetchScalarGridSpec(
            num_scalar_prefetch=1,
            grid=(NB,),
            in_specs=[
                pl.BlockSpec((BN, D_IN),
                             lambda i, be: (jnp.minimum(i, be[NBPAD] - 1), 0)),
                pl.BlockSpec((1, D_IN, D_OUT),
                             lambda i, be:
                             (be[jnp.minimum(i, be[NBPAD] - 1)], 0, 0)),
            ],
            out_specs=pl.BlockSpec((BN, D_OUT),
                                   lambda i, be:
                                   (jnp.minimum(i, be[NBPAD] - 1), 0)),
        ),
        out_shape=jax.ShapeDtypeStruct((P, D_OUT), jnp.float32),
    )(block_expert, x_pad, weight)

    gather_back = pl.kernel(
        _gather_body,
        out_type=jax.ShapeDtypeStruct((N, D_OUT), jnp.float32),
        mesh=plsc.VectorSubcoreMesh(
            core_axis_name="c", subcore_axis_name="s", num_cores=NC),
        compiler_params=pltpu.CompilerParams(needs_layout_passes=False),
        scratch_types=(
            pltpu.VMEM((TPW3,), jnp.int32),
        ) + (pltpu.VMEM((RPD, D_OUT), jnp.float32),) * NBUF
          + (pltpu.SemaphoreType.DMA,) * (2 * NBUF),
    )
    return gather_back(dest, out_pad)

# --- scband reference (transcript-rebuilt; emitter-appended) ---
"""Pipeline reference for scband-switch-linear-52793738003186 (READ-ONLY COPY).

The authoritative reference and input builder live on the scoring server;
editing this copy changes nothing except your own understanding.
"""

import jax, jax.numpy as jnp
import numpy as np

N, D_IN, D_OUT, E = 4096, 1024, 1024, 16


def setup_inputs(seed: int = 0) -> dict:
    key = jax.random.key(seed)
    k1, k2, k3 = jax.random.split(key, 3)
    x = jax.random.normal(k1, (N, D_IN), dtype=jnp.float32)
    indices = jax.random.randint(k2, (N,), 0, E, dtype=jnp.int32)
    # Packed expert weights, as produced by SwitchLinear.pack():
    # per-expert nn.Linear weights [out, in] stacked to [E, out, in],
    # then pretransposed to [E, in, out] for gather_mm.
    weight = jax.random.normal(k3, (E, D_IN, D_OUT), dtype=jnp.float32) * (1.0 / np.sqrt(D_IN))
    return {"x": x, "indices": indices, "weight": weight}


def reference(x, indices, weight):
    # Faithful translation of mlx::gather_mm with rhs_indices:
    # out[n] = (x[n][None, :] @ weight[indices[n]])[0]
    # i.e. each token is multiplied by its selected expert's [in, out] matrix.
    # Implemented as a scan so the per-token expert weight gather stays
    # O(in*out) memory instead of materializing [N, in, out].
    def step(carry, inp):
        xi, ei = inp
        wi = weight[ei]            # gather one expert weight [D_IN, D_OUT]
        yi = xi @ wi               # [D_OUT]  (unsqueeze(-2)/squeeze(-2) fused)
        return carry, yi

    _, out = jax.lax.scan(step, None, (x, indices))
    return out

if __name__ == "__main__":
    import jax
    _d = setup_inputs()
    print(jax.jit(kernel)(*tuple(_d.values())))

</pallas_src>

<mosaic_0001>
#map = affine_map<(d0, d1) -> (0)>
#map1 = affine_map<(d0, d1) -> (0, 0)>
module attributes {stable_mosaic.version = 14 : i64} {
  func.func @_route_body(%arg0: i32, %arg1: i32, %arg2: memref<4096xi32, #tpu.memory_space<hbm>>, %arg3: memref<4096x1024xf32, #tpu.memory_space<hbm>>, %arg4: memref<12288x1024xf32, #tpu.memory_space<hbm>>, %arg5: memref<4096xi32, #tpu.memory_space<hbm>>, %arg6: memref<48xi32, #tpu.memory_space<hbm>>, %arg7: memref<256xi32, #tpu.memory_space<vmem>>, %arg8: memref<256xi32, #tpu.memory_space<vmem>>, %arg9: memref<16xi32, #tpu.memory_space<vmem>>, %arg10: memref<256xi32, #tpu.memory_space<vmem>>, %arg11: memref<16xi32, #tpu.memory_space<vmem>>, %arg12: memref<256xi32, #tpu.memory_space<vmem>>, %arg13: memref<48xi32, #tpu.memory_space<vmem>>, %arg14: memref<16x1024xf32, #tpu.memory_space<vmem>>, %arg15: memref<16x1024xf32, #tpu.memory_space<vmem>>, %arg16: memref<16x1024xf32, #tpu.memory_space<vmem>>, %arg17: memref<16x1024xf32, #tpu.memory_space<vmem>>, %arg18: memref<16x1024xf32, #tpu.memory_space<vmem>>, %arg19: memref<16x1024xf32, #tpu.memory_space<vmem>>, %arg20: memref<16x1024xf32, #tpu.memory_space<vmem>>, %arg21: memref<256xi32, #tpu.memory_space<vmem_shared>>, %arg22: memref<!tpu.dma_semaphore, #tpu.memory_space<semaphore_mem>>, %arg23: memref<!tpu.dma_semaphore, #tpu.memory_space<semaphore_mem>>, %arg24: memref<!tpu.dma_semaphore, #tpu.memory_space<semaphore_mem>>, %arg25: memref<!tpu.dma_semaphore, #tpu.memory_space<semaphore_mem>>, %arg26: memref<!tpu.dma_semaphore, #tpu.memory_space<semaphore_mem>>, %arg27: memref<!tpu.dma_semaphore, #tpu.memory_space<semaphore_mem>>, %arg28: memref<!tpu.dma_semaphore, #tpu.memory_space<semaphore_mem>>, %arg29: memref<!tpu.dma_semaphore, #tpu.memory_space<semaphore_mem>>, %arg30: memref<!tpu.dma_semaphore, #tpu.memory_space<semaphore_mem>>, %arg31: memref<!tpu.dma_semaphore, #tpu.memory_space<semaphore_mem>>, %arg32: memref<!tpu.dma_semaphore, #tpu.memory_space<semaphore_mem>>, %arg33: memref<!tpu.dma_semaphore, #tpu.memory_space<semaphore_mem>>, %arg34: memref<!tpu.dma_semaphore, #tpu.memory_space<semaphore_mem>>, %arg35: memref<!tpu.dma_semaphore, #tpu.memory_space<semaphore_mem>>, %arg36: memref<!tpu.dma_semaphore, #tpu.memory_space<semaphore_mem>>) attributes {dimension_semantics = [#tpu.dimension_semantics<core_parallel>, #tpu.dimension_semantics<subcore_parallel>], iteration_bounds = array<i64: 2, 16>, scalar_prefetch = 0 : i64, scratch_operands = 30 : i64, tpu.core_type = #tpu.core_type<sc_vector_subcore>, window_params = [{transform_indices = #map}, {transform_indices = #map1}, {transform_indices = #map1}, {transform_indices = #map}, {transform_indices = #map}]} {
    %mul3A = arith.constant 256 : i32
    %mul3A_0 = arith.muli %arg1, %mul3A : i32
    %mul3A_1 = arith.constant 128 : i32
    %mul3A_2 = arith.muli %arg0, %mul3A_1 : i32
    %iota3A = tpu.iota {dimensions = array<i32: 0>} : vector<16xi32>
    %add3A = arith.addi %mul3A_0, %mul3A_2 : i32
    %add3A_3 = arith.constant 0 : i32
    %add3A_4 = arith.addi %add3A, %add3A_3 : i32
    %dma_start3A = arith.constant 0 : i32
    %dma_start3A_5 = tpu.memref_slice %arg3[%add3A_4, %dma_start3A] : memref<4096x1024xf32, #tpu.memory_space<hbm>> -> memref<16x1024xf32, #tpu.memory_space<hbm>>
    %dma_start3A_6 = arith.constant 0 : i32
    %dma_start3A_7 = tpu.memref_slice %arg3[%add3A_4, %dma_start3A_6] : memref<4096x1024xf32, #tpu.memory_space<hbm>> -> memref<16x1024xf32, #tpu.memory_space<hbm>>
    tpu.enqueue_dma source(%dma_start3A_7 : memref<16x1024xf32, #tpu.memory_space<hbm>>) target(%arg14 : memref<16x1024xf32, #tpu.memory_space<vmem>>) target_semaphore(%arg22 : memref<!tpu.dma_semaphore, #tpu.memory_space<semaphore_mem>>)
    %add3A_8 = arith.addi %mul3A_0, %mul3A_2 : i32
    %add3A_9 = arith.constant 16 : i32
    %add3A_10 = arith.addi %add3A_8, %add3A_9 : i32
    %dma_start3A_11 = arith.constant 0 : i32
    %dma_start3A_12 = tpu.memref_slice %arg3[%add3A_10, %dma_start3A_11] : memref<4096x1024xf32, #tpu.memory_space<hbm>> -> memref<16x1024xf32, #tpu.memory_space<hbm>>
    %dma_start3A_13 = arith.constant 0 : i32
    %dma_start3A_14 = tpu.memref_slice %arg3[%add3A_10, %dma_start3A_13] : memref<4096x1024xf32, #tpu.memory_space<hbm>> -> memref<16x1024xf32, #tpu.memory_space<hbm>>
    tpu.enqueue_dma source(%dma_start3A_14 : memref<16x1024xf32, #tpu.memory_space<hbm>>) target(%arg15 : memref<16x1024xf32, #tpu.memory_space<vmem>>) target_semaphore(%arg23 : memref<!tpu.dma_semaphore, #tpu.memory_space<semaphore_mem>>)
    %add3A_15 = arith.addi %mul3A_0, %mul3A_2 : i32
    %add3A_16 = arith.constant 32 : i32
    %add3A_17 = arith.addi %add3A_15, %add3A_16 : i32
    %dma_start3A_18 = arith.constant 0 : i32
    %dma_start3A_19 = tpu.memref_slice %arg3[%add3A_17, %dma_start3A_18] : memref<4096x1024xf32, #tpu.memory_space<hbm>> -> memref<16x1024xf32, #tpu.memory_space<hbm>>
    %dma_start3A_20 = arith.constant 0 : i32
    %dma_start3A_21 = tpu.memref_slice %arg3[%add3A_17, %dma_start3A_20] : memref<4096x1024xf32, #tpu.memory_space<hbm>> -> memref<16x1024xf32, #tpu.memory_space<hbm>>
    tpu.enqueue_dma source(%dma_start3A_21 : memref<16x1024xf32, #tpu.memory_space<hbm>>) target(%arg16 : memref<16x1024xf32, #tpu.memory_space<vmem>>) target_semaphore(%arg24 : memref<!tpu.dma_semaphore, #tpu.memory_space<semaphore_mem>>)
    %add3A_22 = arith.addi %mul3A_0, %mul3A_2 : i32
    %add3A_23 = arith.constant 48 : i32
    %add3A_24 = arith.addi %add3A_22, %add3A_23 : i32
    %dma_start3A_25 = arith.constant 0 : i32
    %dma_start3A_26 = tpu.memref_slice %arg3[%add3A_24, %dma_start3A_25] : memref<4096x1024xf32, #tpu.memory_space<hbm>> -> memref<16x1024xf32, #tpu.memory_space<hbm>>
    %dma_start3A_27 = arith.constant 0 : i32
    %dma_start3A_28 = tpu.memref_slice %arg3[%add3A_24, %dma_start3A_27] : memref<4096x1024xf32, #tpu.memory_space<hbm>> -> memref<16x1024xf32, #tpu.memory_space<hbm>>
    tpu.enqueue_dma source(%dma_start3A_28 : memref<16x1024xf32, #tpu.memory_space<hbm>>) target(%arg17 : memref<16x1024xf32, #tpu.memory_space<vmem>>) target_semaphore(%arg25 : memref<!tpu.dma_semaphore, #tpu.memory_space<semaphore_mem>>)
    %add3A_29 = arith.addi %mul3A_0, %mul3A_2 : i32
    %add3A_30 = arith.constant 64 : i32
    %add3A_31 = arith.addi %add3A_29, %add3A_30 : i32
    %dma_start3A_32 = arith.constant 0 : i32
    %dma_start3A_33 = tpu.memref_slice %arg3[%add3A_31, %dma_start3A_32] : memref<4096x1024xf32, #tpu.memory_space<hbm>> -> memref<16x1024xf32, #tpu.memory_space<hbm>>
    %dma_start3A_34 = arith.constant 0 : i32
    %dma_start3A_35 = tpu.memref_slice %arg3[%add3A_31, %dma_start3A_34] : memref<4096x1024xf32, #tpu.memory_space<hbm>> -> memref<16x1024xf32, #tpu.memory_space<hbm>>
    tpu.enqueue_dma source(%dma_start3A_35 : memref<16x1024xf32, #tpu.memory_space<hbm>>) target(%arg18 : memref<16x1024xf32, #tpu.memory_space<vmem>>) target_semaphore(%arg26 : memref<!tpu.dma_semaphore, #tpu.memory_space<semaphore_mem>>)
    %add3A_36 = arith.addi %mul3A_0, %mul3A_2 : i32
    %add3A_37 = arith.constant 80 : i32
    %add3A_38 = arith.addi %add3A_36, %add3A_37 : i32
    %dma_start3A_39 = arith.constant 0 : i32
    %dma_start3A_40 = tpu.memref_slice %arg3[%add3A_38, %dma_start3A_39] : memref<4096x1024xf32, #tpu.memory_space<hbm>> -> memref<16x1024xf32, #tpu.memory_space<hbm>>
    %dma_start3A_41 = arith.constant 0 : i32
    %dma_start3A_42 = tpu.memref_slice %arg3[%add3A_38, %dma_start3A_41] : memref<4096x1024xf32, #tpu.memory_space<hbm>> -> memref<16x1024xf32, #tpu.memory_space<hbm>>
    tpu.enqueue_dma source(%dma_start3A_42 : memref<16x1024xf32, #tpu.memory_space<hbm>>) target(%arg19 : memref<16x1024xf32, #tpu.memory_space<vmem>>) target_semaphore(%arg27 : memref<!tpu.dma_semaphore, #tpu.memory_space<semaphore_mem>>)
    %add3A_43 = arith.addi %mul3A_0, %mul3A_2 : i32
    %add3A_44 = arith.constant 96 : i32
    %add3A_45 = arith.addi %add3A_43, %add3A_44 : i32
    %dma_start3A_46 = arith.constant 0 : i32
    %dma_start3A_47 = tpu.memref_slice %arg3[%add3A_45, %dma_start3A_46] : memref<4096x1024xf32, #tpu.memory_space<hbm>> -> memref<16x1024xf32, #tpu.memory_space<hbm>>
    %dma_start3A_48 = arith.constant 0 : i32
    %dma_start3A_49 = tpu.memref_slice %arg3[%add3A_45, %dma_start3A_48] : memref<4096x1024xf32, #tpu.memory_space<hbm>> -> memref<16x1024xf32, #tpu.memory_space<hbm>>
    tpu.enqueue_dma source(%dma_start3A_49 : memref<16x1024xf32, #tpu.memory_space<hbm>>) target(%arg20 : memref<16x1024xf32, #tpu.memory_space<vmem>>) target_semaphore(%arg28 : memref<!tpu.dma_semaphore, #tpu.memory_space<semaphore_mem>>)
    "tpu.region"() ({
      %run_scoped3A = tpu.sem_alloc : memref<!tpu.dma_semaphore, #tpu.memory_space<semaphore_mem>>
      %dma_start3A_336 = tpu.memref_slice %arg2[%mul3A_0] : memref<4096xi32, #tpu.memory_space<hbm>> -> memref<256xi32, #tpu.memory_space<hbm>>
      %dma_start3A_337 = tpu.memref_slice %arg2[%mul3A_0] : memref<4096xi32, #tpu.memory_space<hbm>> -> memref<256xi32, #tpu.memory_space<hbm>>
      tpu.enqueue_dma source(%dma_start3A_337 : memref<256xi32, #tpu.memory_space<hbm>>) target(%arg7 : memref<256xi32, #tpu.memory_space<vmem>>) target_semaphore(%run_scoped3A : memref<!tpu.dma_semaphore, #tpu.memory_space<semaphore_mem>>)
      %dma_wait3A_338 = tpu.memref_slice %arg2[%mul3A_0] : memref<4096xi32, #tpu.memory_space<hbm>> -> memref<256xi32, #tpu.memory_space<hbm>>
      %dma_wait3A_339 = tpu.memref_slice %arg2[%mul3A_0] : memref<4096xi32, #tpu.memory_space<hbm>> -> memref<256xi32, #tpu.memory_space<hbm>>
      tpu.wait_dma2 semaphore(%run_scoped3A : memref<!tpu.dma_semaphore, #tpu.memory_space<semaphore_mem>>) src(%dma_wait3A_339 : memref<256xi32, #tpu.memory_space<hbm>>) dst(%arg7 : memref<256xi32, #tpu.memory_space<vmem>>)
      tpu.yield
    }) : () -> ()
    %broadcast_in_dim3A = arith.constant 0 : i32
    %broadcast_in_dim3A_50 = vector.broadcast %broadcast_in_dim3A : i32 to vector<16xi32>
    %scan3A = arith.constant 0 : i32
    %scan3A_51 = arith.constant 16 : i32
    %scan3A_52 = arith.addi %scan3A, %scan3A_51 : i32
    %scan3A_53 = arith.constant 1 : i32
    %scan3A_54 = scf.for %scan3A_336 = %scan3A to %scan3A_52 step %scan3A_53 iter_args(%scan3A_337 = %broadcast_in_dim3A_50) -> (vector<16xi32>)  : i32 {
      %mul3A_338 = arith.constant 16 : i32
      %mul3A_339 = arith.muli %scan3A_336, %mul3A_338 : i32
      %get3A_340 = arith.index_cast %mul3A_339 : i32 to index
      %get3A_341 = tpu.vector_load %arg7[%get3A_340] {strides = array<i32>} : memref<256xi32, #tpu.memory_space<vmem>>, vector<16xi32>,
      %broadcast_in_dim3A_342 = arith.constant 0 : i32
      %broadcast_in_dim3A_343 = vector.broadcast %broadcast_in_dim3A_342 : i32 to vector<16xi32>
      %eq3A_344 = arith.constant 0 : i32
      %eq3A_345 = vector.broadcast %eq3A_344 : i32 to vector<16xi32>
      %eq3A_346 = arith.cmpi eq, %iota3A, %eq3A_345 : vector<16xi32>
      %jit3A = arith.constant 0 : i32
      %broadcast_in_dim3A_347 = vector.broadcast %jit3A : i32 to vector<16xi32>
      %select_n3A = arith.select %eq3A_346, %get3A_341, %broadcast_in_dim3A_347 : vector<16xi1>, vector<16xi32>
      %reduce_sum3A = arith.constant true
      %reduce_sum3A_348 = vector.broadcast %reduce_sum3A : i1 to vector<16xi1>
      %reduce_sum3A_349 = tpu.scan <sum>, %select_n3A masked %reduce_sum3A_348 : vector<16xi32>, vector<16xi1> -> vector<16xi32>
      %reduce_sum3A_350 = vector.extract %reduce_sum3A_349[15] : i32 from vector<16xi32>
      %eq3A_351 = vector.broadcast %reduce_sum3A_350 : i32 to vector<16xi32>
      %eq3A_352 = arith.cmpi eq, %iota3A, %eq3A_351 : vector<16xi32>
      %jit3A_353 = arith.constant 0 : i32
      %broadcast_in_dim3A_354 = vector.broadcast %jit3A_353 : i32 to vector<16xi32>
      %select_n3A_355 = arith.select %eq3A_352, %scan3A_337, %broadcast_in_dim3A_354 : vector<16xi1>, vector<16xi32>
      %reduce_sum3A_356 = arith.constant true
      %reduce_sum3A_357 = vector.broadcast %reduce_sum3A_356 : i1 to vector<16xi1>
      %reduce_sum3A_358 = tpu.scan <sum>, %select_n3A_355 masked %reduce_sum3A_357 : vector<16xi32>, vector<16xi1> -> vector<16xi32>
      %reduce_sum3A_359 = vector.extract %reduce_sum3A_358[15] : i32 from vector<16xi32>
      %eq3A_360 = arith.constant 0 : i32
      %eq3A_361 = vector.broadcast %eq3A_360 : i32 to vector<16xi32>
      %eq3A_362 = arith.cmpi eq, %iota3A, %eq3A_361 : vector<16xi32>
      %broadcast_in_dim3A_363 = vector.broadcast %reduce_sum3A_359 : i32 to vector<16xi32>
      %select_n3A_364 = arith.select %eq3A_362, %broadcast_in_dim3A_363, %broadcast_in_dim3A_343 : vector<16xi1>, vector<16xi32>
      %convert_element_type3A_365 = arith.extui %eq3A_352 : vector<16xi1> to vector<16xi32>
      %add3A_366 = arith.addi %scan3A_337, %convert_element_type3A_365 : vector<16xi32>
      %eq3A_367 = arith.constant 1 : i32
      %eq3A_368 = vector.broadcast %eq3A_367 : i32 to vector<16xi32>
      %eq3A_369 = arith.cmpi eq, %iota3A, %eq3A_368 : vector<16xi32>
      %jit3A_370 = arith.constant 0 : i32
      %broadcast_in_dim3A_371 = vector.broadcast %jit3A_370 : i32 to vector<16xi32>
      %select_n3A_372 = arith.select %eq3A_369, %get3A_341, %broadcast_in_dim3A_371 : vector<16xi1>, vector<16xi32>
      %reduce_sum3A_373 = arith.constant true
      %reduce_sum3A_374 = vector.broadcast %reduce_sum3A_373 : i1 to vector<16xi1>
      %reduce_sum3A_375 = tpu.scan <sum>, %select_n3A_372 masked %reduce_sum3A_374 : vector<16xi32>, vector<16xi1> -> vector<16xi32>
      %reduce_sum3A_376 = vector.extract %reduce_sum3A_375[15] : i32 from vector<16xi32>
      %eq3A_377 = vector.broadcast %reduce_sum3A_376 : i32 to vector<16xi32>
      %eq3A_378 = arith.cmpi eq, %iota3A, %eq3A_377 : vector<16xi32>
      %jit3A_379 = arith.constant 0 : i32
      %broadcast_in_dim3A_380 = vector.broadcast %jit3A_379 : i32 to vector<16xi32>
      %select_n3A_381 = arith.select %eq3A_378, %add3A_366, %broadcast_in_dim3A_380 : vector<16xi1>, vector<16xi32>
      %reduce_sum3A_382 = arith.constant true
      %reduce_sum3A_383 = vector.broadcast %reduce_sum3A_382 : i1 to vector<16xi1>
      %reduce_sum3A_384 = tpu.scan <sum>, %select_n3A_381 masked %reduce_sum3A_383 : vector<16xi32>, vector<16xi1> -> vector<16xi32>
      %reduce_sum3A_385 = vector.extract %reduce_sum3A_384[15] : i32 from vector<16xi32>
      %eq3A_386 = arith.constant 1 : i32
      %eq3A_387 = vector.broadcast %eq3A_386 : i32 to vector<16xi32>
      %eq3A_388 = arith.cmpi eq, %iota3A, %eq3A_387 : vector<16xi32>
      %broadcast_in_dim3A_389 = vector.broadcast %reduce_sum3A_385 : i32 to vector<16xi32>
      %select_n3A_390 = arith.select %eq3A_388, %broadcast_in_dim3A_389, %select_n3A_364 : vector<16xi1>, vector<16xi32>
      %convert_element_type3A_391 = arith.extui %eq3A_378 : vector<16xi1> to vector<16xi32>
      %add3A_392 = arith.addi %add3A_366, %convert_element_type3A_391 : vector<16xi32>
      %eq3A_393 = arith.constant 2 : i32
      %eq3A_394 = vector.broadcast %eq3A_393 : i32 to vector<16xi32>
      %eq3A_395 = arith.cmpi eq, %iota3A, %eq3A_394 : vector<16xi32>
      %jit3A_396 = arith.constant 0 : i32
      %broadcast_in_dim3A_397 = vector.broadcast %jit3A_396 : i32 to vector<16xi32>
      %select_n3A_398 = arith.select %eq3A_395, %get3A_341, %broadcast_in_dim3A_397 : vector<16xi1>, vector<16xi32>
      %reduce_sum3A_399 = arith.constant true
      %reduce_sum3A_400 = vector.broadcast %reduce_sum3A_399 : i1 to vector<16xi1>
      %reduce_sum3A_401 = tpu.scan <sum>, %select_n3A_398 masked %reduce_sum3A_400 : vector<16xi32>, vector<16xi1> -> vector<16xi32>
      %reduce_sum3A_402 = vector.extract %reduce_sum3A_401[15] : i32 from vector<16xi32>
      %eq3A_403 = vector.broadcast %reduce_sum3A_402 : i32 to vector<16xi32>
      %eq3A_404 = arith.cmpi eq, %iota3A, %eq3A_403 : vector<16xi32>
      %jit3A_405 = arith.constant 0 : i32
      %broadcast_in_dim3A_406 = vector.broadcast %jit3A_405 : i32 to vector<16xi32>
      %select_n3A_407 = arith.select %eq3A_404, %add3A_392, %broadcast_in_dim3A_406 : vector<16xi1>, vector<16xi32>
      %reduce_sum3A_408 = arith.constant true
      %reduce_sum3A_409 = vector.broadcast %reduce_sum3A_408 : i1 to vector<16xi1>
      %reduce_sum3A_410 = tpu.scan <sum>, %select_n3A_407 masked %reduce_sum3A_409 : vector<16xi32>, vector<16xi1> -> vector<16xi32>
      %reduce_sum3A_411 = vector.extract %reduce_sum3A_410[15] : i32 from vector<16xi32>
      %eq3A_412 = arith.constant 2 : i32
      %eq3A_413 = vector.broadcast %eq3A_412 : i32 to vector<16xi32>
      %eq3A_414 = arith.cmpi eq, %iota3A, %eq3A_413 : vector<16xi32>
      %broadcast_in_dim3A_415 = vector.broadcast %reduce_sum3A_411 : i32 to vector<16xi32>
      %select_n3A_416 = arith.select %eq3A_414, %broadcast_in_dim3A_415, %select_n3A_390 : vector<16xi1>, vector<16xi32>
      %convert_element_type3A_417 = arith.extui %eq3A_404 : vector<16xi1> to vector<16xi32>
      %add3A_418 = arith.addi %add3A_392, %convert_element_type3A_417 : vector<16xi32>
      %eq3A_419 = arith.constant 3 : i32
      %eq3A_420 = vector.broadcast %eq3A_419 : i32 to vector<16xi32>
      %eq3A_421 = arith.cmpi eq, %iota3A, %eq3A_420 : vector<16xi32>
      %jit3A_422 = arith.constant 0 : i32
      %broadcast_in_dim3A_423 = vector.broadcast %jit3A_422 : i32 to vector<16xi32>
      %select_n3A_424 = arith.select %eq3A_421, %get3A_341, %broadcast_in_dim3A_423 : vector<16xi1>, vector<16xi32>
      %reduce_sum3A_425 = arith.constant true
      %reduce_sum3A_426 = vector.broadcast %reduce_sum3A_425 : i1 to vector<16xi1>
      %reduce_sum3A_427 = tpu.scan <sum>, %select_n3A_424 masked %reduce_sum3A_426 : vector<16xi32>, vector<16xi1> -> vector<16xi32>
      %reduce_sum3A_428 = vector.extract %reduce_sum3A_427[15] : i32 from vector<16xi32>
      %eq3A_429 = vector.broadcast %reduce_sum3A_428 : i32 to vector<16xi32>
      %eq3A_430 = arith.cmpi eq, %iota3A, %eq3A_429 : vector<16xi32>
      %jit3A_431 = arith.constant 0 : i32
      %broadcast_in_dim3A_432 = vector.broadcast %jit3A_431 : i32 to vector<16xi32>
      %select_n3A_433 = arith.select %eq3A_430, %add3A_418, %broadcast_in_dim3A_432 : vector<16xi1>, vector<16xi32>
      %reduce_sum3A_434 = arith.constant true
      %reduce_sum3A_435 = vector.broadcast %reduce_sum3A_434 : i1 to vector<16xi1>
      %reduce_sum3A_436 = tpu.scan <sum>, %select_n3A_433 masked %reduce_sum3A_435 : vector<16xi32>, vector<16xi1> -> vector<16xi32>
      %reduce_sum3A_437 = vector.extract %reduce_sum3A_436[15] : i32 from vector<16xi32>
      %eq3A_438 = arith.constant 3 : i32
      %eq3A_439 = vector.broadcast %eq3A_438 : i32 to vector<16xi32>
      %eq3A_440 = arith.cmpi eq, %iota3A, %eq3A_439 : vector<16xi32>
      %broadcast_in_dim3A_441 = vector.broadcast %reduce_sum3A_437 : i32 to vector<16xi32>
      %select_n3A_442 = arith.select %eq3A_440, %broadcast_in_dim3A_441, %select_n3A_416 : vector<16xi1>, vector<16xi32>
      %convert_element_type3A_443 = arith.extui %eq3A_430 : vector<16xi1> to vector<16xi32>
      %add3A_444 = arith.addi %add3A_418, %convert_element_type3A_443 : vector<16xi32>
      %eq3A_445 = arith.constant 4 : i32
      %eq3A_446 = vector.broadcast %eq3A_445 : i32 to vector<16xi32>
      %eq3A_447 = arith.cmpi eq, %iota3A, %eq3A_446 : vector<16xi32>
      %jit3A_448 = arith.constant 0 : i32
      %broadcast_in_dim3A_449 = vector.broadcast %jit3A_448 : i32 to vector<16xi32>
      %select_n3A_450 = arith.select %eq3A_447, %get3A_341, %broadcast_in_dim3A_449 : vector<16xi1>, vector<16xi32>
      %reduce_sum3A_451 = arith.constant true
      %reduce_sum3A_452 = vector.broadcast %reduce_sum3A_451 : i1 to vector<16xi1>
      %reduce_sum3A_453 = tpu.scan <sum>, %select_n3A_450 masked %reduce_sum3A_452 : vector<16xi32>, vector<16xi1> -> vector<16xi32>
      %reduce_sum3A_454 = vector.extract %reduce_sum3A_453[15] : i32 from vector<16xi32>
      %eq3A_455 = vector.broadcast %reduce_sum3A_454 : i32 to vector<16xi32>
      %eq3A_456 = arith.cmpi eq, %iota3A, %eq3A_455 : vector<16xi32>
      %jit3A_457 = arith.constant 0 : i32
      %broadcast_in_dim3A_458 = vector.broadcast %jit3A_457 : i32 to vector<16xi32>
      %select_n3A_459 = arith.select %eq3A_456, %add3A_444, %broadcast_in_dim3A_458 : vector<16xi1>, vector<16xi32>
      %reduce_sum3A_460 = arith.constant true
      %reduce_sum3A_461 = vector.broadcast %reduce_sum3A_460 : i1 to vector<16xi1>
      %reduce_sum3A_462 = tpu.scan <sum>, %select_n3A_459 masked %reduce_sum3A_461 : vector<16xi32>, vector<16xi1> -> vector<16xi32>
      %reduce_sum3A_463 = vector.extract %reduce_sum3A_462[15] : i32 from vector<16xi32>
      %eq3A_464 = arith.constant 4 : i32
      %eq3A_465 = vector.broadcast %eq3A_464 : i32 to vector<16xi32>
      %eq3A_466 = arith.cmpi eq, %iota3A, %eq3A_465 : vector<16xi32>
      %broadcast_in_dim3A_467 = vector.broadcast %reduce_sum3A_463 : i32 to vector<16xi32>
      %select_n3A_468 = arith.select %eq3A_466, %broadcast_in_dim3A_467, %select_n3A_442 : vector<16xi1>, vector<16xi32>
      %convert_element_type3A_469 = arith.extui %eq3A_456 : vector<16xi1> to vector<16xi32>
      %add3A_470 = arith.addi %add3A_444, %convert_element_type3A_469 : vector<16xi32>
      %eq3A_471 = arith.constant 5 : i32
      %eq3A_472 = vector.broadcast %eq3A_471 : i32 to vector<16xi32>
      %eq3A_473 = arith.cmpi eq, %iota3A, %eq3A_472 : vector<16xi32>
      %jit3A_474 = arith.constant 0 : i32
      %broadcast_in_dim3A_475 = vector.broadcast %jit3A_474 : i32 to vector<16xi32>
      %select_n3A_476 = arith.select %eq3A_473, %get3A_341, %broadcast_in_dim3A_475 : vector<16xi1>, vector<16xi32>
      %reduce_sum3A_477 = arith.constant true
      %reduce_sum3A_478 = vector.broadcast %reduce_sum3A_477 : i1 to vector<16xi1>
      %reduce_sum3A_479 = tpu.scan <sum>, %select_n3A_476 masked %reduce_sum3A_478 : vector<16xi32>, vector<16xi1> -> vector<16xi32>
      %reduce_sum3A_480 = vector.extract %reduce_sum3A_479[15] : i32 from vector<16xi32>
      %eq3A_481 = vector.broadcast %reduce_sum3A_480 : i32 to vector<16xi32>
      %eq3A_482 = arith.cmpi eq, %iota3A, %eq3A_481 : vector<16xi32>
      %jit3A_483 = arith.constant 0 : i32
      %broadcast_in_dim3A_484 = vector.broadcast %jit3A_483 : i32 to vector<16xi32>
      %select_n3A_485 = arith.select %eq3A_482, %add3A_470, %broadcast_in_dim3A_484 : vector<16xi1>, vector<16xi32>
      %reduce_sum3A_486 = arith.constant true
      %reduce_sum3A_487 = vector.broadcast %reduce_sum3A_486 : i1 to vector<16xi1>
      %reduce_sum3A_488 = tpu.scan <sum>, %select_n3A_485 masked %reduce_sum3A_487 : vector<16xi32>, vector<16xi1> -> vector<16xi32>
      %reduce_sum3A_489 = vector.extract %reduce_sum3A_488[15] : i32 from vector<16xi32>
      %eq3A_490 = arith.constant 5 : i32
      %eq3A_491 = vector.broadcast %eq3A_490 : i32 to vector<16xi32>
      %eq3A_492 = arith.cmpi eq, %iota3A, %eq3A_491 : vector<16xi32>
      %broadcast_in_dim3A_493 = vector.broadcast %reduce_sum3A_489 : i32 to vector<16xi32>
      %select_n3A_494 = arith.select %eq3A_492, %broadcast_in_dim3A_493, %select_n3A_468 : vector<16xi1>, vector<16xi32>
      %convert_element_type3A_495 = arith.extui %eq3A_482 : vector<16xi1> to vector<16xi32>
      %add3A_496 = arith.addi %add3A_470, %convert_element_type3A_495 : vector<16xi32>
      %eq3A_497 = arith.constant 6 : i32
      %eq3A_498 = vector.broadcast %eq3A_497 : i32 to vector<16xi32>
      %eq3A_499 = arith.cmpi eq, %iota3A, %eq3A_498 : vector<16xi32>
      %jit3A_500 = arith.constant 0 : i32
      %broadcast_in_dim3A_501 = vector.broadcast %jit3A_500 : i32 to vector<16xi32>
      %select_n3A_502 = arith.select %eq3A_499, %get3A_341, %broadcast_in_dim3A_501 : vector<16xi1>, vector<16xi32>
      %reduce_sum3A_503 = arith.constant true
      %reduce_sum3A_504 = vector.broadcast %reduce_sum3A_503 : i1 to vector<16xi1>
      %reduce_sum3A_505 = tpu.scan <sum>, %select_n3A_502 masked %reduce_sum3A_504 : vector<16xi32>, vector<16xi1> -> vector<16xi32>
      %reduce_sum3A_506 = vector.extract %reduce_sum3A_505[15] : i32 from vector<16xi32>
      %eq3A_507 = vector.broadcast %reduce_sum3A_506 : i32 to vector<16xi32>
      %eq3A_508 = arith.cmpi eq, %iota3A, %eq3A_507 : vector<16xi32>
      %jit3A_509 = arith.constant 0 : i32
      %broadcast_in_dim3A_510 = vector.broadcast %jit3A_509 : i32 to vector<16xi32>
      %select_n3A_511 = arith.select %eq3A_508, %add3A_496, %broadcast_in_dim3A_510 : vector<16xi1>, vector<16xi32>
      %reduce_sum3A_512 = arith.constant true
      %reduce_sum3A_513 = vector.broadcast %reduce_sum3A_512 : i1 to vector<16xi1>
      %reduce_sum3A_514 = tpu.scan <sum>, %select_n3A_511 masked %reduce_sum3A_513 : vector<16xi32>, vector<16xi1> -> vector<16xi32>
      %reduce_sum3A_515 = vector.extract %reduce_sum3A_514[15] : i32 from vector<16xi32>
      %eq3A_516 = arith.constant 6 : i32
      %eq3A_517 = vector.broadcast %eq3A_516 : i32 to vector<16xi32>
      %eq3A_518 = arith.cmpi eq, %iota3A, %eq3A_517 : vector<16xi32>
      %broadcast_in_dim3A_519 = vector.broadcast %reduce_sum3A_515 : i32 to vector<16xi32>
      %select_n3A_520 = arith.select %eq3A_518, %broadcast_in_dim3A_519, %select_n3A_494 : vector<16xi1>, vector<16xi32>
      %convert_element_type3A_521 = arith.extui %eq3A_508 : vector<16xi1> to vector<16xi32>
      %add3A_522 = arith.addi %add3A_496, %convert_element_type3A_521 : vector<16xi32>
      %eq3A_523 = arith.constant 7 : i32
      %eq3A_524 = vector.broadcast %eq3A_523 : i32 to vector<16xi32>
      %eq3A_525 = arith.cmpi eq, %iota3A, %eq3A_524 : vector<16xi32>
      %jit3A_526 = arith.constant 0 : i32
      %broadcast_in_dim3A_527 = vector.broadcast %jit3A_526 : i32 to vector<16xi32>
      %select_n3A_528 = arith.select %eq3A_525, %get3A_341, %broadcast_in_dim3A_527 : vector<16xi1>, vector<16xi32>
      %reduce_sum3A_529 = arith.constant true
      %reduce_sum3A_530 = vector.broadcast %reduce_sum3A_529 : i1 to vector<16xi1>
      %reduce_sum3A_531 = tpu.scan <sum>, %select_n3A_528 masked %reduce_sum3A_530 : vector<16xi32>, vector<16xi1> -> vector<16xi32>
      %reduce_sum3A_532 = vector.extract %reduce_sum3A_531[15] : i32 from vector<16xi32>
      %eq3A_533 = vector.broadcast %reduce_sum3A_532 : i32 to vector<16xi32>
      %eq3A_534 = arith.cmpi eq, %iota3A, %eq3A_533 : vector<16xi32>
      %jit3A_535 = arith.constant 0 : i32
      %broadcast_in_dim3A_536 = vector.broadcast %jit3A_535 : i32 to vector<16xi32>
      %select_n3A_537 = arith.select %eq3A_534, %add3A_522, %broadcast_in_dim3A_536 : vector<16xi1>, vector<16xi32>
      %reduce_sum3A_538 = arith.constant true
      %reduce_sum3A_539 = vector.broadcast %reduce_sum3A_538 : i1 to vector<16xi1>
      %reduce_sum3A_540 = tpu.scan <sum>, %select_n3A_537 masked %reduce_sum3A_539 : vector<16xi32>, vector<16xi1> -> vector<16xi32>
      %reduce_sum3A_541 = vector.extract %reduce_sum3A_540[15] : i32 from vector<16xi32>
      %eq3A_542 = arith.constant 7 : i32
      %eq3A_543 = vector.broadcast %eq3A_542 : i32 to vector<16xi32>
      %eq3A_544 = arith.cmpi eq, %iota3A, %eq3A_543 : vector<16xi32>
      %broadcast_in_dim3A_545 = vector.broadcast %reduce_sum3A_541 : i32 to vector<16xi32>
      %select_n3A_546 = arith.select %eq3A_544, %broadcast_in_dim3A_545, %select_n3A_520 : vector<16xi1>, vector<16xi32>
      %convert_element_type3A_547 = arith.extui %eq3A_534 : vector<16xi1> to vector<16xi32>
      %add3A_548 = arith.addi %add3A_522, %convert_element_type3A_547 : vector<16xi32>
      %eq3A_549 = arith.constant 8 : i32
      %eq3A_550 = vector.broadcast %eq3A_549 : i32 to vector<16xi32>
      %eq3A_551 = arith.cmpi eq, %iota3A, %eq3A_550 : vector<16xi32>
      %jit3A_552 = arith.constant 0 : i32
      %broadcast_in_dim3A_553 = vector.broadcast %jit3A_552 : i32 to vector<16xi32>
      %select_n3A_554 = arith.select %eq3A_551, %get3A_341, %broadcast_in_dim3A_553 : vector<16xi1>, vector<16xi32>
      %reduce_sum3A_555 = arith.constant true
      %reduce_sum3A_556 = vector.broadcast %reduce_sum3A_555 : i1 to vector<16xi1>
      %reduce_sum3A_557 = tpu.scan <sum>, %select_n3A_554 masked %reduce_sum3A_556 : vector<16xi32>, vector<16xi1> -> vector<16xi32>
      %reduce_sum3A_558 = vector.extract %reduce_sum3A_557[15] : i32 from vector<16xi32>
      %eq3A_559 = vector.broadcast %reduce_sum3A_558 : i32 to vector<16xi32>
      %eq3A_560 = arith.cmpi eq, %iota3A, %eq3A_559 : vector<16xi32>
      %jit3A_561 = arith.constant 0 : i32
      %broadcast_in_dim3A_562 = vector.broadcast %jit3A_561 : i32 to vector<16xi32>
      %select_n3A_563 = arith.select %eq3A_560, %add3A_548, %broadcast_in_dim3A_562 : vector<16xi1>, vector<16xi32>
      %reduce_sum3A_564 = arith.constant true
      %reduce_sum3A_565 = vector.broadcast %reduce_sum3A_564 : i1 to vector<16xi1>
      %reduce_sum3A_566 = tpu.scan <sum>, %select_n3A_563 masked %reduce_sum3A_565 : vector<16xi32>, vector<16xi1> -> vector<16xi32>
      %reduce_sum3A_567 = vector.extract %reduce_sum3A_566[15] : i32 from vector<16xi32>
      %eq3A_568 = arith.constant 8 : i32
      %eq3A_569 = vector.broadcast %eq3A_568 : i32 to vector<16xi32>
      %eq3A_570 = arith.cmpi eq, %iota3A, %eq3A_569 : vector<16xi32>
      %broadcast_in_dim3A_571 = vector.broadcast %reduce_sum3A_567 : i32 to vector<16xi32>
      %select_n3A_572 = arith.select %eq3A_570, %broadcast_in_dim3A_571, %select_n3A_546 : vector<16xi1>, vector<16xi32>
      %convert_element_type3A_573 = arith.extui %eq3A_560 : vector<16xi1> to vector<16xi32>
      %add3A_574 = arith.addi %add3A_548, %convert_element_type3A_573 : vector<16xi32>
      %eq3A_575 = arith.constant 9 : i32
      %eq3A_576 = vector.broadcast %eq3A_575 : i32 to vector<16xi32>
      %eq3A_577 = arith.cmpi eq, %iota3A, %eq3A_576 : vector<16xi32>
      %jit3A_578 = arith.constant 0 : i32
      %broadcast_in_dim3A_579 = vector.broadcast %jit3A_578 : i32 to vector<16xi32>
      %select_n3A_580 = arith.select %eq3A_577, %get3A_341, %broadcast_in_dim3A_579 : vector<16xi1>, vector<16xi32>
      %reduce_sum3A_581 = arith.constant true
      %reduce_sum3A_582 = vector.broadcast %reduce_sum3A_581 : i1 to vector<16xi1>
      %reduce_sum3A_583 = tpu.scan <sum>, %select_n3A_580 masked %reduce_sum3A_582 : vector<16xi32>, vector<16xi1> -> vector<16xi32>
      %reduce_sum3A_584 = vector.extract %reduce_sum3A_583[15] : i32 from vector<16xi32>
      %eq3A_585 = vector.broadcast %reduce_sum3A_584 : i32 to vector<16xi32>
      %eq3A_586 = arith.cmpi eq, %iota3A, %eq3A_585 : vector<16xi32>
      %jit3A_587 = arith.constant 0 : i32
      %broadcast_in_dim3A_588 = vector.broadcast %jit3A_587 : i32 to vector<16xi32>
      %select_n3A_589 = arith.select %eq3A_586, %add3A_574, %broadcast_in_dim3A_588 : vector<16xi1>, vector<16xi32>
      %reduce_sum3A_590 = arith.constant true
      %reduce_sum3A_591 = vector.broadcast %reduce_sum3A_590 : i1 to vector<16xi1>
      %reduce_sum3A_592 = tpu.scan <sum>, %select_n3A_589 masked %reduce_sum3A_591 : vector<16xi32>, vector<16xi1> -> vector<16xi32>
      %reduce_sum3A_593 = vector.extract %reduce_sum3A_592[15] : i32 from vector<16xi32>
      %eq3A_594 = arith.constant 9 : i32
      %eq3A_595 = vector.broadcast %eq3A_594 : i32 to vector<16xi32>
      %eq3A_596 = arith.cmpi eq, %iota3A, %eq3A_595 : vector<16xi32>
      %broadcast_in_dim3A_597 = vector.broadcast %reduce_sum3A_593 : i32 to vector<16xi32>
      %select_n3A_598 = arith.select %eq3A_596, %broadcast_in_dim3A_597, %select_n3A_572 : vector<16xi1>, vector<16xi32>
      %convert_element_type3A_599 = arith.extui %eq3A_586 : vector<16xi1> to vector<16xi32>
      %add3A_600 = arith.addi %add3A_574, %convert_element_type3A_599 : vector<16xi32>
      %eq3A_601 = arith.constant 10 : i32
      %eq3A_602 = vector.broadcast %eq3A_601 : i32 to vector<16xi32>
      %eq3A_603 = arith.cmpi eq, %iota3A, %eq3A_602 : vector<16xi32>
      %jit3A_604 = arith.constant 0 : i32
      %broadcast_in_dim3A_605 = vector.broadcast %jit3A_604 : i32 to vector<16xi32>
      %select_n3A_606 = arith.select %eq3A_603, %get3A_341, %broadcast_in_dim3A_605 : vector<16xi1>, vector<16xi32>
      %reduce_sum3A_607 = arith.constant true
      %reduce_sum3A_608 = vector.broadcast %reduce_sum3A_607 : i1 to vector<16xi1>
      %reduce_sum3A_609 = tpu.scan <sum>, %select_n3A_606 masked %reduce_sum3A_608 : vector<16xi32>, vector<16xi1> -> vector<16xi32>
      %reduce_sum3A_610 = vector.extract %reduce_sum3A_609[15] : i32 from vector<16xi32>
      %eq3A_611 = vector.broadcast %reduce_sum3A_610 : i32 to vector<16xi32>
      %eq3A_612 = arith.cmpi eq, %iota3A, %eq3A_611 : vector<16xi32>
      %jit3A_613 = arith.constant 0 : i32
      %broadcast_in_dim3A_614 = vector.broadcast %jit3A_613 : i32 to vector<16xi32>
      %select_n3A_615 = arith.select %eq3A_612, %add3A_600, %broadcast_in_dim3A_614 : vector<16xi1>, vector<16xi32>
      %reduce_sum3A_616 = arith.constant true
      %reduce_sum3A_617 = vector.broadcast %reduce_sum3A_616 : i1 to vector<16xi1>
      %reduce_sum3A_618 = tpu.scan <sum>, %select_n3A_615 masked %reduce_sum3A_617 : vector<16xi32>, vector<16xi1> -> vector<16xi32>
      %reduce_sum3A_619 = vector.extract %reduce_sum3A_618[15] : i32 from vector<16xi32>
      %eq3A_620 = arith.constant 10 : i32
      %eq3A_621 = vector.broadcast %eq3A_620 : i32 to vector<16xi32>
      %eq3A_622 = arith.cmpi eq, %iota3A, %eq3A_621 : vector<16xi32>
      %broadcast_in_dim3A_623 = vector.broadcast %reduce_sum3A_619 : i32 to vector<16xi32>
      %select_n3A_624 = arith.select %eq3A_622, %broadcast_in_dim3A_623, %select_n3A_598 : vector<16xi1>, vector<16xi32>
      %convert_element_type3A_625 = arith.extui %eq3A_612 : vector<16xi1> to vector<16xi32>
      %add3A_626 = arith.addi %add3A_600, %convert_element_type3A_625 : vector<16xi32>
      %eq3A_627 = arith.constant 11 : i32
      %eq3A_628 = vector.broadcast %eq3A_627 : i32 to vector<16xi32>
      %eq3A_629 = arith.cmpi eq, %iota3A, %eq3A_628 : vector<16xi32>
      %jit3A_630 = arith.constant 0 : i32
      %broadcast_in_dim3A_631 = vector.broadcast %jit3A_630 : i32 to vector<16xi32>
      %select_n3A_632 = arith.select %eq3A_629, %get3A_341, %broadcast_in_dim3A_631 : vector<16xi1>, vector<16xi32>
      %reduce_sum3A_633 = arith.constant true
      %reduce_sum3A_634 = vector.broadcast %reduce_sum3A_633 : i1 to vector<16xi1>
      %reduce_sum3A_635 = tpu.scan <sum>, %select_n3A_632 masked %reduce_sum3A_634 : vector<16xi32>, vector<16xi1> -> vector<16xi32>
      %reduce_sum3A_636 = vector.extract %reduce_sum3A_635[15] : i32 from vector<16xi32>
      %eq3A_637 = vector.broadcast %reduce_sum3A_636 : i32 to vector<16xi32>
      %eq3A_638 = arith.cmpi eq, %iota3A, %eq3A_637 : vector<16xi32>
      %jit3A_639 = arith.constant 0 : i32
      %broadcast_in_dim3A_640 = vector.broadcast %jit3A_639 : i32 to vector<16xi32>
      %select_n3A_641 = arith.select %eq3A_638, %add3A_626, %broadcast_in_dim3A_640 : vector<16xi1>, vector<16xi32>
      %reduce_sum3A_642 = arith.constant true
      %reduce_sum3A_643 = vector.broadcast %reduce_sum3A_642 : i1 to vector<16xi1>
      %reduce_sum3A_644 = tpu.scan <sum>, %select_n3A_641 masked %reduce_sum3A_643 : vector<16xi32>, vector<16xi1> -> vector<16xi32>
      %reduce_sum3A_645 = vector.extract %reduce_sum3A_644[15] : i32 from vector<16xi32>
      %eq3A_646 = arith.constant 11 : i32
      %eq3A_647 = vector.broadcast %eq3A_646 : i32 to vector<16xi32>
      %eq3A_648 = arith.cmpi eq, %iota3A, %eq3A_647 : vector<16xi32>
      %broadcast_in_dim3A_649 = vector.broadcast %reduce_sum3A_645 : i32 to vector<16xi32>
      %select_n3A_650 = arith.select %eq3A_648, %broadcast_in_dim3A_649, %select_n3A_624 : vector<16xi1>, vector<16xi32>
      %convert_element_type3A_651 = arith.extui %eq3A_638 : vector<16xi1> to vector<16xi32>
      %add3A_652 = arith.addi %add3A_626, %convert_element_type3A_651 : vector<16xi32>
      %eq3A_653 = arith.constant 12 : i32
      %eq3A_654 = vector.broadcast %eq3A_653 : i32 to vector<16xi32>
      %eq3A_655 = arith.cmpi eq, %iota3A, %eq3A_654 : vector<16xi32>
      %jit3A_656 = arith.constant 0 : i32
      %broadcast_in_dim3A_657 = vector.broadcast %jit3A_656 : i32 to vector<16xi32>
      %select_n3A_658 = arith.select %eq3A_655, %get3A_341, %broadcast_in_dim3A_657 : vector<16xi1>, vector<16xi32>
      %reduce_sum3A_659 = arith.constant true
      %reduce_sum3A_660 = vector.broadcast %reduce_sum3A_659 : i1 to vector<16xi1>
      %reduce_sum3A_661 = tpu.scan <sum>, %select_n3A_658 masked %reduce_sum3A_660 : vector<16xi32>, vector<16xi1> -> vector<16xi32>
      %reduce_sum3A_662 = vector.extract %reduce_sum3A_661[15] : i32 from vector<16xi32>
      %eq3A_663 = vector.broadcast %reduce_sum3A_662 : i32 to vector<16xi32>
      %eq3A_664 = arith.cmpi eq, %iota3A, %eq3A_663 : vector<16xi32>
      %jit3A_665 = arith.constant 0 : i32
      %broadcast_in_dim3A_666 = vector.broadcast %jit3A_665 : i32 to vector<16xi32>
      %select_n3A_667 = arith.select %eq3A_664, %add3A_652, %broadcast_in_dim3A_666 : vector<16xi1>, vector<16xi32>
      %reduce_sum3A_668 = arith.constant true
      %reduce_sum3A_669 = vector.broadcast %reduce_sum3A_668 : i1 to vector<16xi1>
      %reduce_sum3A_670 = tpu.scan <sum>, %select_n3A_667 masked %reduce_sum3A_669 : vector<16xi32>, vector<16xi1> -> vector<16xi32>
      %reduce_sum3A_671 = vector.extract %reduce_sum3A_670[15] : i32 from vector<16xi32>
      %eq3A_672 = arith.constant 12 : i32
      %eq3A_673 = vector.broadcast %eq3A_672 : i32 to vector<16xi32>
      %eq3A_674 = arith.cmpi eq, %iota3A, %eq3A_673 : vector<16xi32>
      %broadcast_in_dim3A_675 = vector.broadcast %reduce_sum3A_671 : i32 to vector<16xi32>
      %select_n3A_676 = arith.select %eq3A_674, %broadcast_in_dim3A_675, %select_n3A_650 : vector<16xi1>, vector<16xi32>
      %convert_element_type3A_677 = arith.extui %eq3A_664 : vector<16xi1> to vector<16xi32>
      %add3A_678 = arith.addi %add3A_652, %convert_element_type3A_677 : vector<16xi32>
      %eq3A_679 = arith.constant 13 : i32
      %eq3A_680 = vector.broadcast %eq3A_679 : i32 to vector<16xi32>
      %eq3A_681 = arith.cmpi eq, %iota3A, %eq3A_680 : vector<16xi32>
      %jit3A_682 = arith.constant 0 : i32
      %broadcast_in_dim3A_683 = vector.broadcast %jit3A_682 : i32 to vector<16xi32>
      %select_n3A_684 = arith.select %eq3A_681, %get3A_341, %broadcast_in_dim3A_683 : vector<16xi1>, vector<16xi32>
      %reduce_sum3A_685 = arith.constant true
      %reduce_sum3A_686 = vector.broadcast %reduce_sum3A_685 : i1 to vector<16xi1>
      %reduce_sum3A_687 = tpu.scan <sum>, %select_n3A_684 masked %reduce_sum3A_686 : vector<16xi32>, vector<16xi1> -> vector<16xi32>
      %reduce_sum3A_688 = vector.extract %reduce_sum3A_687[15] : i32 from vector<16xi32>
      %eq3A_689 = vector.broadcast %reduce_sum3A_688 : i32 to vector<16xi32>
      %eq3A_690 = arith.cmpi eq, %iota3A, %eq3A_689 : vector<16xi32>
      %jit3A_691 = arith.constant 0 : i32
      %broadcast_in_dim3A_692 = vector.broadcast %jit3A_691 : i32 to vector<16xi32>
      %select_n3A_693 = arith.select %eq3A_690, %add3A_678, %broadcast_in_dim3A_692 : vector<16xi1>, vector<16xi32>
      %reduce_sum3A_694 = arith.constant true
      %reduce_sum3A_695 = vector.broadcast %reduce_sum3A_694 : i1 to vector<16xi1>
      %reduce_sum3A_696 = tpu.scan <sum>, %select_n3A_693 masked %reduce_sum3A_695 : vector<16xi32>, vector<16xi1> -> vector<16xi32>
      %reduce_sum3A_697 = vector.extract %reduce_sum3A_696[15] : i32 from vector<16xi32>
      %eq3A_698 = arith.constant 13 : i32
      %eq3A_699 = vector.broadcast %eq3A_698 : i32 to vector<16xi32>
      %eq3A_700 = arith.cmpi eq, %iota3A, %eq3A_699 : vector<16xi32>
      %broadcast_in_dim3A_701 = vector.broadcast %reduce_sum3A_697 : i32 to vector<16xi32>
      %select_n3A_702 = arith.select %eq3A_700, %broadcast_in_dim3A_701, %select_n3A_676 : vector<16xi1>, vector<16xi32>
      %convert_element_type3A_703 = arith.extui %eq3A_690 : vector<16xi1> to vector<16xi32>
      %add3A_704 = arith.addi %add3A_678, %convert_element_type3A_703 : vector<16xi32>
      %eq3A_705 = arith.constant 14 : i32
      %eq3A_706 = vector.broadcast %eq3A_705 : i32 to vector<16xi32>
      %eq3A_707 = arith.cmpi eq, %iota3A, %eq3A_706 : vector<16xi32>
      %jit3A_708 = arith.constant 0 : i32
      %broadcast_in_dim3A_709 = vector.broadcast %jit3A_708 : i32 to vector<16xi32>
      %select_n3A_710 = arith.select %eq3A_707, %get3A_341, %broadcast_in_dim3A_709 : vector<16xi1>, vector<16xi32>
      %reduce_sum3A_711 = arith.constant true
      %reduce_sum3A_712 = vector.broadcast %reduce_sum3A_711 : i1 to vector<16xi1>
      %reduce_sum3A_713 = tpu.scan <sum>, %select_n3A_710 masked %reduce_sum3A_712 : vector<16xi32>, vector<16xi1> -> vector<16xi32>
      %reduce_sum3A_714 = vector.extract %reduce_sum3A_713[15] : i32 from vector<16xi32>
      %eq3A_715 = vector.broadcast %reduce_sum3A_714 : i32 to vector<16xi32>
      %eq3A_716 = arith.cmpi eq, %iota3A, %eq3A_715 : vector<16xi32>
      %jit3A_717 = arith.constant 0 : i32
      %broadcast_in_dim3A_718 = vector.broadcast %jit3A_717 : i32 to vector<16xi32>
      %select_n3A_719 = arith.select %eq3A_716, %add3A_704, %broadcast_in_dim3A_718 : vector<16xi1>, vector<16xi32>
      %reduce_sum3A_720 = arith.constant true
      %reduce_sum3A_721 = vector.broadcast %reduce_sum3A_720 : i1 to vector<16xi1>
      %reduce_sum3A_722 = tpu.scan <sum>, %select_n3A_719 masked %reduce_sum3A_721 : vector<16xi32>, vector<16xi1> -> vector<16xi32>
      %reduce_sum3A_723 = vector.extract %reduce_sum3A_722[15] : i32 from vector<16xi32>
      %eq3A_724 = arith.constant 14 : i32
      %eq3A_725 = vector.broadcast %eq3A_724 : i32 to vector<16xi32>
      %eq3A_726 = arith.cmpi eq, %iota3A, %eq3A_725 : vector<16xi32>
      %broadcast_in_dim3A_727 = vector.broadcast %reduce_sum3A_723 : i32 to vector<16xi32>
      %select_n3A_728 = arith.select %eq3A_726, %broadcast_in_dim3A_727, %select_n3A_702 : vector<16xi1>, vector<16xi32>
      %convert_element_type3A_729 = arith.extui %eq3A_716 : vector<16xi1> to vector<16xi32>
      %add3A_730 = arith.addi %add3A_704, %convert_element_type3A_729 : vector<16xi32>
      %eq3A_731 = arith.constant 15 : i32
      %eq3A_732 = vector.broadcast %eq3A_731 : i32 to vector<16xi32>
      %eq3A_733 = arith.cmpi eq, %iota3A, %eq3A_732 : vector<16xi32>
      %jit3A_734 = arith.constant 0 : i32
      %broadcast_in_dim3A_735 = vector.broadcast %jit3A_734 : i32 to vector<16xi32>
      %select_n3A_736 = arith.select %eq3A_733, %get3A_341, %broadcast_in_dim3A_735 : vector<16xi1>, vector<16xi32>
      %reduce_sum3A_737 = arith.constant true
      %reduce_sum3A_738 = vector.broadcast %reduce_sum3A_737 : i1 to vector<16xi1>
      %reduce_sum3A_739 = tpu.scan <sum>, %select_n3A_736 masked %reduce_sum3A_738 : vector<16xi32>, vector<16xi1> -> vector<16xi32>
      %reduce_sum3A_740 = vector.extract %reduce_sum3A_739[15] : i32 from vector<16xi32>
      %eq3A_741 = vector.broadcast %reduce_sum3A_740 : i32 to vector<16xi32>
      %eq3A_742 = arith.cmpi eq, %iota3A, %eq3A_741 : vector<16xi32>
      %jit3A_743 = arith.constant 0 : i32
      %broadcast_in_dim3A_744 = vector.broadcast %jit3A_743 : i32 to vector<16xi32>
      %select_n3A_745 = arith.select %eq3A_742, %add3A_730, %broadcast_in_dim3A_744 : vector<16xi1>, vector<16xi32>
      %reduce_sum3A_746 = arith.constant true
      %reduce_sum3A_747 = vector.broadcast %reduce_sum3A_746 : i1 to vector<16xi1>
      %reduce_sum3A_748 = tpu.scan <sum>, %select_n3A_745 masked %reduce_sum3A_747 : vector<16xi32>, vector<16xi1> -> vector<16xi32>
      %reduce_sum3A_749 = vector.extract %reduce_sum3A_748[15] : i32 from vector<16xi32>
      %eq3A_750 = arith.constant 15 : i32
      %eq3A_751 = vector.broadcast %eq3A_750 : i32 to vector<16xi32>
      %eq3A_752 = arith.cmpi eq, %iota3A, %eq3A_751 : vector<16xi32>
      %broadcast_in_dim3A_753 = vector.broadcast %reduce_sum3A_749 : i32 to vector<16xi32>
      %select_n3A_754 = arith.select %eq3A_752, %broadcast_in_dim3A_753, %select_n3A_728 : vector<16xi1>, vector<16xi32>
      %convert_element_type3A_755 = arith.extui %eq3A_742 : vector<16xi1> to vector<16xi32>
      %add3A_756 = arith.addi %add3A_730, %convert_element_type3A_755 : vector<16xi32>
      %mul3A_757 = arith.constant 16 : i32
      %mul3A_758 = arith.muli %scan3A_336, %mul3A_757 : i32
      %swap3A_759 = arith.index_cast %mul3A_758 : i32 to index
      %swap3A_760 = tpu.vector_load %arg8[%swap3A_759] {strides = array<i32>} : memref<256xi32, #tpu.memory_space<vmem>>, vector<16xi32>,
      tpu.vector_store %arg8[%swap3A_759], %select_n3A_754 {strides = array<i32>} : memref<256xi32, #tpu.memory_space<vmem>>, vector<16xi32>,
      scf.yield %add3A_756 : vector<16xi32>
    }
    %scan3A_55 = arith.constant 16 : i32
    %swap3A = arith.constant 0 : index
    %swap3A_56 = tpu.vector_load %arg9[%swap3A] {strides = array<i32>} : memref<16xi32, #tpu.memory_space<vmem>>, vector<16xi32>,
    tpu.vector_store %arg9[%swap3A], %scan3A_54 {strides = array<i32>} : memref<16xi32, #tpu.memory_space<vmem>>, vector<16xi32>,
    %mul3A_57 = arith.constant 16 : i32
    %mul3A_58 = arith.muli %arg1, %mul3A_57 : i32
    "tpu.region"() ({
      %run_scoped3A = tpu.sem_alloc : memref<!tpu.dma_semaphore, #tpu.memory_space<semaphore_mem>>
      %dma_start3A_336 = tpu.memref_slice %arg21[%mul3A_58] : memref<256xi32, #tpu.memory_space<vmem_shared>> -> memref<16xi32, #tpu.memory_space<vmem_shared>>
      %dma_start3A_337 = tpu.memref_slice %arg21[%mul3A_58] : memref<256xi32, #tpu.memory_space<vmem_shared>> -> memref<16xi32, #tpu.memory_space<vmem_shared>>
      tpu.enqueue_dma source(%arg9 : memref<16xi32, #tpu.memory_space<vmem>>) target(%dma_start3A_337 : memref<16xi32, #tpu.memory_space<vmem_shared>>) target_semaphore(%run_scoped3A : memref<!tpu.dma_semaphore, #tpu.memory_space<semaphore_mem>>)
      %dma_wait3A_338 = tpu.memref_slice %arg21[%mul3A_58] : memref<256xi32, #tpu.memory_space<vmem_shared>> -> memref<16xi32, #tpu.memory_space<vmem_shared>>
      %dma_wait3A_339 = tpu.memref_slice %arg21[%mul3A_58] : memref<256xi32, #tpu.memory_space<vmem_shared>> -> memref<16xi32, #tpu.memory_space<vmem_shared>>
      tpu.wait_dma2 semaphore(%run_scoped3A : memref<!tpu.dma_semaphore, #tpu.memory_space<semaphore_mem>>) src(%arg9 : memref<16xi32, #tpu.memory_space<vmem>>) dst(%dma_wait3A_339 : memref<16xi32, #tpu.memory_space<vmem_shared>>)
      tpu.yield
    }) : () -> ()
    %barrier3A = arith.constant 0 : index
    tpu.barrier barrier_id(%barrier3A)
    "tpu.region"() ({
      %run_scoped3A = tpu.sem_alloc : memref<!tpu.dma_semaphore, #tpu.memory_space<semaphore_mem>>
      tpu.enqueue_dma source(%arg21 : memref<256xi32, #tpu.memory_space<vmem_shared>>) target(%arg10 : memref<256xi32, #tpu.memory_space<vmem>>) target_semaphore(%run_scoped3A : memref<!tpu.dma_semaphore, #tpu.memory_space<semaphore_mem>>)
      tpu.wait_dma2 semaphore(%run_scoped3A : memref<!tpu.dma_semaphore, #tpu.memory_space<semaphore_mem>>) src(%arg21 : memref<256xi32, #tpu.memory_space<vmem_shared>>) dst(%arg10 : memref<256xi32, #tpu.memory_space<vmem>>)
      tpu.yield
    }) : () -> ()
    %broadcast_in_dim3A_59 = arith.constant 0 : i32
    %broadcast_in_dim3A_60 = vector.broadcast %broadcast_in_dim3A_59 : i32 to vector<16xi32>
    %scan3A_61 = arith.constant 0 : i32
    %scan3A_62 = arith.constant 16 : i32
    %scan3A_63 = arith.addi %scan3A_61, %scan3A_62 : i32
    %scan3A_64 = arith.constant 1 : i32
    %scan3A_65:2 = scf.for %scan3A_336 = %scan3A_61 to %scan3A_63 step %scan3A_64 iter_args(%scan3A_337 = %broadcast_in_dim3A_60, %scan3A_338 = %broadcast_in_dim3A_60) -> (vector<16xi32>, vector<16xi32>)  : i32 {
      %mul3A_339 = arith.constant 16 : i32
      %mul3A_340 = arith.muli %scan3A_336, %mul3A_339 : i32
      %get3A_341 = arith.index_cast %mul3A_340 : i32 to index
      %get3A_342 = tpu.vector_load %arg10[%get3A_341] {strides = array<i32>} : memref<256xi32, #tpu.memory_space<vmem>>, vector<16xi32>,
      %add3A_343 = arith.addi %scan3A_337, %get3A_342 : vector<16xi32>
      %lt3A = arith.cmpi slt, %scan3A_336, %arg1 : i32
      %jit3A = arith.constant 0 : i32
      %broadcast_in_dim3A_344 = vector.broadcast %jit3A : i32 to vector<16xi32>
      %select_n3A = arith.select %lt3A, %get3A_342, %broadcast_in_dim3A_344 : vector<16xi32>
      %add3A_345 = arith.addi %scan3A_338, %select_n3A : vector<16xi32>
      scf.yield %add3A_343, %add3A_345 : vector<16xi32>, vector<16xi32>
    }
    %scan3A_66 = arith.constant 16 : i32
    %add3A_67 = arith.constant 511 : i32
    %add3A_68 = vector.broadcast %add3A_67 : i32 to vector<16xi32>
    %add3A_69 = arith.addi %scan3A_65#0, %add3A_68 : vector<16xi32>
    %shift_right_arithmetic3A = arith.constant 9 : i32
    %shift_right_arithmetic3A_70 = vector.broadcast %shift_right_arithmetic3A : i32 to vector<16xi32>
    %shift_right_arithmetic3A_71 = arith.shrsi %add3A_69, %shift_right_arithmetic3A_70 : vector<16xi32>
    %shift_left3A = arith.constant 9 : i32
    %shift_left3A_72 = vector.broadcast %shift_left3A : i32 to vector<16xi32>
    %shift_left3A_73 = arith.shli %shift_right_arithmetic3A_71, %shift_left3A_72 : vector<16xi32>
    %broadcast_in_dim3A_74 = arith.constant true
    %broadcast_in_dim3A_75 = vector.broadcast %broadcast_in_dim3A_74 : i1 to vector<16xi1>
    %masked_cumsum3A = tpu.scan <sum>, %shift_left3A_73 masked %broadcast_in_dim3A_75 : vector<16xi32>, vector<16xi1> -> vector<16xi32>
    %sub3A = arith.subi %masked_cumsum3A, %shift_left3A_73 : vector<16xi32>
    %add3A_76 = arith.addi %sub3A, %scan3A_65#1 : vector<16xi32>
    %swap3A_77 = arith.constant 0 : index
    %swap3A_78 = tpu.vector_load %arg11[%swap3A_77] {strides = array<i32>} : memref<16xi32, #tpu.memory_space<vmem>>, vector<16xi32>,
    tpu.vector_store %arg11[%swap3A_77], %add3A_76 {strides = array<i32>} : memref<16xi32, #tpu.memory_space<vmem>>, vector<16xi32>,
    %get3A = arith.constant 0 : index
    %get3A_79 = tpu.vector_load %arg7[%get3A] {strides = array<i32>} : memref<256xi32, #tpu.memory_space<vmem>>, vector<16xi32>,
    %get3A_80 = arith.constant 0 : index
    %get3A_81 = tpu.vector_load %arg8[%get3A_80] {strides = array<i32>} : memref<256xi32, #tpu.memory_space<vmem>>, vector<16xi32>,
    %gather3A = tpu.vector_load_idx %arg11[%get3A_79] : memref<16xi32, #tpu.memory_space<vmem>>[vector<16xi32>], vector<16xi32>,
    %add3A_82 = arith.addi %gather3A, %get3A_81 : vector<16xi32>
    %swap3A_83 = arith.constant 0 : index
    %swap3A_84 = tpu.vector_load %arg12[%swap3A_83] {strides = array<i32>} : memref<256xi32, #tpu.memory_space<vmem>>, vector<16xi32>,
    tpu.vector_store %arg12[%swap3A_83], %add3A_82 {strides = array<i32>} : memref<256xi32, #tpu.memory_space<vmem>>, vector<16xi32>,
    %get3A_85 = arith.constant 16 : index
    %get3A_86 = tpu.vector_load %arg7[%get3A_85] {strides = array<i32>} : memref<256xi32, #tpu.memory_space<vmem>>, vector<16xi32>,
    %get3A_87 = arith.constant 16 : index
    %get3A_88 = tpu.vector_load %arg8[%get3A_87] {strides = array<i32>} : memref<256xi32, #tpu.memory_space<vmem>>, vector<16xi32>,
    %gather3A_89 = tpu.vector_load_idx %arg11[%get3A_86] : memref<16xi32, #tpu.memory_space<vmem>>[vector<16xi32>], vector<16xi32>,
    %add3A_90 = arith.addi %gather3A_89, %get3A_88 : vector<16xi32>
    %swap3A_91 = arith.constant 16 : index
    %swap3A_92 = tpu.vector_load %arg12[%swap3A_91] {strides = array<i32>} : memref<256xi32, #tpu.memory_space<vmem>>, vector<16xi32>,
    tpu.vector_store %arg12[%swap3A_91], %add3A_90 {strides = array<i32>} : memref<256xi32, #tpu.memory_space<vmem>>, vector<16xi32>,
    %get3A_93 = arith.constant 32 : index
    %get3A_94 = tpu.vector_load %arg7[%get3A_93] {strides = array<i32>} : memref<256xi32, #tpu.memory_space<vmem>>, vector<16xi32>,
    %get3A_95 = arith.constant 32 : index
    %get3A_96 = tpu.vector_load %arg8[%get3A_95] {strides = array<i32>} : memref<256xi32, #tpu.memory_space<vmem>>, vector<16xi32>,
    %gather3A_97 = tpu.vector_load_idx %arg11[%get3A_94] : memref<16xi32, #tpu.memory_space<vmem>>[vector<16xi32>], vector<16xi32>,
    %add3A_98 = arith.addi %gather3A_97, %get3A_96 : vector<16xi32>
    %swap3A_99 = arith.constant 32 : index
    %swap3A_100 = tpu.vector_load %arg12[%swap3A_99] {strides = array<i32>} : memref<256xi32, #tpu.memory_space<vmem>>, vector<16xi32>,
    tpu.vector_store %arg12[%swap3A_99], %add3A_98 {strides = array<i32>} : memref<256xi32, #tpu.memory_space<vmem>>, vector<16xi32>,
    %get3A_101 = arith.constant 48 : index
    %get3A_102 = tpu.vector_load %arg7[%get3A_101] {strides = array<i32>} : memref<256xi32, #tpu.memory_space<vmem>>, vector<16xi32>,
    %get3A_103 = arith.constant 48 : index
    %get3A_104 = tpu.vector_load %arg8[%get3A_103] {strides = array<i32>} : memref<256xi32, #tpu.memory_space<vmem>>, vector<16xi32>,
    %gather3A_105 = tpu.vector_load_idx %arg11[%get3A_102] : memref<16xi32, #tpu.memory_space<vmem>>[vector<16xi32>], vector<16xi32>,
    %add3A_106 = arith.addi %gather3A_105, %get3A_104 : vector<16xi32>
    %swap3A_107 = arith.constant 48 : index
    %swap3A_108 = tpu.vector_load %arg12[%swap3A_107] {strides = array<i32>} : memref<256xi32, #tpu.memory_space<vmem>>, vector<16xi32>,
    tpu.vector_store %arg12[%swap3A_107], %add3A_106 {strides = array<i32>} : memref<256xi32, #tpu.memory_space<vmem>>, vector<16xi32>,
    %get3A_109 = arith.constant 64 : index
    %get3A_110 = tpu.vector_load %arg7[%get3A_109] {strides = array<i32>} : memref<256xi32, #tpu.memory_space<vmem>>, vector<16xi32>,
    %get3A_111 = arith.constant 64 : index
    %get3A_112 = tpu.vector_load %arg8[%get3A_111] {strides = array<i32>} : memref<256xi32, #tpu.memory_space<vmem>>, vector<16xi32>,
    %gather3A_113 = tpu.vector_load_idx %arg11[%get3A_110] : memref<16xi32, #tpu.memory_space<vmem>>[vector<16xi32>], vector<16xi32>,
    %add3A_114 = arith.addi %gather3A_113, %get3A_112 : vector<16xi32>
    %swap3A_115 = arith.constant 64 : index
    %swap3A_116 = tpu.vector_load %arg12[%swap3A_115] {strides = array<i32>} : memref<256xi32, #tpu.memory_space<vmem>>, vector<16xi32>,
    tpu.vector_store %arg12[%swap3A_115], %add3A_114 {strides = array<i32>} : memref<256xi32, #tpu.memory_space<vmem>>, vector<16xi32>,
    %get3A_117 = arith.constant 80 : index
    %get3A_118 = tpu.vector_load %arg7[%get3A_117] {strides = array<i32>} : memref<256xi32, #tpu.memory_space<vmem>>, vector<16xi32>,
    %get3A_119 = arith.constant 80 : index
    %get3A_120 = tpu.vector_load %arg8[%get3A_119] {strides = array<i32>} : memref<256xi32, #tpu.memory_space<vmem>>, vector<16xi32>,
    %gather3A_121 = tpu.vector_load_idx %arg11[%get3A_118] : memref<16xi32, #tpu.memory_space<vmem>>[vector<16xi32>], vector<16xi32>,
    %add3A_122 = arith.addi %gather3A_121, %get3A_120 : vector<16xi32>
    %swap3A_123 = arith.constant 80 : index
    %swap3A_124 = tpu.vector_load %arg12[%swap3A_123] {strides = array<i32>} : memref<256xi32, #tpu.memory_space<vmem>>, vector<16xi32>,
    tpu.vector_store %arg12[%swap3A_123], %add3A_122 {strides = array<i32>} : memref<256xi32, #tpu.memory_space<vmem>>, vector<16xi32>,
    %get3A_125 = arith.constant 96 : index
    %get3A_126 = tpu.vector_load %arg7[%get3A_125] {strides = array<i32>} : memref<256xi32, #tpu.memory_space<vmem>>, vector<16xi32>,
    %get3A_127 = arith.constant 96 : index
    %get3A_128 = tpu.vector_load %arg8[%get3A_127] {strides = array<i32>} : memref<256xi32, #tpu.memory_space<vmem>>, vector<16xi32>,
    %gather3A_129 = tpu.vector_load_idx %arg11[%get3A_126] : memref<16xi32, #tpu.memory_space<vmem>>[vector<16xi32>], vector<16xi32>,
    %add3A_130 = arith.addi %gather3A_129, %get3A_128 : vector<16xi32>
    %swap3A_131 = arith.constant 96 : index
    %swap3A_132 = tpu.vector_load %arg12[%swap3A_131] {strides = array<i32>} : memref<256xi32, #tpu.memory_space<vmem>>, vector<16xi32>,
    tpu.vector_store %arg12[%swap3A_131], %add3A_130 {strides = array<i32>} : memref<256xi32, #tpu.memory_space<vmem>>, vector<16xi32>,
    %get3A_133 = arith.constant 112 : index
    %get3A_134 = tpu.vector_load %arg7[%get3A_133] {strides = array<i32>} : memref<256xi32, #tpu.memory_space<vmem>>, vector<16xi32>,
    %get3A_135 = arith.constant 112 : index
    %get3A_136 = tpu.vector_load %arg8[%get3A_135] {strides = array<i32>} : memref<256xi32, #tpu.memory_space<vmem>>, vector<16xi32>,
    %gather3A_137 = tpu.vector_load_idx %arg11[%get3A_134] : memref<16xi32, #tpu.memory_space<vmem>>[vector<16xi32>], vector<16xi32>,
    %add3A_138 = arith.addi %gather3A_137, %get3A_136 : vector<16xi32>
    %swap3A_139 = arith.constant 112 : index
    %swap3A_140 = tpu.vector_load %arg12[%swap3A_139] {strides = array<i32>} : memref<256xi32, #tpu.memory_space<vmem>>, vector<16xi32>,
    tpu.vector_store %arg12[%swap3A_139], %add3A_138 {strides = array<i32>} : memref<256xi32, #tpu.memory_space<vmem>>, vector<16xi32>,
    %get3A_141 = arith.constant 128 : index
    %get3A_142 = tpu.vector_load %arg7[%get3A_141] {strides = array<i32>} : memref<256xi32, #tpu.memory_space<vmem>>, vector<16xi32>,
    %get3A_143 = arith.constant 128 : index
    %get3A_144 = tpu.vector_load %arg8[%get3A_143] {strides = array<i32>} : memref<256xi32, #tpu.memory_space<vmem>>, vector<16xi32>,
    %gather3A_145 = tpu.vector_load_idx %arg11[%get3A_142] : memref<16xi32, #tpu.memory_space<vmem>>[vector<16xi32>], vector<16xi32>,
    %add3A_146 = arith.addi %gather3A_145, %get3A_144 : vector<16xi32>
    %swap3A_147 = arith.constant 128 : index
    %swap3A_148 = tpu.vector_load %arg12[%swap3A_147] {strides = array<i32>} : memref<256xi32, #tpu.memory_space<vmem>>, vector<16xi32>,
    tpu.vector_store %arg12[%swap3A_147], %add3A_146 {strides = array<i32>} : memref<256xi32, #tpu.memory_space<vmem>>, vector<16xi32>,
    %get3A_149 = arith.constant 144 : index
    %get3A_150 = tpu.vector_load %arg7[%get3A_149] {strides = array<i32>} : memref<256xi32, #tpu.memory_space<vmem>>, vector<16xi32>,
    %get3A_151 = arith.constant 144 : index
    %get3A_152 = tpu.vector_load %arg8[%get3A_151] {strides = array<i32>} : memref<256xi32, #tpu.memory_space<vmem>>, vector<16xi32>,
    %gather3A_153 = tpu.vector_load_idx %arg11[%get3A_150] : memref<16xi32, #tpu.memory_space<vmem>>[vector<16xi32>], vector<16xi32>,
    %add3A_154 = arith.addi %gather3A_153, %get3A_152 : vector<16xi32>
    %swap3A_155 = arith.constant 144 : index
    %swap3A_156 = tpu.vector_load %arg12[%swap3A_155] {strides = array<i32>} : memref<256xi32, #tpu.memory_space<vmem>>, vector<16xi32>,
    tpu.vector_store %arg12[%swap3A_155], %add3A_154 {strides = array<i32>} : memref<256xi32, #tpu.memory_space<vmem>>, vector<16xi32>,
    %get3A_157 = arith.constant 160 : index
    %get3A_158 = tpu.vector_load %arg7[%get3A_157] {strides = array<i32>} : memref<256xi32, #tpu.memory_space<vmem>>, vector<16xi32>,
    %get3A_159 = arith.constant 160 : index
    %get3A_160 = tpu.vector_load %arg8[%get3A_159] {strides = array<i32>} : memref<256xi32, #tpu.memory_space<vmem>>, vector<16xi32>,
    %gather3A_161 = tpu.vector_load_idx %arg11[%get3A_158] : memref<16xi32, #tpu.memory_space<vmem>>[vector<16xi32>], vector<16xi32>,
    %add3A_162 = arith.addi %gather3A_161, %get3A_160 : vector<16xi32>
    %swap3A_163 = arith.constant 160 : index
    %swap3A_164 = tpu.vector_load %arg12[%swap3A_163] {strides = array<i32>} : memref<256xi32, #tpu.memory_space<vmem>>, vector<16xi32>,
    tpu.vector_store %arg12[%swap3A_163], %add3A_162 {strides = array<i32>} : memref<256xi32, #tpu.memory_space<vmem>>, vector<16xi32>,
    %get3A_165 = arith.constant 176 : index
    %get3A_166 = tpu.vector_load %arg7[%get3A_165] {strides = array<i32>} : memref<256xi32, #tpu.memory_space<vmem>>, vector<16xi32>,
    %get3A_167 = arith.constant 176 : index
    %get3A_168 = tpu.vector_load %arg8[%get3A_167] {strides = array<i32>} : memref<256xi32, #tpu.memory_space<vmem>>, vector<16xi32>,
    %gather3A_169 = tpu.vector_load_idx %arg11[%get3A_166] : memref<16xi32, #tpu.memory_space<vmem>>[vector<16xi32>], vector<16xi32>,
    %add3A_170 = arith.addi %gather3A_169, %get3A_168 : vector<16xi32>
    %swap3A_171 = arith.constant 176 : index
    %swap3A_172 = tpu.vector_load %arg12[%swap3A_171] {strides = array<i32>} : memref<256xi32, #tpu.memory_space<vmem>>, vector<16xi32>,
    tpu.vector_store %arg12[%swap3A_171], %add3A_170 {strides = array<i32>} : memref<256xi32, #tpu.memory_space<vmem>>, vector<16xi32>,
    %get3A_173 = arith.constant 192 : index
    %get3A_174 = tpu.vector_load %arg7[%get3A_173] {strides = array<i32>} : memref<256xi32, #tpu.memory_space<vmem>>, vector<16xi32>,
    %get3A_175 = arith.constant 192 : index
    %get3A_176 = tpu.vector_load %arg8[%get3A_175] {strides = array<i32>} : memref<256xi32, #tpu.memory_space<vmem>>, vector<16xi32>,
    %gather3A_177 = tpu.vector_load_idx %arg11[%get3A_174] : memref<16xi32, #tpu.memory_space<vmem>>[vector<16xi32>], vector<16xi32>,
    %add3A_178 = arith.addi %gather3A_177, %get3A_176 : vector<16xi32>
    %swap3A_179 = arith.constant 192 : index
    %swap3A_180 = tpu.vector_load %arg12[%swap3A_179] {strides = array<i32>} : memref<256xi32, #tpu.memory_space<vmem>>, vector<16xi32>,
    tpu.vector_store %arg12[%swap3A_179], %add3A_178 {strides = array<i32>} : memref<256xi32, #tpu.memory_space<vmem>>, vector<16xi32>,
    %get3A_181 = arith.constant 208 : index
    %get3A_182 = tpu.vector_load %arg7[%get3A_181] {strides = array<i32>} : memref<256xi32, #tpu.memory_space<vmem>>, vector<16xi32>,
    %get3A_183 = arith.constant 208 : index
    %get3A_184 = tpu.vector_load %arg8[%get3A_183] {strides = array<i32>} : memref<256xi32, #tpu.memory_space<vmem>>, vector<16xi32>,
    %gather3A_185 = tpu.vector_load_idx %arg11[%get3A_182] : memref<16xi32, #tpu.memory_space<vmem>>[vector<16xi32>], vector<16xi32>,
    %add3A_186 = arith.addi %gather3A_185, %get3A_184 : vector<16xi32>
    %swap3A_187 = arith.constant 208 : index
    %swap3A_188 = tpu.vector_load %arg12[%swap3A_187] {strides = array<i32>} : memref<256xi32, #tpu.memory_space<vmem>>, vector<16xi32>,
    tpu.vector_store %arg12[%swap3A_187], %add3A_186 {strides = array<i32>} : memref<256xi32, #tpu.memory_space<vmem>>, vector<16xi32>,
    %get3A_189 = arith.constant 224 : index
    %get3A_190 = tpu.vector_load %arg7[%get3A_189] {strides = array<i32>} : memref<256xi32, #tpu.memory_space<vmem>>, vector<16xi32>,
    %get3A_191 = arith.constant 224 : index
    %get3A_192 = tpu.vector_load %arg8[%get3A_191] {strides = array<i32>} : memref<256xi32, #tpu.memory_space<vmem>>, vector<16xi32>,
    %gather3A_193 = tpu.vector_load_idx %arg11[%get3A_190] : memref<16xi32, #tpu.memory_space<vmem>>[vector<16xi32>], vector<16xi32>,
    %add3A_194 = arith.addi %gather3A_193, %get3A_192 : vector<16xi32>
    %swap3A_195 = arith.constant 224 : index
    %swap3A_196 = tpu.vector_load %arg12[%swap3A_195] {strides = array<i32>} : memref<256xi32, #tpu.memory_space<vmem>>, vector<16xi32>,
    tpu.vector_store %arg12[%swap3A_195], %add3A_194 {strides = array<i32>} : memref<256xi32, #tpu.memory_space<vmem>>, vector<16xi32>,
    %get3A_197 = arith.constant 240 : index
    %get3A_198 = tpu.vector_load %arg7[%get3A_197] {strides = array<i32>} : memref<256xi32, #tpu.memory_space<vmem>>, vector<16xi32>,
    %get3A_199 = arith.constant 240 : index
    %get3A_200 = tpu.vector_load %arg8[%get3A_199] {strides = array<i32>} : memref<256xi32, #tpu.memory_space<vmem>>, vector<16xi32>,
    %gather3A_201 = tpu.vector_load_idx %arg11[%get3A_198] : memref<16xi32, #tpu.memory_space<vmem>>[vector<16xi32>], vector<16xi32>,
    %add3A_202 = arith.addi %gather3A_201, %get3A_200 : vector<16xi32>
    %swap3A_203 = arith.constant 240 : index
    %swap3A_204 = tpu.vector_load %arg12[%swap3A_203] {strides = array<i32>} : memref<256xi32, #tpu.memory_space<vmem>>, vector<16xi32>,
    tpu.vector_store %arg12[%swap3A_203], %add3A_202 {strides = array<i32>} : memref<256xi32, #tpu.memory_space<vmem>>, vector<16xi32>,
    %add3A_205 = arith.addi %mul3A_0, %mul3A_2 : i32
    %dma_start3A_206 = tpu.memref_slice %arg12[%mul3A_2] : memref<256xi32, #tpu.memory_space<vmem>> -> memref<128xi32, #tpu.memory_space<vmem>>
    %dma_start3A_207 = tpu.memref_slice %arg5[%add3A_205] : memref<4096xi32, #tpu.memory_space<hbm>> -> memref<128xi32, #tpu.memory_space<hbm>>
    %dma_start3A_208 = tpu.memref_slice %arg5[%add3A_205] : memref<4096xi32, #tpu.memory_space<hbm>> -> memref<128xi32, #tpu.memory_space<hbm>>
    %dma_start3A_209 = tpu.memref_slice %arg12[%mul3A_2] : memref<256xi32, #tpu.memory_space<vmem>> -> memref<128xi32, #tpu.memory_space<vmem>>
    tpu.enqueue_dma source(%dma_start3A_209 : memref<128xi32, #tpu.memory_space<vmem>>) target(%dma_start3A_208 : memref<128xi32, #tpu.memory_space<hbm>>) target_semaphore(%arg36 : memref<!tpu.dma_semaphore, #tpu.memory_space<semaphore_mem>>)
    %dma_wait3A = arith.constant 0 : i32
    %dma_wait3A_210 = tpu.memref_slice %arg3[%add3A_4, %dma_wait3A] : memref<4096x1024xf32, #tpu.memory_space<hbm>> -> memref<16x1024xf32, #tpu.memory_space<hbm>>
    %dma_wait3A_211 = arith.constant 0 : i32
    %dma_wait3A_212 = tpu.memref_slice %arg3[%add3A_4, %dma_wait3A_211] : memref<4096x1024xf32, #tpu.memory_space<hbm>> -> memref<16x1024xf32, #tpu.memory_space<hbm>>
    tpu.wait_dma2 semaphore(%arg22 : memref<!tpu.dma_semaphore, #tpu.memory_space<semaphore_mem>>) src(%dma_wait3A_212 : memref<16x1024xf32, #tpu.memory_space<hbm>>) dst(%arg14 : memref<16x1024xf32, #tpu.memory_space<vmem>>)
    %add3A_213 = arith.constant 0 : i32
    %add3A_214 = arith.addi %mul3A_2, %add3A_213 : i32
    %get3A_215 = arith.index_cast %add3A_214 : i32 to index
    %get3A_216 = tpu.vector_load %arg12[%get3A_215] {strides = array<i32>} : memref<256xi32, #tpu.memory_space<vmem>>, vector<16xi32>,
    %dma_start3A_217 = arith.constant 0 : i32
    %dma_start3A_218 = arith.constant 0 : i32
    %dma_start3A_219 = tpu.memref_slice %arg4[%dma_start3A_217, %dma_start3A_218] : memref<12288x1024xf32, #tpu.memory_space<hbm>> -> memref<12288x1024xf32, #tpu.memory_space<hbm>>
    tpu.enqueue_indirect_dma source(%arg14 : memref<16x1024xf32, #tpu.memory_space<vmem>>) target(%dma_start3A_219 : memref<12288x1024xf32, #tpu.memory_space<hbm>>) offsets(%get3A_216 : vector<16xi32>) semaphore(%arg29 : memref<!tpu.dma_semaphore, #tpu.memory_space<semaphore_mem>>)
    %dma_wait3A_220 = arith.constant 0 : i32
    %dma_wait3A_221 = tpu.memref_slice %arg3[%add3A_10, %dma_wait3A_220] : memref<4096x1024xf32, #tpu.memory_space<hbm>> -> memref<16x1024xf32, #tpu.memory_space<hbm>>
    %dma_wait3A_222 = arith.constant 0 : i32
    %dma_wait3A_223 = tpu.memref_slice %arg3[%add3A_10, %dma_wait3A_222] : memref<4096x1024xf32, #tpu.memory_space<hbm>> -> memref<16x1024xf32, #tpu.memory_space<hbm>>
    tpu.wait_dma2 semaphore(%arg23 : memref<!tpu.dma_semaphore, #tpu.memory_space<semaphore_mem>>) src(%dma_wait3A_223 : memref<16x1024xf32, #tpu.memory_space<hbm>>) dst(%arg15 : memref<16x1024xf32, #tpu.memory_space<vmem>>)
    %add3A_224 = arith.constant 16 : i32
    %add3A_225 = arith.addi %mul3A_2, %add3A_224 : i32
    %get3A_226 = arith.index_cast %add3A_225 : i32 to index
    %get3A_227 = tpu.vector_load %arg12[%get3A_226] {strides = array<i32>} : memref<256xi32, #tpu.memory_space<vmem>>, vector<16xi32>,
    %dma_start3A_228 = arith.constant 0 : i32
    %dma_start3A_229 = arith.constant 0 : i32
    %dma_start3A_230 = tpu.memref_slice %arg4[%dma_start3A_228, %dma_start3A_229] : memref<12288x1024xf32, #tpu.memory_space<hbm>> -> memref<12288x1024xf32, #tpu.memory_space<hbm>>
    tpu.enqueue_indirect_dma source(%arg15 : memref<16x1024xf32, #tpu.memory_space<vmem>>) target(%dma_start3A_230 : memref<12288x1024xf32, #tpu.memory_space<hbm>>) offsets(%get3A_227 : vector<16xi32>) semaphore(%arg30 : memref<!tpu.dma_semaphore, #tpu.memory_space<semaphore_mem>>)
    %dma_wait3A_231 = arith.constant 0 : i32
    %dma_wait3A_232 = arith.constant 0 : i32
    %dma_wait3A_233 = tpu.memref_slice %arg4[%dma_wait3A_231, %dma_wait3A_232] : memref<12288x1024xf32, #tpu.memory_space<hbm>> -> memref<12288x1024xf32, #tpu.memory_space<hbm>>
    tpu.wait_indirect_dma semaphore(%arg29 : memref<!tpu.dma_semaphore, #tpu.memory_space<semaphore_mem>>) src(%arg14 : memref<16x1024xf32, #tpu.memory_space<vmem>>) dst(%dma_wait3A_233 : memref<12288x1024xf32, #tpu.memory_space<hbm>>)
    %add3A_234 = arith.addi %mul3A_0, %mul3A_2 : i32
    %add3A_235 = arith.constant 112 : i32
    %add3A_236 = arith.addi %add3A_234, %add3A_235 : i32
    %dma_start3A_237 = arith.constant 0 : i32
    %dma_start3A_238 = tpu.memref_slice %arg3[%add3A_236, %dma_start3A_237] : memref<4096x1024xf32, #tpu.memory_space<hbm>> -> memref<16x1024xf32, #tpu.memory_space<hbm>>
    %dma_start3A_239 = arith.constant 0 : i32
    %dma_start3A_240 = tpu.memref_slice %arg3[%add3A_236, %dma_start3A_239] : memref<4096x1024xf32, #tpu.memory_space<hbm>> -> memref<16x1024xf32, #tpu.memory_space<hbm>>
    tpu.enqueue_dma source(%dma_start3A_240 : memref<16x1024xf32, #tpu.memory_space<hbm>>) target(%arg14 : memref<16x1024xf32, #tpu.memory_space<vmem>>) target_semaphore(%arg22 : memref<!tpu.dma_semaphore, #tpu.memory_space<semaphore_mem>>)
    %dma_wait3A_241 = arith.constant 0 : i32
    %dma_wait3A_242 = tpu.memref_slice %arg3[%add3A_17, %dma_wait3A_241] : memref<4096x1024xf32, #tpu.memory_space<hbm>> -> memref<16x1024xf32, #tpu.memory_space<hbm>>
    %dma_wait3A_243 = arith.constant 0 : i32
    %dma_wait3A_244 = tpu.memref_slice %arg3[%add3A_17, %dma_wait3A_243] : memref<4096x1024xf32, #tpu.memory_space<hbm>> -> memref<16x1024xf32, #tpu.memory_space<hbm>>
    tpu.wait_dma2 semaphore(%arg24 : memref<!tpu.dma_semaphore, #tpu.memory_space<semaphore_mem>>) src(%dma_wait3A_244 : memref<16x1024xf32, #tpu.memory_space<hbm>>) dst(%arg16 : memref<16x1024xf32, #tpu.memory_space<vmem>>)
    %add3A_245 = arith.constant 32 : i32
    %add3A_246 = arith.addi %mul3A_2, %add3A_245 : i32
    %get3A_247 = arith.index_cast %add3A_246 : i32 to index
    %get3A_248 = tpu.vector_load %arg12[%get3A_247] {strides = array<i32>} : memref<256xi32, #tpu.memory_space<vmem>>, vector<16xi32>,
    %dma_start3A_249 = arith.constant 0 : i32
    %dma_start3A_250 = arith.constant 0 : i32
    %dma_start3A_251 = tpu.memref_slice %arg4[%dma_start3A_249, %dma_start3A_250] : memref<12288x1024xf32, #tpu.memory_space<hbm>> -> memref<12288x1024xf32, #tpu.memory_space<hbm>>
    tpu.enqueue_indirect_dma source(%arg16 : memref<16x1024xf32, #tpu.memory_space<vmem>>) target(%dma_start3A_251 : memref<12288x1024xf32, #tpu.memory_space<hbm>>) offsets(%get3A_248 : vector<16xi32>) semaphore(%arg31 : memref<!tpu.dma_semaphore, #tpu.memory_space<semaphore_mem>>)
    %dma_wait3A_252 = arith.constant 0 : i32
    %dma_wait3A_253 = tpu.memref_slice %arg3[%add3A_24, %dma_wait3A_252] : memref<4096x1024xf32, #tpu.memory_space<hbm>> -> memref<16x1024xf32, #tpu.memory_space<hbm>>
    %dma_wait3A_254 = arith.constant 0 : i32
    %dma_wait3A_255 = tpu.memref_slice %arg3[%add3A_24, %dma_wait3A_254] : memref<4096x1024xf32, #tpu.memory_space<hbm>> -> memref<16x1024xf32, #tpu.memory_space<hbm>>
    tpu.wait_dma2 semaphore(%arg25 : memref<!tpu.dma_semaphore, #tpu.memory_space<semaphore_mem>>) src(%dma_wait3A_255 : memref<16x1024xf32, #tpu.memory_space<hbm>>) dst(%arg17 : memref<16x1024xf32, #tpu.memory_space<vmem>>)
    %add3A_256 = arith.constant 48 : i32
    %add3A_257 = arith.addi %mul3A_2, %add3A_256 : i32
    %get3A_258 = arith.index_cast %add3A_257 : i32 to index
    %get3A_259 = tpu.vector_load %arg12[%get3A_258] {strides = array<i32>} : memref<256xi32, #tpu.memory_space<vmem>>, vector<16xi32>,
    %dma_start3A_260 = arith.constant 0 : i32
    %dma_start3A_261 = arith.constant 0 : i32
    %dma_start3A_262 = tpu.memref_slice %arg4[%dma_start3A_260, %dma_start3A_261] : memref<12288x1024xf32, #tpu.memory_space<hbm>> -> memref<12288x1024xf32, #tpu.memory_space<hbm>>
    tpu.enqueue_indirect_dma source(%arg17 : memref<16x1024xf32, #tpu.memory_space<vmem>>) target(%dma_start3A_262 : memref<12288x1024xf32, #tpu.memory_space<hbm>>) offsets(%get3A_259 : vector<16xi32>) semaphore(%arg32 : memref<!tpu.dma_semaphore, #tpu.memory_space<semaphore_mem>>)
    %dma_wait3A_263 = arith.constant 0 : i32
    %dma_wait3A_264 = tpu.memref_slice %arg3[%add3A_31, %dma_wait3A_263] : memref<4096x1024xf32, #tpu.memory_space<hbm>> -> memref<16x1024xf32, #tpu.memory_space<hbm>>
    %dma_wait3A_265 = arith.constant 0 : i32
    %dma_wait3A_266 = tpu.memref_slice %arg3[%add3A_31, %dma_wait3A_265] : memref<4096x1024xf32, #tpu.memory_space<hbm>> -> memref<16x1024xf32, #tpu.memory_space<hbm>>
    tpu.wait_dma2 semaphore(%arg26 : memref<!tpu.dma_semaphore, #tpu.memory_space<semaphore_mem>>) src(%dma_wait3A_266 : memref<16x1024xf32, #tpu.memory_space<hbm>>) dst(%arg18 : memref<16x1024xf32, #tpu.memory_space<vmem>>)
    %add3A_267 = arith.constant 64 : i32
    %add3A_268 = arith.addi %mul3A_2, %add3A_267 : i32
    %get3A_269 = arith.index_cast %add3A_268 : i32 to index
    %get3A_270 = tpu.vector_load %arg12[%get3A_269] {strides = array<i32>} : memref<256xi32, #tpu.memory_space<vmem>>, vector<16xi32>,
    %dma_start3A_271 = arith.constant 0 : i32
    %dma_start3A_272 = arith.constant 0 : i32
    %dma_start3A_273 = tpu.memref_slice %arg4[%dma_start3A_271, %dma_start3A_272] : memref<12288x1024xf32, #tpu.memory_space<hbm>> -> memref<12288x1024xf32, #tpu.memory_space<hbm>>
    tpu.enqueue_indirect_dma source(%arg18 : memref<16x1024xf32, #tpu.memory_space<vmem>>) target(%dma_start3A_273 : memref<12288x1024xf32, #tpu.memory_space<hbm>>) offsets(%get3A_270 : vector<16xi32>) semaphore(%arg33 : memref<!tpu.dma_semaphore, #tpu.memory_space<semaphore_mem>>)
    %dma_wait3A_274 = arith.constant 0 : i32
    %dma_wait3A_275 = tpu.memref_slice %arg3[%add3A_38, %dma_wait3A_274] : memref<4096x1024xf32, #tpu.memory_space<hbm>> -> memref<16x1024xf32, #tpu.memory_space<hbm>>
    %dma_wait3A_276 = arith.constant 0 : i32
    %dma_wait3A_277 = tpu.memref_slice %arg3[%add3A_38, %dma_wait3A_276] : memref<4096x1024xf32, #tpu.memory_space<hbm>> -> memref<16x1024xf32, #tpu.memory_space<hbm>>
    tpu.wait_dma2 semaphore(%arg27 : memref<!tpu.dma_semaphore, #tpu.memory_space<semaphore_mem>>) src(%dma_wait3A_277 : memref<16x1024xf32, #tpu.memory_space<hbm>>) dst(%arg19 : memref<16x1024xf32, #tpu.memory_space<vmem>>)
    %add3A_278 = arith.constant 80 : i32
    %add3A_279 = arith.addi %mul3A_2, %add3A_278 : i32
    %get3A_280 = arith.index_cast %add3A_279 : i32 to index
    %get3A_281 = tpu.vector_load %arg12[%get3A_280] {strides = array<i32>} : memref<256xi32, #tpu.memory_space<vmem>>, vector<16xi32>,
    %dma_start3A_282 = arith.constant 0 : i32
    %dma_start3A_283 = arith.constant 0 : i32
    %dma_start3A_284 = tpu.memref_slice %arg4[%dma_start3A_282, %dma_start3A_283] : memref<12288x1024xf32, #tpu.memory_space<hbm>> -> memref<12288x1024xf32, #tpu.memory_space<hbm>>
    tpu.enqueue_indirect_dma source(%arg19 : memref<16x1024xf32, #tpu.memory_space<vmem>>) target(%dma_start3A_284 : memref<12288x1024xf32, #tpu.memory_space<hbm>>) offsets(%get3A_281 : vector<16xi32>) semaphore(%arg34 : memref<!tpu.dma_semaphore, #tpu.memory_space<semaphore_mem>>)
    %dma_wait3A_285 = arith.constant 0 : i32
    %dma_wait3A_286 = tpu.memref_slice %arg3[%add3A_45, %dma_wait3A_285] : memref<4096x1024xf32, #tpu.memory_space<hbm>> -> memref<16x1024xf32, #tpu.memory_space<hbm>>
    %dma_wait3A_287 = arith.constant 0 : i32
    %dma_wait3A_288 = tpu.memref_slice %arg3[%add3A_45, %dma_wait3A_287] : memref<4096x1024xf32, #tpu.memory_space<hbm>> -> memref<16x1024xf32, #tpu.memory_space<hbm>>
    tpu.wait_dma2 semaphore(%arg28 : memref<!tpu.dma_semaphore, #tpu.memory_space<semaphore_mem>>) src(%dma_wait3A_288 : memref<16x1024xf32, #tpu.memory_space<hbm>>) dst(%arg20 : memref<16x1024xf32, #tpu.memory_space<vmem>>)
    %add3A_289 = arith.constant 96 : i32
    %add3A_290 = arith.addi %mul3A_2, %add3A_289 : i32
    %get3A_291 = arith.index_cast %add3A_290 : i32 to index
    %get3A_292 = tpu.vector_load %arg12[%get3A_291] {strides = array<i32>} : memref<256xi32, #tpu.memory_space<vmem>>, vector<16xi32>,
    %dma_start3A_293 = arith.constant 0 : i32
    %dma_start3A_294 = arith.constant 0 : i32
    %dma_start3A_295 = tpu.memref_slice %arg4[%dma_start3A_293, %dma_start3A_294] : memref<12288x1024xf32, #tpu.memory_space<hbm>> -> memref<12288x1024xf32, #tpu.memory_space<hbm>>
    tpu.enqueue_indirect_dma source(%arg20 : memref<16x1024xf32, #tpu.memory_space<vmem>>) target(%dma_start3A_295 : memref<12288x1024xf32, #tpu.memory_space<hbm>>) offsets(%get3A_292 : vector<16xi32>) semaphore(%arg35 : memref<!tpu.dma_semaphore, #tpu.memory_space<semaphore_mem>>)
    %dma_wait3A_296 = arith.constant 0 : i32
    %dma_wait3A_297 = tpu.memref_slice %arg3[%add3A_236, %dma_wait3A_296] : memref<4096x1024xf32, #tpu.memory_space<hbm>> -> memref<16x1024xf32, #tpu.memory_space<hbm>>
    %dma_wait3A_298 = arith.constant 0 : i32
    %dma_wait3A_299 = tpu.memref_slice %arg3[%add3A_236, %dma_wait3A_298] : memref<4096x1024xf32, #tpu.memory_space<hbm>> -> memref<16x1024xf32, #tpu.memory_space<hbm>>
    tpu.wait_dma2 semaphore(%arg22 : memref<!tpu.dma_semaphore, #tpu.memory_space<semaphore_mem>>) src(%dma_wait3A_299 : memref<16x1024xf32, #tpu.memory_space<hbm>>) dst(%arg14 : memref<16x1024xf32, #tpu.memory_space<vmem>>)
    %add3A_300 = arith.constant 112 : i32
    %add3A_301 = arith.addi %mul3A_2, %add3A_300 : i32
    %get3A_302 = arith.index_cast %add3A_301 : i32 to index
    %get3A_303 = tpu.vector_load %arg12[%get3A_302] {strides = array<i32>} : memref<256xi32, #tpu.memory_space<vmem>>, vector<16xi32>,
    %dma_start3A_304 = arith.constant 0 : i32
    %dma_start3A_305 = arith.constant 0 : i32
    %dma_start3A_306 = tpu.memref_slice %arg4[%dma_start3A_304, %dma_start3A_305] : memref<12288x1024xf32, #tpu.memory_space<hbm>> -> memref<12288x1024xf32, #tpu.memory_space<hbm>>
    tpu.enqueue_indirect_dma source(%arg14 : memref<16x1024xf32, #tpu.memory_space<vmem>>) target(%dma_start3A_306 : memref<12288x1024xf32, #tpu.memory_space<hbm>>) offsets(%get3A_303 : vector<16xi32>) semaphore(%arg29 : memref<!tpu.dma_semaphore, #tpu.memory_space<semaphore_mem>>)
    %dma_wait3A_307 = arith.constant 0 : i32
    %dma_wait3A_308 = arith.constant 0 : i32
    %dma_wait3A_309 = tpu.memref_slice %arg4[%dma_wait3A_307, %dma_wait3A_308] : memref<12288x1024xf32, #tpu.memory_space<hbm>> -> memref<12288x1024xf32, #tpu.memory_space<hbm>>
    tpu.wait_indirect_dma semaphore(%arg30 : memref<!tpu.dma_semaphore, #tpu.memory_space<semaphore_mem>>) src(%arg15 : memref<16x1024xf32, #tpu.memory_space<vmem>>) dst(%dma_wait3A_309 : memref<12288x1024xf32, #tpu.memory_space<hbm>>)
    %dma_wait3A_310 = arith.constant 0 : i32
    %dma_wait3A_311 = arith.constant 0 : i32
    %dma_wait3A_312 = tpu.memref_slice %arg4[%dma_wait3A_310, %dma_wait3A_311] : memref<12288x1024xf32, #tpu.memory_space<hbm>> -> memref<12288x1024xf32, #tpu.memory_space<hbm>>
    tpu.wait_indirect_dma semaphore(%arg31 : memref<!tpu.dma_semaphore, #tpu.memory_space<semaphore_mem>>) src(%arg16 : memref<16x1024xf32, #tpu.memory_space<vmem>>) dst(%dma_wait3A_312 : memref<12288x1024xf32, #tpu.memory_space<hbm>>)
    %dma_wait3A_313 = arith.constant 0 : i32
    %dma_wait3A_314 = arith.constant 0 : i32
    %dma_wait3A_315 = tpu.memref_slice %arg4[%dma_wait3A_313, %dma_wait3A_314] : memref<12288x1024xf32, #tpu.memory_space<hbm>> -> memref<12288x1024xf32, #tpu.memory_space<hbm>>
    tpu.wait_indirect_dma semaphore(%arg32 : memref<!tpu.dma_semaphore, #tpu.memory_space<semaphore_mem>>) src(%arg17 : memref<16x1024xf32, #tpu.memory_space<vmem>>) dst(%dma_wait3A_315 : memref<12288x1024xf32, #tpu.memory_space<hbm>>)
    %dma_wait3A_316 = arith.constant 0 : i32
    %dma_wait3A_317 = arith.constant 0 : i32
    %dma_wait3A_318 = tpu.memref_slice %arg4[%dma_wait3A_316, %dma_wait3A_317] : memref<12288x1024xf32, #tpu.memory_space<hbm>> -> memref<12288x1024xf32, #tpu.memory_space<hbm>>
    tpu.wait_indirect_dma semaphore(%arg33 : memref<!tpu.dma_semaphore, #tpu.memory_space<semaphore_mem>>) src(%arg18 : memref<16x1024xf32, #tpu.memory_space<vmem>>) dst(%dma_wait3A_318 : memref<12288x1024xf32, #tpu.memory_space<hbm>>)
    %dma_wait3A_319 = arith.constant 0 : i32
    %dma_wait3A_320 = arith.constant 0 : i32
    %dma_wait3A_321 = tpu.memref_slice %arg4[%dma_wait3A_319, %dma_wait3A_320] : memref<12288x1024xf32, #tpu.memory_space<hbm>> -> memref<12288x1024xf32, #tpu.memory_space<hbm>>
    tpu.wait_indirect_dma semaphore(%arg34 : memref<!tpu.dma_semaphore, #tpu.memory_space<semaphore_mem>>) src(%arg19 : memref<16x1024xf32, #tpu.memory_space<vmem>>) dst(%dma_wait3A_321 : memref<12288x1024xf32, #tpu.memory_space<hbm>>)
    %dma_wait3A_322 = arith.constant 0 : i32
    %dma_wait3A_323 = arith.constant 0 : i32
    %dma_wait3A_324 = tpu.memref_slice %arg4[%dma_wait3A_322, %dma_wait3A_323] : memref<12288x1024xf32, #tpu.memory_space<hbm>> -> memref<12288x1024xf32, #tpu.memory_space<hbm>>
    tpu.wait_indirect_dma semaphore(%arg35 : memref<!tpu.dma_semaphore, #tpu.memory_space<semaphore_mem>>) src(%arg20 : memref<16x1024xf32, #tpu.memory_space<vmem>>) dst(%dma_wait3A_324 : memref<12288x1024xf32, #tpu.memory_space<hbm>>)
    %dma_wait3A_325 = arith.constant 0 : i32
    %dma_wait3A_326 = arith.constant 0 : i32
    %dma_wait3A_327 = tpu.memref_slice %arg4[%dma_wait3A_325, %dma_wait3A_326] : memref<12288x1024xf32, #tpu.memory_space<hbm>> -> memref<12288x1024xf32, #tpu.memory_space<hbm>>
    tpu.wait_indirect_dma semaphore(%arg29 : memref<!tpu.dma_semaphore, #tpu.memory_space<semaphore_mem>>) src(%arg14 : memref<16x1024xf32, #tpu.memory_space<vmem>>) dst(%dma_wait3A_327 : memref<12288x1024xf32, #tpu.memory_space<hbm>>)
    %dma_wait3A_328 = tpu.memref_slice %arg12[%mul3A_2] : memref<256xi32, #tpu.memory_space<vmem>> -> memref<128xi32, #tpu.memory_space<vmem>>
    %dma_wait3A_329 = tpu.memref_slice %arg5[%add3A_205] : memref<4096xi32, #tpu.memory_space<hbm>> -> memref<128xi32, #tpu.memory_space<hbm>>
    %dma_wait3A_330 = tpu.memref_slice %arg5[%add3A_205] : memref<4096xi32, #tpu.memory_space<hbm>> -> memref<128xi32, #tpu.memory_space<hbm>>
    %dma_wait3A_331 = tpu.memref_slice %arg12[%mul3A_2] : memref<256xi32, #tpu.memory_space<vmem>> -> memref<128xi32, #tpu.memory_space<vmem>>
    tpu.wait_dma2 semaphore(%arg36 : memref<!tpu.dma_semaphore, #tpu.memory_space<semaphore_mem>>) src(%dma_wait3A_331 : memref<128xi32, #tpu.memory_space<vmem>>) dst(%dma_wait3A_330 : memref<128xi32, #tpu.memory_space<hbm>>)
    %eq3A = arith.constant 0 : i32
    %eq3A_332 = arith.cmpi eq, %arg1, %eq3A : i32
    %eq3A_333 = arith.constant 0 : i32
    %eq3A_334 = arith.cmpi eq, %arg0, %eq3A_333 : i32
    %and3A = arith.andi %eq3A_332, %eq3A_334 : i1
    %convert_element_type3A = arith.extui %and3A : i1 to i32
    %cond3A = arith.constant 0 : i32
    %cond3A_335 = arith.cmpi ne, %convert_element_type3A, %cond3A : i32
    scf.if %cond3A_335 {
      %shift_right_arithmetic3A_336 = arith.constant 9 : i32
      %shift_right_arithmetic3A_337 = vector.broadcast %shift_right_arithmetic3A_336 : i32 to vector<16xi32>
      %shift_right_arithmetic3A_338 = arith.shrsi %masked_cumsum3A, %shift_right_arithmetic3A_337 : vector<16xi32>
      %add3A_339 = arith.constant 0 : i32
      %add3A_340 = vector.broadcast %add3A_339 : i32 to vector<16xi32>
      %add3A_341 = arith.addi %iota3A, %add3A_340 : vector<16xi32>
      %broadcast_in_dim3A_342 = arith.constant 0 : i32
      %broadcast_in_dim3A_343 = vector.broadcast %broadcast_in_dim3A_342 : i32 to vector<16xi32>
      %eq3A_344 = arith.constant 0 : i32
      %eq3A_345 = vector.broadcast %eq3A_344 : i32 to vector<16xi32>
      %eq3A_346 = arith.cmpi eq, %iota3A, %eq3A_345 : vector<16xi32>
      %jit3A = arith.constant 0 : i32
      %broadcast_in_dim3A_347 = vector.broadcast %jit3A : i32 to vector<16xi32>
      %select_n3A = arith.select %eq3A_346, %shift_right_arithmetic3A_338, %broadcast_in_dim3A_347 : vector<16xi1>, vector<16xi32>
      %reduce_sum3A = arith.constant true
      %reduce_sum3A_348 = vector.broadcast %reduce_sum3A : i1 to vector<16xi1>
      %reduce_sum3A_349 = tpu.scan <sum>, %select_n3A masked %reduce_sum3A_348 : vector<16xi32>, vector<16xi1> -> vector<16xi32>
      %reduce_sum3A_350 = vector.extract %reduce_sum3A_349[15] : i32 from vector<16xi32>
      %le3A = vector.broadcast %reduce_sum3A_350 : i32 to vector<16xi32>
      %le3A_351 = arith.cmpi sle, %le3A, %add3A_341 : vector<16xi32>
      %convert_element_type3A_352 = arith.extui %le3A_351 : vector<16xi1> to vector<16xi32>
      %add3A_353 = arith.addi %broadcast_in_dim3A_343, %convert_element_type3A_352 : vector<16xi32>
      %eq3A_354 = arith.constant 1 : i32
      %eq3A_355 = vector.broadcast %eq3A_354 : i32 to vector<16xi32>
      %eq3A_356 = arith.cmpi eq, %iota3A, %eq3A_355 : vector<16xi32>
      %jit3A_357 = arith.constant 0 : i32
      %broadcast_in_dim3A_358 = vector.broadcast %jit3A_357 : i32 to vector<16xi32>
      %select_n3A_359 = arith.select %eq3A_356, %shift_right_arithmetic3A_338, %broadcast_in_dim3A_358 : vector<16xi1>, vector<16xi32>
      %reduce_sum3A_360 = arith.constant true
      %reduce_sum3A_361 = vector.broadcast %reduce_sum3A_360 : i1 to vector<16xi1>
      %reduce_sum3A_362 = tpu.scan <sum>, %select_n3A_359 masked %reduce_sum3A_361 : vector<16xi32>, vector<16xi1> -> vector<16xi32>
      %reduce_sum3A_363 = vector.extract %reduce_sum3A_362[15] : i32 from vector<16xi32>
      %le3A_364 = vector.broadcast %reduce_sum3A_363 : i32 to vector<16xi32>
      %le3A_365 = arith.cmpi sle, %le3A_364, %add3A_341 : vector<16xi32>
      %convert_element_type3A_366 = arith.extui %le3A_365 : vector<16xi1> to vector<16xi32>
      %add3A_367 = arith.addi %add3A_353, %convert_element_type3A_366 : vector<16xi32>
      %eq3A_368 = arith.constant 2 : i32
      %eq3A_369 = vector.broadcast %eq3A_368 : i32 to vector<16xi32>
      %eq3A_370 = arith.cmpi eq, %iota3A, %eq3A_369 : vector<16xi32>
      %jit3A_371 = arith.constant 0 : i32
      %broadcast_in_dim3A_372 = vector.broadcast %jit3A_371 : i32 to vector<16xi32>
      %select_n3A_373 = arith.select %eq3A_370, %shift_right_arithmetic3A_338, %broadcast_in_dim3A_372 : vector<16xi1>, vector<16xi32>
      %reduce_sum3A_374 = arith.constant true
      %reduce_sum3A_375 = vector.broadcast %reduce_sum3A_374 : i1 to vector<16xi1>
      %reduce_sum3A_376 = tpu.scan <sum>, %select_n3A_373 masked %reduce_sum3A_375 : vector<16xi32>, vector<16xi1> -> vector<16xi32>
      %reduce_sum3A_377 = vector.extract %reduce_sum3A_376[15] : i32 from vector<16xi32>
      %le3A_378 = vector.broadcast %reduce_sum3A_377 : i32 to vector<16xi32>
      %le3A_379 = arith.cmpi sle, %le3A_378, %add3A_341 : vector<16xi32>
      %convert_element_type3A_380 = arith.extui %le3A_379 : vector<16xi1> to vector<16xi32>
      %add3A_381 = arith.addi %add3A_367, %convert_element_type3A_380 : vector<16xi32>
      %eq3A_382 = arith.constant 3 : i32
      %eq3A_383 = vector.broadcast %eq3A_382 : i32 to vector<16xi32>
      %eq3A_384 = arith.cmpi eq, %iota3A, %eq3A_383 : vector<16xi32>
      %jit3A_385 = arith.constant 0 : i32
      %broadcast_in_dim3A_386 = vector.broadcast %jit3A_385 : i32 to vector<16xi32>
      %select_n3A_387 = arith.select %eq3A_384, %shift_right_arithmetic3A_338, %broadcast_in_dim3A_386 : vector<16xi1>, vector<16xi32>
      %reduce_sum3A_388 = arith.constant true
      %reduce_sum3A_389 = vector.broadcast %reduce_sum3A_388 : i1 to vector<16xi1>
      %reduce_sum3A_390 = tpu.scan <sum>, %select_n3A_387 masked %reduce_sum3A_389 : vector<16xi32>, vector<16xi1> -> vector<16xi32>
      %reduce_sum3A_391 = vector.extract %reduce_sum3A_390[15] : i32 from vector<16xi32>
      %le3A_392 = vector.broadcast %reduce_sum3A_391 : i32 to vector<16xi32>
      %le3A_393 = arith.cmpi sle, %le3A_392, %add3A_341 : vector<16xi32>
      %convert_element_type3A_394 = arith.extui %le3A_393 : vector<16xi1> to vector<16xi32>
      %add3A_395 = arith.addi %add3A_381, %convert_element_type3A_394 : vector<16xi32>
      %eq3A_396 = arith.constant 4 : i32
      %eq3A_397 = vector.broadcast %eq3A_396 : i32 to vector<16xi32>
      %eq3A_398 = arith.cmpi eq, %iota3A, %eq3A_397 : vector<16xi32>
      %jit3A_399 = arith.constant 0 : i32
      %broadcast_in_dim3A_400 = vector.broadcast %jit3A_399 : i32 to vector<16xi32>
      %select_n3A_401 = arith.select %eq3A_398, %shift_right_arithmetic3A_338, %broadcast_in_dim3A_400 : vector<16xi1>, vector<16xi32>
      %reduce_sum3A_402 = arith.constant true
      %reduce_sum3A_403 = vector.broadcast %reduce_sum3A_402 : i1 to vector<16xi1>
      %reduce_sum3A_404 = tpu.scan <sum>, %select_n3A_401 masked %reduce_sum3A_403 : vector<16xi32>, vector<16xi1> -> vector<16xi32>
      %reduce_sum3A_405 = vector.extract %reduce_sum3A_404[15] : i32 from vector<16xi32>
      %le3A_406 = vector.broadcast %reduce_sum3A_405 : i32 to vector<16xi32>
      %le3A_407 = arith.cmpi sle, %le3A_406, %add3A_341 : vector<16xi32>
      %convert_element_type3A_408 = arith.extui %le3A_407 : vector<16xi1> to vector<16xi32>
      %add3A_409 = arith.addi %add3A_395, %convert_element_type3A_408 : vector<16xi32>
      %eq3A_410 = arith.constant 5 : i32
      %eq3A_411 = vector.broadcast %eq3A_410 : i32 to vector<16xi32>
      %eq3A_412 = arith.cmpi eq, %iota3A, %eq3A_411 : vector<16xi32>
      %jit3A_413 = arith.constant 0 : i32
      %broadcast_in_dim3A_414 = vector.broadcast %jit3A_413 : i32 to vector<16xi32>
      %select_n3A_415 = arith.select %eq3A_412, %shift_right_arithmetic3A_338, %broadcast_in_dim3A_414 : vector<16xi1>, vector<16xi32>
      %reduce_sum3A_416 = arith.constant true
      %reduce_sum3A_417 = vector.broadcast %reduce_sum3A_416 : i1 to vector<16xi1>
      %reduce_sum3A_418 = tpu.scan <sum>, %select_n3A_415 masked %reduce_sum3A_417 : vector<16xi32>, vector<16xi1> -> vector<16xi32>
      %reduce_sum3A_419 = vector.extract %reduce_sum3A_418[15] : i32 from vector<16xi32>
      %le3A_420 = vector.broadcast %reduce_sum3A_419 : i32 to vector<16xi32>
      %le3A_421 = arith.cmpi sle, %le3A_420, %add3A_341 : vector<16xi32>
      %convert_element_type3A_422 = arith.extui %le3A_421 : vector<16xi1> to vector<16xi32>
      %add3A_423 = arith.addi %add3A_409, %convert_element_type3A_422 : vector<16xi32>
      %eq3A_424 = arith.constant 6 : i32
      %eq3A_425 = vector.broadcast %eq3A_424 : i32 to vector<16xi32>
      %eq3A_426 = arith.cmpi eq, %iota3A, %eq3A_425 : vector<16xi32>
      %jit3A_427 = arith.constant 0 : i32
      %broadcast_in_dim3A_428 = vector.broadcast %jit3A_427 : i32 to vector<16xi32>
      %select_n3A_429 = arith.select %eq3A_426, %shift_right_arithmetic3A_338, %broadcast_in_dim3A_428 : vector<16xi1>, vector<16xi32>
      %reduce_sum3A_430 = arith.constant true
      %reduce_sum3A_431 = vector.broadcast %reduce_sum3A_430 : i1 to vector<16xi1>
      %reduce_sum3A_432 = tpu.scan <sum>, %select_n3A_429 masked %reduce_sum3A_431 : vector<16xi32>, vector<16xi1> -> vector<16xi32>
      %reduce_sum3A_433 = vector.extract %reduce_sum3A_432[15] : i32 from vector<16xi32>
      %le3A_434 = vector.broadcast %reduce_sum3A_433 : i32 to vector<16xi32>
      %le3A_435 = arith.cmpi sle, %le3A_434, %add3A_341 : vector<16xi32>
      %convert_element_type3A_436 = arith.extui %le3A_435 : vector<16xi1> to vector<16xi32>
      %add3A_437 = arith.addi %add3A_423, %convert_element_type3A_436 : vector<16xi32>
      %eq3A_438 = arith.constant 7 : i32
      %eq3A_439 = vector.broadcast %eq3A_438 : i32 to vector<16xi32>
      %eq3A_440 = arith.cmpi eq, %iota3A, %eq3A_439 : vector<16xi32>
      %jit3A_441 = arith.constant 0 : i32
      %broadcast_in_dim3A_442 = vector.broadcast %jit3A_441 : i32 to vector<16xi32>
      %select_n3A_443 = arith.select %eq3A_440, %shift_right_arithmetic3A_338, %broadcast_in_dim3A_442 : vector<16xi1>, vector<16xi32>
      %reduce_sum3A_444 = arith.constant true
      %reduce_sum3A_445 = vector.broadcast %reduce_sum3A_444 : i1 to vector<16xi1>
      %reduce_sum3A_446 = tpu.scan <sum>, %select_n3A_443 masked %reduce_sum3A_445 : vector<16xi32>, vector<16xi1> -> vector<16xi32>
      %reduce_sum3A_447 = vector.extract %reduce_sum3A_446[15] : i32 from vector<16xi32>
      %le3A_448 = vector.broadcast %reduce_sum3A_447 : i32 to vector<16xi32>
      %le3A_449 = arith.cmpi sle, %le3A_448, %add3A_341 : vector<16xi32>
      %convert_element_type3A_450 = arith.extui %le3A_449 : vector<16xi1> to vector<16xi32>
      %add3A_451 = arith.addi %add3A_437, %convert_element_type3A_450 : vector<16xi32>
      %eq3A_452 = arith.constant 8 : i32
      %eq3A_453 = vector.broadcast %eq3A_452 : i32 to vector<16xi32>
      %eq3A_454 = arith.cmpi eq, %iota3A, %eq3A_453 : vector<16xi32>
      %jit3A_455 = arith.constant 0 : i32
      %broadcast_in_dim3A_456 = vector.broadcast %jit3A_455 : i32 to vector<16xi32>
      %select_n3A_457 = arith.select %eq3A_454, %shift_right_arithmetic3A_338, %broadcast_in_dim3A_456 : vector<16xi1>, vector<16xi32>
      %reduce_sum3A_458 = arith.constant true
      %reduce_sum3A_459 = vector.broadcast %reduce_sum3A_458 : i1 to vector<16xi1>
      %reduce_sum3A_460 = tpu.scan <sum>, %select_n3A_457 masked %reduce_sum3A_459 : vector<16xi32>, vector<16xi1> -> vector<16xi32>
      %reduce_sum3A_461 = vector.extract %reduce_sum3A_460[15] : i32 from vector<16xi32>
      %le3A_462 = vector.broadcast %reduce_sum3A_461 : i32 to vector<16xi32>
      %le3A_463 = arith.cmpi sle, %le3A_462, %add3A_341 : vector<16xi32>
      %convert_element_type3A_464 = arith.extui %le3A_463 : vector<16xi1> to vector<16xi32>
      %add3A_465 = arith.addi %add3A_451, %convert_element_type3A_464 : vector<16xi32>
      %eq3A_466 = arith.constant 9 : i32
      %eq3A_467 = vector.broadcast %eq3A_466 : i32 to vector<16xi32>
      %eq3A_468 = arith.cmpi eq, %iota3A, %eq3A_467 : vector<16xi32>
      %jit3A_469 = arith.constant 0 : i32
      %broadcast_in_dim3A_470 = vector.broadcast %jit3A_469 : i32 to vector<16xi32>
      %select_n3A_471 = arith.select %eq3A_468, %shift_right_arithmetic3A_338, %broadcast_in_dim3A_470 : vector<16xi1>, vector<16xi32>
      %reduce_sum3A_472 = arith.constant true
      %reduce_sum3A_473 = vector.broadcast %reduce_sum3A_472 : i1 to vector<16xi1>
      %reduce_sum3A_474 = tpu.scan <sum>, %select_n3A_471 masked %reduce_sum3A_473 : vector<16xi32>, vector<16xi1> -> vector<16xi32>
      %reduce_sum3A_475 = vector.extract %reduce_sum3A_474[15] : i32 from vector<16xi32>
      %le3A_476 = vector.broadcast %reduce_sum3A_475 : i32 to vector<16xi32>
      %le3A_477 = arith.cmpi sle, %le3A_476, %add3A_341 : vector<16xi32>
      %convert_element_type3A_478 = arith.extui %le3A_477 : vector<16xi1> to vector<16xi32>
      %add3A_479 = arith.addi %add3A_465, %convert_element_type3A_478 : vector<16xi32>
      %eq3A_480 = arith.constant 10 : i32
      %eq3A_481 = vector.broadcast %eq3A_480 : i32 to vector<16xi32>
      %eq3A_482 = arith.cmpi eq, %iota3A, %eq3A_481 : vector<16xi32>
      %jit3A_483 = arith.constant 0 : i32
      %broadcast_in_dim3A_484 = vector.broadcast %jit3A_483 : i32 to vector<16xi32>
      %select_n3A_485 = arith.select %eq3A_482, %shift_right_arithmetic3A_338, %broadcast_in_dim3A_484 : vector<16xi1>, vector<16xi32>
      %reduce_sum3A_486 = arith.constant true
      %reduce_sum3A_487 = vector.broadcast %reduce_sum3A_486 : i1 to vector<16xi1>
      %reduce_sum3A_488 = tpu.scan <sum>, %select_n3A_485 masked %reduce_sum3A_487 : vector<16xi32>, vector<16xi1> -> vector<16xi32>
      %reduce_sum3A_489 = vector.extract %reduce_sum3A_488[15] : i32 from vector<16xi32>
      %le3A_490 = vector.broadcast %reduce_sum3A_489 : i32 to vector<16xi32>
      %le3A_491 = arith.cmpi sle, %le3A_490, %add3A_341 : vector<16xi32>
      %convert_element_type3A_492 = arith.extui %le3A_491 : vector<16xi1> to vector<16xi32>
      %add3A_493 = arith.addi %add3A_479, %convert_element_type3A_492 : vector<16xi32>
      %eq3A_494 = arith.constant 11 : i32
      %eq3A_495 = vector.broadcast %eq3A_494 : i32 to vector<16xi32>
      %eq3A_496 = arith.cmpi eq, %iota3A, %eq3A_495 : vector<16xi32>
      %jit3A_497 = arith.constant 0 : i32
      %broadcast_in_dim3A_498 = vector.broadcast %jit3A_497 : i32 to vector<16xi32>
      %select_n3A_499 = arith.select %eq3A_496, %shift_right_arithmetic3A_338, %broadcast_in_dim3A_498 : vector<16xi1>, vector<16xi32>
      %reduce_sum3A_500 = arith.constant true
      %reduce_sum3A_501 = vector.broadcast %reduce_sum3A_500 : i1 to vector<16xi1>
      %reduce_sum3A_502 = tpu.scan <sum>, %select_n3A_499 masked %reduce_sum3A_501 : vector<16xi32>, vector<16xi1> -> vector<16xi32>
      %reduce_sum3A_503 = vector.extract %reduce_sum3A_502[15] : i32 from vector<16xi32>
      %le3A_504 = vector.broadcast %reduce_sum3A_503 : i32 to vector<16xi32>
      %le3A_505 = arith.cmpi sle, %le3A_504, %add3A_341 : vector<16xi32>
      %convert_element_type3A_506 = arith.extui %le3A_505 : vector<16xi1> to vector<16xi32>
      %add3A_507 = arith.addi %add3A_493, %convert_element_type3A_506 : vector<16xi32>
      %eq3A_508 = arith.constant 12 : i32
      %eq3A_509 = vector.broadcast %eq3A_508 : i32 to vector<16xi32>
      %eq3A_510 = arith.cmpi eq, %iota3A, %eq3A_509 : vector<16xi32>
      %jit3A_511 = arith.constant 0 : i32
      %broadcast_in_dim3A_512 = vector.broadcast %jit3A_511 : i32 to vector<16xi32>
      %select_n3A_513 = arith.select %eq3A_510, %shift_right_arithmetic3A_338, %broadcast_in_dim3A_512 : vector<16xi1>, vector<16xi32>
      %reduce_sum3A_514 = arith.constant true
      %reduce_sum3A_515 = vector.broadcast %reduce_sum3A_514 : i1 to vector<16xi1>
      %reduce_sum3A_516 = tpu.scan <sum>, %select_n3A_513 masked %reduce_sum3A_515 : vector<16xi32>, vector<16xi1> -> vector<16xi32>
      %reduce_sum3A_517 = vector.extract %reduce_sum3A_516[15] : i32 from vector<16xi32>
      %le3A_518 = vector.broadcast %reduce_sum3A_517 : i32 to vector<16xi32>
      %le3A_519 = arith.cmpi sle, %le3A_518, %add3A_341 : vector<16xi32>
      %convert_element_type3A_520 = arith.extui %le3A_519 : vector<16xi1> to vector<16xi32>
      %add3A_521 = arith.addi %add3A_507, %convert_element_type3A_520 : vector<16xi32>
      %eq3A_522 = arith.constant 13 : i32
      %eq3A_523 = vector.broadcast %eq3A_522 : i32 to vector<16xi32>
      %eq3A_524 = arith.cmpi eq, %iota3A, %eq3A_523 : vector<16xi32>
      %jit3A_525 = arith.constant 0 : i32
      %broadcast_in_dim3A_526 = vector.broadcast %jit3A_525 : i32 to vector<16xi32>
      %select_n3A_527 = arith.select %eq3A_524, %shift_right_arithmetic3A_338, %broadcast_in_dim3A_526 : vector<16xi1>, vector<16xi32>
      %reduce_sum3A_528 = arith.constant true
      %reduce_sum3A_529 = vector.broadcast %reduce_sum3A_528 : i1 to vector<16xi1>
      %reduce_sum3A_530 = tpu.scan <sum>, %select_n3A_527 masked %reduce_sum3A_529 : vector<16xi32>, vector<16xi1> -> vector<16xi32>
      %reduce_sum3A_531 = vector.extract %reduce_sum3A_530[15] : i32 from vector<16xi32>
      %le3A_532 = vector.broadcast %reduce_sum3A_531 : i32 to vector<16xi32>
      %le3A_533 = arith.cmpi sle, %le3A_532, %add3A_341 : vector<16xi32>
      %convert_element_type3A_534 = arith.extui %le3A_533 : vector<16xi1> to vector<16xi32>
      %add3A_535 = arith.addi %add3A_521, %convert_element_type3A_534 : vector<16xi32>
      %eq3A_536 = arith.constant 14 : i32
      %eq3A_537 = vector.broadcast %eq3A_536 : i32 to vector<16xi32>
      %eq3A_538 = arith.cmpi eq, %iota3A, %eq3A_537 : vector<16xi32>
      %jit3A_539 = arith.constant 0 : i32
      %broadcast_in_dim3A_540 = vector.broadcast %jit3A_539 : i32 to vector<16xi32>
      %select_n3A_541 = arith.select %eq3A_538, %shift_right_arithmetic3A_338, %broadcast_in_dim3A_540 : vector<16xi1>, vector<16xi32>
      %reduce_sum3A_542 = arith.constant true
      %reduce_sum3A_543 = vector.broadcast %reduce_sum3A_542 : i1 to vector<16xi1>
      %reduce_sum3A_544 = tpu.scan <sum>, %select_n3A_541 masked %reduce_sum3A_543 : vector<16xi32>, vector<16xi1> -> vector<16xi32>
      %reduce_sum3A_545 = vector.extract %reduce_sum3A_544[15] : i32 from vector<16xi32>
      %le3A_546 = vector.broadcast %reduce_sum3A_545 : i32 to vector<16xi32>
      %le3A_547 = arith.cmpi sle, %le3A_546, %add3A_341 : vector<16xi32>
      %convert_element_type3A_548 = arith.extui %le3A_547 : vector<16xi1> to vector<16xi32>
      %add3A_549 = arith.addi %add3A_535, %convert_element_type3A_548 : vector<16xi32>
      %eq3A_550 = arith.constant 15 : i32
      %eq3A_551 = vector.broadcast %eq3A_550 : i32 to vector<16xi32>
      %eq3A_552 = arith.cmpi eq, %iota3A, %eq3A_551 : vector<16xi32>
      %jit3A_553 = arith.constant 0 : i32
      %broadcast_in_dim3A_554 = vector.broadcast %jit3A_553 : i32 to vector<16xi32>
      %select_n3A_555 = arith.select %eq3A_552, %shift_right_arithmetic3A_338, %broadcast_in_dim3A_554 : vector<16xi1>, vector<16xi32>
      %reduce_sum3A_556 = arith.constant true
      %reduce_sum3A_557 = vector.broadcast %reduce_sum3A_556 : i1 to vector<16xi1>
      %reduce_sum3A_558 = tpu.scan <sum>, %select_n3A_555 masked %reduce_sum3A_557 : vector<16xi32>, vector<16xi1> -> vector<16xi32>
      %reduce_sum3A_559 = vector.extract %reduce_sum3A_558[15] : i32 from vector<16xi32>
      %le3A_560 = vector.broadcast %reduce_sum3A_559 : i32 to vector<16xi32>
      %le3A_561 = arith.cmpi sle, %le3A_560, %add3A_341 : vector<16xi32>
      %convert_element_type3A_562 = arith.extui %le3A_561 : vector<16xi1> to vector<16xi32>
      %add3A_563 = arith.addi %add3A_549, %convert_element_type3A_562 : vector<16xi32>
      %min3A = arith.constant 15 : i32
      %min3A_564 = vector.broadcast %min3A : i32 to vector<16xi32>
      %min3A_565 = arith.minsi %add3A_563, %min3A_564 : vector<16xi32>
      %swap3A_566 = arith.constant 0 : index
      %swap3A_567 = tpu.vector_load %arg13[%swap3A_566] {strides = array<i32>} : memref<48xi32, #tpu.memory_space<vmem>>, vector<16xi32>,
      tpu.vector_store %arg13[%swap3A_566], %min3A_565 {strides = array<i32>} : memref<48xi32, #tpu.memory_space<vmem>>, vector<16xi32>,
      %add3A_568 = arith.constant 16 : i32
      %add3A_569 = vector.broadcast %add3A_568 : i32 to vector<16xi32>
      %add3A_570 = arith.addi %iota3A, %add3A_569 : vector<16xi32>
      %broadcast_in_dim3A_571 = arith.constant 0 : i32
      %broadcast_in_dim3A_572 = vector.broadcast %broadcast_in_dim3A_571 : i32 to vector<16xi32>
      %eq3A_573 = arith.constant 0 : i32
      %eq3A_574 = vector.broadcast %eq3A_573 : i32 to vector<16xi32>
      %eq3A_575 = arith.cmpi eq, %iota3A, %eq3A_574 : vector<16xi32>
      %jit3A_576 = arith.constant 0 : i32
      %broadcast_in_dim3A_577 = vector.broadcast %jit3A_576 : i32 to vector<16xi32>
      %select_n3A_578 = arith.select %eq3A_575, %shift_right_arithmetic3A_338, %broadcast_in_dim3A_577 : vector<16xi1>, vector<16xi32>
      %reduce_sum3A_579 = arith.constant true
      %reduce_sum3A_580 = vector.broadcast %reduce_sum3A_579 : i1 to vector<16xi1>
      %reduce_sum3A_581 = tpu.scan <sum>, %select_n3A_578 masked %reduce_sum3A_580 : vector<16xi32>, vector<16xi1> -> vector<16xi32>
      %reduce_sum3A_582 = vector.extract %reduce_sum3A_581[15] : i32 from vector<16xi32>
      %le3A_583 = vector.broadcast %reduce_sum3A_582 : i32 to vector<16xi32>
      %le3A_584 = arith.cmpi sle, %le3A_583, %add3A_570 : vector<16xi32>
      %convert_element_type3A_585 = arith.extui %le3A_584 : vector<16xi1> to vector<16xi32>
      %add3A_586 = arith.addi %broadcast_in_dim3A_572, %convert_element_type3A_585 : vector<16xi32>
      %eq3A_587 = arith.constant 1 : i32
      %eq3A_588 = vector.broadcast %eq3A_587 : i32 to vector<16xi32>
      %eq3A_589 = arith.cmpi eq, %iota3A, %eq3A_588 : vector<16xi32>
      %jit3A_590 = arith.constant 0 : i32
      %broadcast_in_dim3A_591 = vector.broadcast %jit3A_590 : i32 to vector<16xi32>
      %select_n3A_592 = arith.select %eq3A_589, %shift_right_arithmetic3A_338, %broadcast_in_dim3A_591 : vector<16xi1>, vector<16xi32>
      %reduce_sum3A_593 = arith.constant true
      %reduce_sum3A_594 = vector.broadcast %reduce_sum3A_593 : i1 to vector<16xi1>
      %reduce_sum3A_595 = tpu.scan <sum>, %select_n3A_592 masked %reduce_sum3A_594 : vector<16xi32>, vector<16xi1> -> vector<16xi32>
      %reduce_sum3A_596 = vector.extract %reduce_sum3A_595[15] : i32 from vector<16xi32>
      %le3A_597 = vector.broadcast %reduce_sum3A_596 : i32 to vector<16xi32>
      %le3A_598 = arith.cmpi sle, %le3A_597, %add3A_570 : vector<16xi32>
      %convert_element_type3A_599 = arith.extui %le3A_598 : vector<16xi1> to vector<16xi32>
      %add3A_600 = arith.addi %add3A_586, %convert_element_type3A_599 : vector<16xi32>
      %eq3A_601 = arith.constant 2 : i32
      %eq3A_602 = vector.broadcast %eq3A_601 : i32 to vector<16xi32>
      %eq3A_603 = arith.cmpi eq, %iota3A, %eq3A_602 : vector<16xi32>
      %jit3A_604 = arith.constant 0 : i32
      %broadcast_in_dim3A_605 = vector.broadcast %jit3A_604 : i32 to vector<16xi32>
      %select_n3A_606 = arith.select %eq3A_603, %shift_right_arithmetic3A_338, %broadcast_in_dim3A_605 : vector<16xi1>, vector<16xi32>
      %reduce_sum3A_607 = arith.constant true
      %reduce_sum3A_608 = vector.broadcast %reduce_sum3A_607 : i1 to vector<16xi1>
      %reduce_sum3A_609 = tpu.scan <sum>, %select_n3A_606 masked %reduce_sum3A_608 : vector<16xi32>, vector<16xi1> -> vector<16xi32>
      %reduce_sum3A_610 = vector.extract %reduce_sum3A_609[15] : i32 from vector<16xi32>
      %le3A_611 = vector.broadcast %reduce_sum3A_610 : i32 to vector<16xi32>
      %le3A_612 = arith.cmpi sle, %le3A_611, %add3A_570 : vector<16xi32>
      %convert_element_type3A_613 = arith.extui %le3A_612 : vector<16xi1> to vector<16xi32>
      %add3A_614 = arith.addi %add3A_600, %convert_element_type3A_613 : vector<16xi32>
      %eq3A_615 = arith.constant 3 : i32
      %eq3A_616 = vector.broadcast %eq3A_615 : i32 to vector<16xi32>
      %eq3A_617 = arith.cmpi eq, %iota3A, %eq3A_616 : vector<16xi32>
      %jit3A_618 = arith.constant 0 : i32
      %broadcast_in_dim3A_619 = vector.broadcast %jit3A_618 : i32 to vector<16xi32>
      %select_n3A_620 = arith.select %eq3A_617, %shift_right_arithmetic3A_338, %broadcast_in_dim3A_619 : vector<16xi1>, vector<16xi32>
      %reduce_sum3A_621 = arith.constant true
      %reduce_sum3A_622 = vector.broadcast %reduce_sum3A_621 : i1 to vector<16xi1>
      %reduce_sum3A_623 = tpu.scan <sum>, %select_n3A_620 masked %reduce_sum3A_622 : vector<16xi32>, vector<16xi1> -> vector<16xi32>
      %reduce_sum3A_624 = vector.extract %reduce_sum3A_623[15] : i32 from vector<16xi32>
      %le3A_625 = vector.broadcast %reduce_sum3A_624 : i32 to vector<16xi32>
      %le3A_626 = arith.cmpi sle, %le3A_625, %add3A_570 : vector<16xi32>
      %convert_element_type3A_627 = arith.extui %le3A_626 : vector<16xi1> to vector<16xi32>
      %add3A_628 = arith.addi %add3A_614, %convert_element_type3A_627 : vector<16xi32>
      %eq3A_629 = arith.constant 4 : i32
      %eq3A_630 = vector.broadcast %eq3A_629 : i32 to vector<16xi32>
      %eq3A_631 = arith.cmpi eq, %iota3A, %eq3A_630 : vector<16xi32>
      %jit3A_632 = arith.constant 0 : i32
      %broadcast_in_dim3A_633 = vector.broadcast %jit3A_632 : i32 to vector<16xi32>
      %select_n3A_634 = arith.select %eq3A_631, %shift_right_arithmetic3A_338, %broadcast_in_dim3A_633 : vector<16xi1>, vector<16xi32>
      %reduce_sum3A_635 = arith.constant true
      %reduce_sum3A_636 = vector.broadcast %reduce_sum3A_635 : i1 to vector<16xi1>
      %reduce_sum3A_637 = tpu.scan <sum>, %select_n3A_634 masked %reduce_sum3A_636 : vector<16xi32>, vector<16xi1> -> vector<16xi32>
      %reduce_sum3A_638 = vector.extract %reduce_sum3A_637[15] : i32 from vector<16xi32>
      %le3A_639 = vector.broadcast %reduce_sum3A_638 : i32 to vector<16xi32>
      %le3A_640 = arith.cmpi sle, %le3A_639, %add3A_570 : vector<16xi32>
      %convert_element_type3A_641 = arith.extui %le3A_640 : vector<16xi1> to vector<16xi32>
      %add3A_642 = arith.addi %add3A_628, %convert_element_type3A_641 : vector<16xi32>
      %eq3A_643 = arith.constant 5 : i32
      %eq3A_644 = vector.broadcast %eq3A_643 : i32 to vector<16xi32>
      %eq3A_645 = arith.cmpi eq, %iota3A, %eq3A_644 : vector<16xi32>
      %jit3A_646 = arith.constant 0 : i32
      %broadcast_in_dim3A_647 = vector.broadcast %jit3A_646 : i32 to vector<16xi32>
      %select_n3A_648 = arith.select %eq3A_645, %shift_right_arithmetic3A_338, %broadcast_in_dim3A_647 : vector<16xi1>, vector<16xi32>
      %reduce_sum3A_649 = arith.constant true
      %reduce_sum3A_650 = vector.broadcast %reduce_sum3A_649 : i1 to vector<16xi1>
      %reduce_sum3A_651 = tpu.scan <sum>, %select_n3A_648 masked %reduce_sum3A_650 : vector<16xi32>, vector<16xi1> -> vector<16xi32>
      %reduce_sum3A_652 = vector.extract %reduce_sum3A_651[15] : i32 from vector<16xi32>
      %le3A_653 = vector.broadcast %reduce_sum3A_652 : i32 to vector<16xi32>
      %le3A_654 = arith.cmpi sle, %le3A_653, %add3A_570 : vector<16xi32>
      %convert_element_type3A_655 = arith.extui %le3A_654 : vector<16xi1> to vector<16xi32>
      %add3A_656 = arith.addi %add3A_642, %convert_element_type3A_655 : vector<16xi32>
      %eq3A_657 = arith.constant 6 : i32
      %eq3A_658 = vector.broadcast %eq3A_657 : i32 to vector<16xi32>
      %eq3A_659 = arith.cmpi eq, %iota3A, %eq3A_658 : vector<16xi32>
      %jit3A_660 = arith.constant 0 : i32
      %broadcast_in_dim3A_661 = vector.broadcast %jit3A_660 : i32 to vector<16xi32>
      %select_n3A_662 = arith.select %eq3A_659, %shift_right_arithmetic3A_338, %broadcast_in_dim3A_661 : vector<16xi1>, vector<16xi32>
      %reduce_sum3A_663 = arith.constant true
      %reduce_sum3A_664 = vector.broadcast %reduce_sum3A_663 : i1 to vector<16xi1>
      %reduce_sum3A_665 = tpu.scan <sum>, %select_n3A_662 masked %reduce_sum3A_664 : vector<16xi32>, vector<16xi1> -> vector<16xi32>
      %reduce_sum3A_666 = vector.extract %reduce_sum3A_665[15] : i32 from vector<16xi32>
      %le3A_667 = vector.broadcast %reduce_sum3A_666 : i32 to vector<16xi32>
      %le3A_668 = arith.cmpi sle, %le3A_667, %add3A_570 : vector<16xi32>
      %convert_element_type3A_669 = arith.extui %le3A_668 : vector<16xi1> to vector<16xi32>
      %add3A_670 = arith.addi %add3A_656, %convert_element_type3A_669 : vector<16xi32>
      %eq3A_671 = arith.constant 7 : i32
      %eq3A_672 = vector.broadcast %eq3A_671 : i32 to vector<16xi32>
      %eq3A_673 = arith.cmpi eq, %iota3A, %eq3A_672 : vector<16xi32>
      %jit3A_674 = arith.constant 0 : i32
      %broadcast_in_dim3A_675 = vector.broadcast %jit3A_674 : i32 to vector<16xi32>
      %select_n3A_676 = arith.select %eq3A_673, %shift_right_arithmetic3A_338, %broadcast_in_dim3A_675 : vector<16xi1>, vector<16xi32>
      %reduce_sum3A_677 = arith.constant true
      %reduce_sum3A_678 = vector.broadcast %reduce_sum3A_677 : i1 to vector<16xi1>
      %reduce_sum3A_679 = tpu.scan <sum>, %select_n3A_676 masked %reduce_sum3A_678 : vector<16xi32>, vector<16xi1> -> vector<16xi32>
      %reduce_sum3A_680 = vector.extract %reduce_sum3A_679[15] : i32 from vector<16xi32>
      %le3A_681 = vector.broadcast %reduce_sum3A_680 : i32 to vector<16xi32>
      %le3A_682 = arith.cmpi sle, %le3A_681, %add3A_570 : vector<16xi32>
      %convert_element_type3A_683 = arith.extui %le3A_682 : vector<16xi1> to vector<16xi32>
      %add3A_684 = arith.addi %add3A_670, %convert_element_type3A_683 : vector<16xi32>
      %eq3A_685 = arith.constant 8 : i32
      %eq3A_686 = vector.broadcast %eq3A_685 : i32 to vector<16xi32>
      %eq3A_687 = arith.cmpi eq, %iota3A, %eq3A_686 : vector<16xi32>
      %jit3A_688 = arith.constant 0 : i32
      %broadcast_in_dim3A_689 = vector.broadcast %jit3A_688 : i32 to vector<16xi32>
      %select_n3A_690 = arith.select %eq3A_687, %shift_right_arithmetic3A_338, %broadcast_in_dim3A_689 : vector<16xi1>, vector<16xi32>
      %reduce_sum3A_691 = arith.constant true
      %reduce_sum3A_692 = vector.broadcast %reduce_sum3A_691 : i1 to vector<16xi1>
      %reduce_sum3A_693 = tpu.scan <sum>, %select_n3A_690 masked %reduce_sum3A_692 : vector<16xi32>, vector<16xi1> -> vector<16xi32>
      %reduce_sum3A_694 = vector.extract %reduce_sum3A_693[15] : i32 from vector<16xi32>
      %le3A_695 = vector.broadcast %reduce_sum3A_694 : i32 to vector<16xi32>
      %le3A_696 = arith.cmpi sle, %le3A_695, %add3A_570 : vector<16xi32>
      %convert_element_type3A_697 = arith.extui %le3A_696 : vector<16xi1> to vector<16xi32>
      %add3A_698 = arith.addi %add3A_684, %convert_element_type3A_697 : vector<16xi32>
      %eq3A_699 = arith.constant 9 : i32
      %eq3A_700 = vector.broadcast %eq3A_699 : i32 to vector<16xi32>
      %eq3A_701 = arith.cmpi eq, %iota3A, %eq3A_700 : vector<16xi32>
      %jit3A_702 = arith.constant 0 : i32
      %broadcast_in_dim3A_703 = vector.broadcast %jit3A_702 : i32 to vector<16xi32>
      %select_n3A_704 = arith.select %eq3A_701, %shift_right_arithmetic3A_338, %broadcast_in_dim3A_703 : vector<16xi1>, vector<16xi32>
      %reduce_sum3A_705 = arith.constant true
      %reduce_sum3A_706 = vector.broadcast %reduce_sum3A_705 : i1 to vector<16xi1>
      %reduce_sum3A_707 = tpu.scan <sum>, %select_n3A_704 masked %reduce_sum3A_706 : vector<16xi32>, vector<16xi1> -> vector<16xi32>
      %reduce_sum3A_708 = vector.extract %reduce_sum3A_707[15] : i32 from vector<16xi32>
      %le3A_709 = vector.broadcast %reduce_sum3A_708 : i32 to vector<16xi32>
      %le3A_710 = arith.cmpi sle, %le3A_709, %add3A_570 : vector<16xi32>
      %convert_element_type3A_711 = arith.extui %le3A_710 : vector<16xi1> to vector<16xi32>
      %add3A_712 = arith.addi %add3A_698, %convert_element_type3A_711 : vector<16xi32>
      %eq3A_713 = arith.constant 10 : i32
      %eq3A_714 = vector.broadcast %eq3A_713 : i32 to vector<16xi32>
      %eq3A_715 = arith.cmpi eq, %iota3A, %eq3A_714 : vector<16xi32>
      %jit3A_716 = arith.constant 0 : i32
      %broadcast_in_dim3A_717 = vector.broadcast %jit3A_716 : i32 to vector<16xi32>
      %select_n3A_718 = arith.select %eq3A_715, %shift_right_arithmetic3A_338, %broadcast_in_dim3A_717 : vector<16xi1>, vector<16xi32>
      %reduce_sum3A_719 = arith.constant true
      %reduce_sum3A_720 = vector.broadcast %reduce_sum3A_719 : i1 to vector<16xi1>
      %reduce_sum3A_721 = tpu.scan <sum>, %select_n3A_718 masked %reduce_sum3A_720 : vector<16xi32>, vector<16xi1> -> vector<16xi32>
      %reduce_sum3A_722 = vector.extract %reduce_sum3A_721[15] : i32 from vector<16xi32>
      %le3A_723 = vector.broadcast %reduce_sum3A_722 : i32 to vector<16xi32>
      %le3A_724 = arith.cmpi sle, %le3A_723, %add3A_570 : vector<16xi32>
      %convert_element_type3A_725 = arith.extui %le3A_724 : vector<16xi1> to vector<16xi32>
      %add3A_726 = arith.addi %add3A_712, %convert_element_type3A_725 : vector<16xi32>
      %eq3A_727 = arith.constant 11 : i32
      %eq3A_728 = vector.broadcast %eq3A_727 : i32 to vector<16xi32>
      %eq3A_729 = arith.cmpi eq, %iota3A, %eq3A_728 : vector<16xi32>
      %jit3A_730 = arith.constant 0 : i32
      %broadcast_in_dim3A_731 = vector.broadcast %jit3A_730 : i32 to vector<16xi32>
      %select_n3A_732 = arith.select %eq3A_729, %shift_right_arithmetic3A_338, %broadcast_in_dim3A_731 : vector<16xi1>, vector<16xi32>
      %reduce_sum3A_733 = arith.constant true
      %reduce_sum3A_734 = vector.broadcast %reduce_sum3A_733 : i1 to vector<16xi1>
      %reduce_sum3A_735 = tpu.scan <sum>, %select_n3A_732 masked %reduce_sum3A_734 : vector<16xi32>, vector<16xi1> -> vector<16xi32>
      %reduce_sum3A_736 = vector.extract %reduce_sum3A_735[15] : i32 from vector<16xi32>
      %le3A_737 = vector.broadcast %reduce_sum3A_736 : i32 to vector<16xi32>
      %le3A_738 = arith.cmpi sle, %le3A_737, %add3A_570 : vector<16xi32>
      %convert_element_type3A_739 = arith.extui %le3A_738 : vector<16xi1> to vector<16xi32>
      %add3A_740 = arith.addi %add3A_726, %convert_element_type3A_739 : vector<16xi32>
      %eq3A_741 = arith.constant 12 : i32
      %eq3A_742 = vector.broadcast %eq3A_741 : i32 to vector<16xi32>
      %eq3A_743 = arith.cmpi eq, %iota3A, %eq3A_742 : vector<16xi32>
      %jit3A_744 = arith.constant 0 : i32
      %broadcast_in_dim3A_745 = vector.broadcast %jit3A_744 : i32 to vector<16xi32>
      %select_n3A_746 = arith.select %eq3A_743, %shift_right_arithmetic3A_338, %broadcast_in_dim3A_745 : vector<16xi1>, vector<16xi32>
      %reduce_sum3A_747 = arith.constant true
      %reduce_sum3A_748 = vector.broadcast %reduce_sum3A_747 : i1 to vector<16xi1>
      %reduce_sum3A_749 = tpu.scan <sum>, %select_n3A_746 masked %reduce_sum3A_748 : vector<16xi32>, vector<16xi1> -> vector<16xi32>
      %reduce_sum3A_750 = vector.extract %reduce_sum3A_749[15] : i32 from vector<16xi32>
      %le3A_751 = vector.broadcast %reduce_sum3A_750 : i32 to vector<16xi32>
      %le3A_752 = arith.cmpi sle, %le3A_751, %add3A_570 : vector<16xi32>
      %convert_element_type3A_753 = arith.extui %le3A_752 : vector<16xi1> to vector<16xi32>
      %add3A_754 = arith.addi %add3A_740, %convert_element_type3A_753 : vector<16xi32>
      %eq3A_755 = arith.constant 13 : i32
      %eq3A_756 = vector.broadcast %eq3A_755 : i32 to vector<16xi32>
      %eq3A_757 = arith.cmpi eq, %iota3A, %eq3A_756 : vector<16xi32>
      %jit3A_758 = arith.constant 0 : i32
      %broadcast_in_dim3A_759 = vector.broadcast %jit3A_758 : i32 to vector<16xi32>
      %select_n3A_760 = arith.select %eq3A_757, %shift_right_arithmetic3A_338, %broadcast_in_dim3A_759 : vector<16xi1>, vector<16xi32>
      %reduce_sum3A_761 = arith.constant true
      %reduce_sum3A_762 = vector.broadcast %reduce_sum3A_761 : i1 to vector<16xi1>
      %reduce_sum3A_763 = tpu.scan <sum>, %select_n3A_760 masked %reduce_sum3A_762 : vector<16xi32>, vector<16xi1> -> vector<16xi32>
      %reduce_sum3A_764 = vector.extract %reduce_sum3A_763[15] : i32 from vector<16xi32>
      %le3A_765 = vector.broadcast %reduce_sum3A_764 : i32 to vector<16xi32>
      %le3A_766 = arith.cmpi sle, %le3A_765, %add3A_570 : vector<16xi32>
      %convert_element_type3A_767 = arith.extui %le3A_766 : vector<16xi1> to vector<16xi32>
      %add3A_768 = arith.addi %add3A_754, %convert_element_type3A_767 : vector<16xi32>
      %eq3A_769 = arith.constant 14 : i32
      %eq3A_770 = vector.broadcast %eq3A_769 : i32 to vector<16xi32>
      %eq3A_771 = arith.cmpi eq, %iota3A, %eq3A_770 : vector<16xi32>
      %jit3A_772 = arith.constant 0 : i32
      %broadcast_in_dim3A_773 = vector.broadcast %jit3A_772 : i32 to vector<16xi32>
      %select_n3A_774 = arith.select %eq3A_771, %shift_right_arithmetic3A_338, %broadcast_in_dim3A_773 : vector<16xi1>, vector<16xi32>
      %reduce_sum3A_775 = arith.constant true
      %reduce_sum3A_776 = vector.broadcast %reduce_sum3A_775 : i1 to vector<16xi1>
      %reduce_sum3A_777 = tpu.scan <sum>, %select_n3A_774 masked %reduce_sum3A_776 : vector<16xi32>, vector<16xi1> -> vector<16xi32>
      %reduce_sum3A_778 = vector.extract %reduce_sum3A_777[15] : i32 from vector<16xi32>
      %le3A_779 = vector.broadcast %reduce_sum3A_778 : i32 to vector<16xi32>
      %le3A_780 = arith.cmpi sle, %le3A_779, %add3A_570 : vector<16xi32>
      %convert_element_type3A_781 = arith.extui %le3A_780 : vector<16xi1> to vector<16xi32>
      %add3A_782 = arith.addi %add3A_768, %convert_element_type3A_781 : vector<16xi32>
      %eq3A_783 = arith.constant 15 : i32
      %eq3A_784 = vector.broadcast %eq3A_783 : i32 to vector<16xi32>
      %eq3A_785 = arith.cmpi eq, %iota3A, %eq3A_784 : vector<16xi32>
      %jit3A_786 = arith.constant 0 : i32
      %broadcast_in_dim3A_787 = vector.broadcast %jit3A_786 : i32 to vector<16xi32>
      %select_n3A_788 = arith.select %eq3A_785, %shift_right_arithmetic3A_338, %broadcast_in_dim3A_787 : vector<16xi1>, vector<16xi32>
      %reduce_sum3A_789 = arith.constant true
      %reduce_sum3A_790 = vector.broadcast %reduce_sum3A_789 : i1 to vector<16xi1>
      %reduce_sum3A_791 = tpu.scan <sum>, %select_n3A_788 masked %reduce_sum3A_790 : vector<16xi32>, vector<16xi1> -> vector<16xi32>
      %reduce_sum3A_792 = vector.extract %reduce_sum3A_791[15] : i32 from vector<16xi32>
      %le3A_793 = vector.broadcast %reduce_sum3A_792 : i32 to vector<16xi32>
      %le3A_794 = arith.cmpi sle, %le3A_793, %add3A_570 : vector<16xi32>
      %convert_element_type3A_795 = arith.extui %le3A_794 : vector<16xi1> to vector<16xi32>
      %add3A_796 = arith.addi %add3A_782, %convert_element_type3A_795 : vector<16xi32>
      %min3A_797 = arith.constant 15 : i32
      %min3A_798 = vector.broadcast %min3A_797 : i32 to vector<16xi32>
      %min3A_799 = arith.minsi %add3A_796, %min3A_798 : vector<16xi32>
      %swap3A_800 = arith.constant 16 : index
      %swap3A_801 = tpu.vector_load %arg13[%swap3A_800] {strides = array<i32>} : memref<48xi32, #tpu.memory_space<vmem>>, vector<16xi32>,
      tpu.vector_store %arg13[%swap3A_800], %min3A_799 {strides = array<i32>} : memref<48xi32, #tpu.memory_space<vmem>>, vector<16xi32>,
      %eq3A_802 = arith.constant 15 : i32
      %eq3A_803 = vector.broadcast %eq3A_802 : i32 to vector<16xi32>
      %eq3A_804 = arith.cmpi eq, %iota3A, %eq3A_803 : vector<16xi32>
      %jit3A_805 = arith.constant 0 : i32
      %broadcast_in_dim3A_806 = vector.broadcast %jit3A_805 : i32 to vector<16xi32>
      %select_n3A_807 = arith.select %eq3A_804, %shift_right_arithmetic3A_338, %broadcast_in_dim3A_806 : vector<16xi1>, vector<16xi32>
      %reduce_sum3A_808 = arith.constant true
      %reduce_sum3A_809 = vector.broadcast %reduce_sum3A_808 : i1 to vector<16xi1>
      %reduce_sum3A_810 = tpu.scan <sum>, %select_n3A_807 masked %reduce_sum3A_809 : vector<16xi32>, vector<16xi1> -> vector<16xi32>
      %reduce_sum3A_811 = vector.extract %reduce_sum3A_810[15] : i32 from vector<16xi32>
      %eq3A_812 = arith.constant 0 : i32
      %eq3A_813 = vector.broadcast %eq3A_812 : i32 to vector<16xi32>
      %eq3A_814 = arith.cmpi eq, %iota3A, %eq3A_813 : vector<16xi32>
      %jit3A_815 = arith.constant 0 : i32
      %broadcast_in_dim3A_816 = vector.broadcast %reduce_sum3A_811 : i32 to vector<16xi32>
      %broadcast_in_dim3A_817 = vector.broadcast %jit3A_815 : i32 to vector<16xi32>
      %select_n3A_818 = arith.select %eq3A_814, %broadcast_in_dim3A_816, %broadcast_in_dim3A_817 : vector<16xi1>, vector<16xi32>
      %swap3A_819 = arith.constant 32 : index
      %swap3A_820 = tpu.vector_load %arg13[%swap3A_819] {strides = array<i32>} : memref<48xi32, #tpu.memory_space<vmem>>, vector<16xi32>,
      tpu.vector_store %arg13[%swap3A_819], %select_n3A_818 {strides = array<i32>} : memref<48xi32, #tpu.memory_space<vmem>>, vector<16xi32>,
      "tpu.region"() ({
        %run_scoped3A = tpu.sem_alloc : memref<!tpu.dma_semaphore, #tpu.memory_space<semaphore_mem>>
        tpu.enqueue_dma source(%arg13 : memref<48xi32, #tpu.memory_space<vmem>>) target(%arg6 : memref<48xi32, #tpu.memory_space<hbm>>) target_semaphore(%run_scoped3A : memref<!tpu.dma_semaphore, #tpu.memory_space<semaphore_mem>>)
        tpu.wait_dma2 semaphore(%run_scoped3A : memref<!tpu.dma_semaphore, #tpu.memory_space<semaphore_mem>>) src(%arg13 : memref<48xi32, #tpu.memory_space<vmem>>) dst(%arg6 : memref<48xi32, #tpu.memory_space<hbm>>)
        tpu.yield
      }) : () -> ()
    } else {
    }
    return
  }
}

#map = affine_map<(d0, d1) -> (0)>
#map1 = affine_map<(d0, d1) -> (0, 0)>
module attributes {stable_mosaic.version = 14 : i64} {
  func.func @_gather_body(%arg0: i32, %arg1: i32, %arg2: memref<4096xi32, #tpu.memory_space<hbm>>, %arg3: memref<12288x1024xf32, #tpu.memory_space<hbm>>, %arg4: memref<4096x1024xf32, #tpu.memory_space<hbm>>, %arg5: memref<128xi32, #tpu.memory_space<vmem>>, %arg6: memref<16x1024xf32, #tpu.memory_space<vmem>>, %arg7: memref<16x1024xf32, #tpu.memory_space<vmem>>, %arg8: memref<16x1024xf32, #tpu.memory_space<vmem>>, %arg9: memref<16x1024xf32, #tpu.memory_space<vmem>>, %arg10: memref<16x1024xf32, #tpu.memory_space<vmem>>, %arg11: memref<16x1024xf32, #tpu.memory_space<vmem>>, %arg12: memref<16x1024xf32, #tpu.memory_space<vmem>>, %arg13: memref<!tpu.dma_semaphore, #tpu.memory_space<semaphore_mem>>, %arg14: memref<!tpu.dma_semaphore, #tpu.memory_space<semaphore_mem>>, %arg15: memref<!tpu.dma_semaphore, #tpu.memory_space<semaphore_mem>>, %arg16: memref<!tpu.dma_semaphore, #tpu.memory_space<semaphore_mem>>, %arg17: memref<!tpu.dma_semaphore, #tpu.memory_space<semaphore_mem>>, %arg18: memref<!tpu.dma_semaphore, #tpu.memory_space<semaphore_mem>>, %arg19: memref<!tpu.dma_semaphore, #tpu.memory_space<semaphore_mem>>, %arg20: memref<!tpu.dma_semaphore, #tpu.memory_space<semaphore_mem>>, %arg21: memref<!tpu.dma_semaphore, #tpu.memory_space<semaphore_mem>>, %arg22: memref<!tpu.dma_semaphore, #tpu.memory_space<semaphore_mem>>, %arg23: memref<!tpu.dma_semaphore, #tpu.memory_space<semaphore_mem>>, %arg24: memref<!tpu.dma_semaphore, #tpu.memory_space<semaphore_mem>>, %arg25: memref<!tpu.dma_semaphore, #tpu.memory_space<semaphore_mem>>, %arg26: memref<!tpu.dma_semaphore, #tpu.memory_space<semaphore_mem>>) attributes {dimension_semantics = [#tpu.dimension_semantics<core_parallel>, #tpu.dimension_semantics<subcore_parallel>], iteration_bounds = array<i64: 2, 16>, scalar_prefetch = 0 : i64, scratch_operands = 22 : i64, tpu.core_type = #tpu.core_type<sc_vector_subcore>, window_params = [{transform_indices = #map}, {transform_indices = #map1}, {transform_indices = #map1}]} {
    %mul3A = arith.constant 2 : i32
    %mul3A_0 = arith.muli %arg1, %mul3A : i32
    %add3A = arith.addi %mul3A_0, %arg0 : i32
    %mul3A_1 = arith.constant 128 : i32
    %mul3A_2 = arith.muli %add3A, %mul3A_1 : i32
    "tpu.region"() ({
      %run_scoped3A = tpu.sem_alloc : memref<!tpu.dma_semaphore, #tpu.memory_space<semaphore_mem>>
      %dma_start3A_144 = tpu.memref_slice %arg2[%mul3A_2] : memref<4096xi32, #tpu.memory_space<hbm>> -> memref<128xi32, #tpu.memory_space<hbm>>
      %dma_start3A_145 = tpu.memref_slice %arg2[%mul3A_2] : memref<4096xi32, #tpu.memory_space<hbm>> -> memref<128xi32, #tpu.memory_space<hbm>>
      tpu.enqueue_dma source(%dma_start3A_145 : memref<128xi32, #tpu.memory_space<hbm>>) target(%arg5 : memref<128xi32, #tpu.memory_space<vmem>>) target_semaphore(%run_scoped3A : memref<!tpu.dma_semaphore, #tpu.memory_space<semaphore_mem>>)
      %dma_wait3A_146 = tpu.memref_slice %arg2[%mul3A_2] : memref<4096xi32, #tpu.memory_space<hbm>> -> memref<128xi32, #tpu.memory_space<hbm>>
      %dma_wait3A_147 = tpu.memref_slice %arg2[%mul3A_2] : memref<4096xi32, #tpu.memory_space<hbm>> -> memref<128xi32, #tpu.memory_space<hbm>>
      tpu.wait_dma2 semaphore(%run_scoped3A : memref<!tpu.dma_semaphore, #tpu.memory_space<semaphore_mem>>) src(%dma_wait3A_147 : memref<128xi32, #tpu.memory_space<hbm>>) dst(%arg5 : memref<128xi32, #tpu.memory_space<vmem>>)
      tpu.yield
    }) : () -> ()
    %get3A = arith.constant 0 : index
    %get3A_3 = tpu.vector_load %arg5[%get3A] {strides = array<i32>} : memref<128xi32, #tpu.memory_space<vmem>>, vector<16xi32>,
    %dma_start3A = arith.constant 0 : i32
    %dma_start3A_4 = arith.constant 0 : i32
    %dma_start3A_5 = tpu.memref_slice %arg3[%dma_start3A, %dma_start3A_4] : memref<12288x1024xf32, #tpu.memory_space<hbm>> -> memref<12288x1024xf32, #tpu.memory_space<hbm>>
    tpu.enqueue_indirect_dma source(%dma_start3A_5 : memref<12288x1024xf32, #tpu.memory_space<hbm>>) target(%arg6 : memref<16x1024xf32, #tpu.memory_space<vmem>>) offsets(%get3A_3 : vector<16xi32>) semaphore(%arg13 : memref<!tpu.dma_semaphore, #tpu.memory_space<semaphore_mem>>)
    %get3A_6 = arith.constant 16 : index
    %get3A_7 = tpu.vector_load %arg5[%get3A_6] {strides = array<i32>} : memref<128xi32, #tpu.memory_space<vmem>>, vector<16xi32>,
    %dma_start3A_8 = arith.constant 0 : i32
    %dma_start3A_9 = arith.constant 0 : i32
    %dma_start3A_10 = tpu.memref_slice %arg3[%dma_start3A_8, %dma_start3A_9] : memref<12288x1024xf32, #tpu.memory_space<hbm>> -> memref<12288x1024xf32, #tpu.memory_space<hbm>>
    tpu.enqueue_indirect_dma source(%dma_start3A_10 : memref<12288x1024xf32, #tpu.memory_space<hbm>>) target(%arg7 : memref<16x1024xf32, #tpu.memory_space<vmem>>) offsets(%get3A_7 : vector<16xi32>) semaphore(%arg14 : memref<!tpu.dma_semaphore, #tpu.memory_space<semaphore_mem>>)
    %get3A_11 = arith.constant 32 : index
    %get3A_12 = tpu.vector_load %arg5[%get3A_11] {strides = array<i32>} : memref<128xi32, #tpu.memory_space<vmem>>, vector<16xi32>,
    %dma_start3A_13 = arith.constant 0 : i32
    %dma_start3A_14 = arith.constant 0 : i32
    %dma_start3A_15 = tpu.memref_slice %arg3[%dma_start3A_13, %dma_start3A_14] : memref<12288x1024xf32, #tpu.memory_space<hbm>> -> memref<12288x1024xf32, #tpu.memory_space<hbm>>
    tpu.enqueue_indirect_dma source(%dma_start3A_15 : memref<12288x1024xf32, #tpu.memory_space<hbm>>) target(%arg8 : memref<16x1024xf32, #tpu.memory_space<vmem>>) offsets(%get3A_12 : vector<16xi32>) semaphore(%arg15 : memref<!tpu.dma_semaphore, #tpu.memory_space<semaphore_mem>>)
    %get3A_16 = arith.constant 48 : index
    %get3A_17 = tpu.vector_load %arg5[%get3A_16] {strides = array<i32>} : memref<128xi32, #tpu.memory_space<vmem>>, vector<16xi32>,
    %dma_start3A_18 = arith.constant 0 : i32
    %dma_start3A_19 = arith.constant 0 : i32
    %dma_start3A_20 = tpu.memref_slice %arg3[%dma_start3A_18, %dma_start3A_19] : memref<12288x1024xf32, #tpu.memory_space<hbm>> -> memref<12288x1024xf32, #tpu.memory_space<hbm>>
    tpu.enqueue_indirect_dma source(%dma_start3A_20 : memref<12288x1024xf32, #tpu.memory_space<hbm>>) target(%arg9 : memref<16x1024xf32, #tpu.memory_space<vmem>>) offsets(%get3A_17 : vector<16xi32>) semaphore(%arg16 : memref<!tpu.dma_semaphore, #tpu.memory_space<semaphore_mem>>)
    %get3A_21 = arith.constant 64 : index
    %get3A_22 = tpu.vector_load %arg5[%get3A_21] {strides = array<i32>} : memref<128xi32, #tpu.memory_space<vmem>>, vector<16xi32>,
    %dma_start3A_23 = arith.constant 0 : i32
    %dma_start3A_24 = arith.constant 0 : i32
    %dma_start3A_25 = tpu.memref_slice %arg3[%dma_start3A_23, %dma_start3A_24] : memref<12288x1024xf32, #tpu.memory_space<hbm>> -> memref<12288x1024xf32, #tpu.memory_space<hbm>>
    tpu.enqueue_indirect_dma source(%dma_start3A_25 : memref<12288x1024xf32, #tpu.memory_space<hbm>>) target(%arg10 : memref<16x1024xf32, #tpu.memory_space<vmem>>) offsets(%get3A_22 : vector<16xi32>) semaphore(%arg17 : memref<!tpu.dma_semaphore, #tpu.memory_space<semaphore_mem>>)
    %get3A_26 = arith.constant 80 : index
    %get3A_27 = tpu.vector_load %arg5[%get3A_26] {strides = array<i32>} : memref<128xi32, #tpu.memory_space<vmem>>, vector<16xi32>,
    %dma_start3A_28 = arith.constant 0 : i32
    %dma_start3A_29 = arith.constant 0 : i32
    %dma_start3A_30 = tpu.memref_slice %arg3[%dma_start3A_28, %dma_start3A_29] : memref<12288x1024xf32, #tpu.memory_space<hbm>> -> memref<12288x1024xf32, #tpu.memory_space<hbm>>
    tpu.enqueue_indirect_dma source(%dma_start3A_30 : memref<12288x1024xf32, #tpu.memory_space<hbm>>) target(%arg11 : memref<16x1024xf32, #tpu.memory_space<vmem>>) offsets(%get3A_27 : vector<16xi32>) semaphore(%arg18 : memref<!tpu.dma_semaphore, #tpu.memory_space<semaphore_mem>>)
    %get3A_31 = arith.constant 96 : index
    %get3A_32 = tpu.vector_load %arg5[%get3A_31] {strides = array<i32>} : memref<128xi32, #tpu.memory_space<vmem>>, vector<16xi32>,
    %dma_start3A_33 = arith.constant 0 : i32
    %dma_start3A_34 = arith.constant 0 : i32
    %dma_start3A_35 = tpu.memref_slice %arg3[%dma_start3A_33, %dma_start3A_34] : memref<12288x1024xf32, #tpu.memory_space<hbm>> -> memref<12288x1024xf32, #tpu.memory_space<hbm>>
    tpu.enqueue_indirect_dma source(%dma_start3A_35 : memref<12288x1024xf32, #tpu.memory_space<hbm>>) target(%arg12 : memref<16x1024xf32, #tpu.memory_space<vmem>>) offsets(%get3A_32 : vector<16xi32>) semaphore(%arg19 : memref<!tpu.dma_semaphore, #tpu.memory_space<semaphore_mem>>)
    %dma_wait3A = arith.constant 0 : i32
    %dma_wait3A_36 = arith.constant 0 : i32
    %dma_wait3A_37 = tpu.memref_slice %arg3[%dma_wait3A, %dma_wait3A_36] : memref<12288x1024xf32, #tpu.memory_space<hbm>> -> memref<12288x1024xf32, #tpu.memory_space<hbm>>
    tpu.wait_indirect_dma semaphore(%arg13 : memref<!tpu.dma_semaphore, #tpu.memory_space<semaphore_mem>>) src(%dma_wait3A_37 : memref<12288x1024xf32, #tpu.memory_space<hbm>>) dst(%arg6 : memref<16x1024xf32, #tpu.memory_space<vmem>>)
    %add3A_38 = arith.constant 0 : i32
    %add3A_39 = arith.addi %mul3A_2, %add3A_38 : i32
    %dma_start3A_40 = arith.constant 0 : i32
    %dma_start3A_41 = tpu.memref_slice %arg4[%add3A_39, %dma_start3A_40] : memref<4096x1024xf32, #tpu.memory_space<hbm>> -> memref<16x1024xf32, #tpu.memory_space<hbm>>
    %dma_start3A_42 = arith.constant 0 : i32
    %dma_start3A_43 = tpu.memref_slice %arg4[%add3A_39, %dma_start3A_42] : memref<4096x1024xf32, #tpu.memory_space<hbm>> -> memref<16x1024xf32, #tpu.memory_space<hbm>>
    tpu.enqueue_dma source(%arg6 : memref<16x1024xf32, #tpu.memory_space<vmem>>) target(%dma_start3A_43 : memref<16x1024xf32, #tpu.memory_space<hbm>>) target_semaphore(%arg20 : memref<!tpu.dma_semaphore, #tpu.memory_space<semaphore_mem>>)
    %dma_wait3A_44 = arith.constant 0 : i32
    %dma_wait3A_45 = arith.constant 0 : i32
    %dma_wait3A_46 = tpu.memref_slice %arg3[%dma_wait3A_44, %dma_wait3A_45] : memref<12288x1024xf32, #tpu.memory_space<hbm>> -> memref<12288x1024xf32, #tpu.memory_space<hbm>>
    tpu.wait_indirect_dma semaphore(%arg14 : memref<!tpu.dma_semaphore, #tpu.memory_space<semaphore_mem>>) src(%dma_wait3A_46 : memref<12288x1024xf32, #tpu.memory_space<hbm>>) dst(%arg7 : memref<16x1024xf32, #tpu.memory_space<vmem>>)
    %add3A_47 = arith.constant 16 : i32
    %add3A_48 = arith.addi %mul3A_2, %add3A_47 : i32
    %dma_start3A_49 = arith.constant 0 : i32
    %dma_start3A_50 = tpu.memref_slice %arg4[%add3A_48, %dma_start3A_49] : memref<4096x1024xf32, #tpu.memory_space<hbm>> -> memref<16x1024xf32, #tpu.memory_space<hbm>>
    %dma_start3A_51 = arith.constant 0 : i32
    %dma_start3A_52 = tpu.memref_slice %arg4[%add3A_48, %dma_start3A_51] : memref<4096x1024xf32, #tpu.memory_space<hbm>> -> memref<16x1024xf32, #tpu.memory_space<hbm>>
    tpu.enqueue_dma source(%arg7 : memref<16x1024xf32, #tpu.memory_space<vmem>>) target(%dma_start3A_52 : memref<16x1024xf32, #tpu.memory_space<hbm>>) target_semaphore(%arg21 : memref<!tpu.dma_semaphore, #tpu.memory_space<semaphore_mem>>)
    %dma_wait3A_53 = arith.constant 0 : i32
    %dma_wait3A_54 = tpu.memref_slice %arg4[%add3A_39, %dma_wait3A_53] : memref<4096x1024xf32, #tpu.memory_space<hbm>> -> memref<16x1024xf32, #tpu.memory_space<hbm>>
    %dma_wait3A_55 = arith.constant 0 : i32
    %dma_wait3A_56 = tpu.memref_slice %arg4[%add3A_39, %dma_wait3A_55] : memref<4096x1024xf32, #tpu.memory_space<hbm>> -> memref<16x1024xf32, #tpu.memory_space<hbm>>
    tpu.wait_dma2 semaphore(%arg20 : memref<!tpu.dma_semaphore, #tpu.memory_space<semaphore_mem>>) src(%arg6 : memref<16x1024xf32, #tpu.memory_space<vmem>>) dst(%dma_wait3A_56 : memref<16x1024xf32, #tpu.memory_space<hbm>>)
    %get3A_57 = arith.constant 112 : index
    %get3A_58 = tpu.vector_load %arg5[%get3A_57] {strides = array<i32>} : memref<128xi32, #tpu.memory_space<vmem>>, vector<16xi32>,
    %dma_start3A_59 = arith.constant 0 : i32
    %dma_start3A_60 = arith.constant 0 : i32
    %dma_start3A_61 = tpu.memref_slice %arg3[%dma_start3A_59, %dma_start3A_60] : memref<12288x1024xf32, #tpu.memory_space<hbm>> -> memref<12288x1024xf32, #tpu.memory_space<hbm>>
    tpu.enqueue_indirect_dma source(%dma_start3A_61 : memref<12288x1024xf32, #tpu.memory_space<hbm>>) target(%arg6 : memref<16x1024xf32, #tpu.memory_space<vmem>>) offsets(%get3A_58 : vector<16xi32>) semaphore(%arg13 : memref<!tpu.dma_semaphore, #tpu.memory_space<semaphore_mem>>)
    %dma_wait3A_62 = arith.constant 0 : i32
    %dma_wait3A_63 = arith.constant 0 : i32
    %dma_wait3A_64 = tpu.memref_slice %arg3[%dma_wait3A_62, %dma_wait3A_63] : memref<12288x1024xf32, #tpu.memory_space<hbm>> -> memref<12288x1024xf32, #tpu.memory_space<hbm>>
    tpu.wait_indirect_dma semaphore(%arg15 : memref<!tpu.dma_semaphore, #tpu.memory_space<semaphore_mem>>) src(%dma_wait3A_64 : memref<12288x1024xf32, #tpu.memory_space<hbm>>) dst(%arg8 : memref<16x1024xf32, #tpu.memory_space<vmem>>)
    %add3A_65 = arith.constant 32 : i32
    %add3A_66 = arith.addi %mul3A_2, %add3A_65 : i32
    %dma_start3A_67 = arith.constant 0 : i32
    %dma_start3A_68 = tpu.memref_slice %arg4[%add3A_66, %dma_start3A_67] : memref<4096x1024xf32, #tpu.memory_space<hbm>> -> memref<16x1024xf32, #tpu.memory_space<hbm>>
    %dma_start3A_69 = arith.constant 0 : i32
    %dma_start3A_70 = tpu.memref_slice %arg4[%add3A_66, %dma_start3A_69] : memref<4096x1024xf32, #tpu.memory_space<hbm>> -> memref<16x1024xf32, #tpu.memory_space<hbm>>
    tpu.enqueue_dma source(%arg8 : memref<16x1024xf32, #tpu.memory_space<vmem>>) target(%dma_start3A_70 : memref<16x1024xf32, #tpu.memory_space<hbm>>) target_semaphore(%arg22 : memref<!tpu.dma_semaphore, #tpu.memory_space<semaphore_mem>>)
    %dma_wait3A_71 = arith.constant 0 : i32
    %dma_wait3A_72 = arith.constant 0 : i32
    %dma_wait3A_73 = tpu.memref_slice %arg3[%dma_wait3A_71, %dma_wait3A_72] : memref<12288x1024xf32, #tpu.memory_space<hbm>> -> memref<12288x1024xf32, #tpu.memory_space<hbm>>
    tpu.wait_indirect_dma semaphore(%arg16 : memref<!tpu.dma_semaphore, #tpu.memory_space<semaphore_mem>>) src(%dma_wait3A_73 : memref<12288x1024xf32, #tpu.memory_space<hbm>>) dst(%arg9 : memref<16x1024xf32, #tpu.memory_space<vmem>>)
    %add3A_74 = arith.constant 48 : i32
    %add3A_75 = arith.addi %mul3A_2, %add3A_74 : i32
    %dma_start3A_76 = arith.constant 0 : i32
    %dma_start3A_77 = tpu.memref_slice %arg4[%add3A_75, %dma_start3A_76] : memref<4096x1024xf32, #tpu.memory_space<hbm>> -> memref<16x1024xf32, #tpu.memory_space<hbm>>
    %dma_start3A_78 = arith.constant 0 : i32
    %dma_start3A_79 = tpu.memref_slice %arg4[%add3A_75, %dma_start3A_78] : memref<4096x1024xf32, #tpu.memory_space<hbm>> -> memref<16x1024xf32, #tpu.memory_space<hbm>>
    tpu.enqueue_dma source(%arg9 : memref<16x1024xf32, #tpu.memory_space<vmem>>) target(%dma_start3A_79 : memref<16x1024xf32, #tpu.memory_space<hbm>>) target_semaphore(%arg23 : memref<!tpu.dma_semaphore, #tpu.memory_space<semaphore_mem>>)
    %dma_wait3A_80 = arith.constant 0 : i32
    %dma_wait3A_81 = arith.constant 0 : i32
    %dma_wait3A_82 = tpu.memref_slice %arg3[%dma_wait3A_80, %dma_wait3A_81] : memref<12288x1024xf32, #tpu.memory_space<hbm>> -> memref<12288x1024xf32, #tpu.memory_space<hbm>>
    tpu.wait_indirect_dma semaphore(%arg17 : memref<!tpu.dma_semaphore, #tpu.memory_space<semaphore_mem>>) src(%dma_wait3A_82 : memref<12288x1024xf32, #tpu.memory_space<hbm>>) dst(%arg10 : memref<16x1024xf32, #tpu.memory_space<vmem>>)
    %add3A_83 = arith.constant 64 : i32
    %add3A_84 = arith.addi %mul3A_2, %add3A_83 : i32
    %dma_start3A_85 = arith.constant 0 : i32
    %dma_start3A_86 = tpu.memref_slice %arg4[%add3A_84, %dma_start3A_85] : memref<4096x1024xf32, #tpu.memory_space<hbm>> -> memref<16x1024xf32, #tpu.memory_space<hbm>>
    %dma_start3A_87 = arith.constant 0 : i32
    %dma_start3A_88 = tpu.memref_slice %arg4[%add3A_84, %dma_start3A_87] : memref<4096x1024xf32, #tpu.memory_space<hbm>> -> memref<16x1024xf32, #tpu.memory_space<hbm>>
    tpu.enqueue_dma source(%arg10 : memref<16x1024xf32, #tpu.memory_space<vmem>>) target(%dma_start3A_88 : memref<16x1024xf32, #tpu.memory_space<hbm>>) target_semaphore(%arg24 : memref<!tpu.dma_semaphore, #tpu.memory_space<semaphore_mem>>)
    %dma_wait3A_89 = arith.constant 0 : i32
    %dma_wait3A_90 = arith.constant 0 : i32
    %dma_wait3A_91 = tpu.memref_slice %arg3[%dma_wait3A_89, %dma_wait3A_90] : memref<12288x1024xf32, #tpu.memory_space<hbm>> -> memref<12288x1024xf32, #tpu.memory_space<hbm>>
    tpu.wait_indirect_dma semaphore(%arg18 : memref<!tpu.dma_semaphore, #tpu.memory_space<semaphore_mem>>) src(%dma_wait3A_91 : memref<12288x1024xf32, #tpu.memory_space<hbm>>) dst(%arg11 : memref<16x1024xf32, #tpu.memory_space<vmem>>)
    %add3A_92 = arith.constant 80 : i32
    %add3A_93 = arith.addi %mul3A_2, %add3A_92 : i32
    %dma_start3A_94 = arith.constant 0 : i32
    %dma_start3A_95 = tpu.memref_slice %arg4[%add3A_93, %dma_start3A_94] : memref<4096x1024xf32, #tpu.memory_space<hbm>> -> memref<16x1024xf32, #tpu.memory_space<hbm>>
    %dma_start3A_96 = arith.constant 0 : i32
    %dma_start3A_97 = tpu.memref_slice %arg4[%add3A_93, %dma_start3A_96] : memref<4096x1024xf32, #tpu.memory_space<hbm>> -> memref<16x1024xf32, #tpu.memory_space<hbm>>
    tpu.enqueue_dma source(%arg11 : memref<16x1024xf32, #tpu.memory_space<vmem>>) target(%dma_start3A_97 : memref<16x1024xf32, #tpu.memory_space<hbm>>) target_semaphore(%arg25 : memref<!tpu.dma_semaphore, #tpu.memory_space<semaphore_mem>>)
    %dma_wait3A_98 = arith.constant 0 : i32
    %dma_wait3A_99 = arith.constant 0 : i32
    %dma_wait3A_100 = tpu.memref_slice %arg3[%dma_wait3A_98, %dma_wait3A_99] : memref<12288x1024xf32, #tpu.memory_space<hbm>> -> memref<12288x1024xf32, #tpu.memory_space<hbm>>
    tpu.wait_indirect_dma semaphore(%arg19 : memref<!tpu.dma_semaphore, #tpu.memory_space<semaphore_mem>>) src(%dma_wait3A_100 : memref<12288x1024xf32, #tpu.memory_space<hbm>>) dst(%arg12 : memref<16x1024xf32, #tpu.memory_space<vmem>>)
    %add3A_101 = arith.constant 96 : i32
    %add3A_102 = arith.addi %mul3A_2, %add3A_101 : i32
    %dma_start3A_103 = arith.constant 0 : i32
    %dma_start3A_104 = tpu.memref_slice %arg4[%add3A_102, %dma_start3A_103] : memref<4096x1024xf32, #tpu.memory_space<hbm>> -> memref<16x1024xf32, #tpu.memory_space<hbm>>
    %dma_start3A_105 = arith.constant 0 : i32
    %dma_start3A_106 = tpu.memref_slice %arg4[%add3A_102, %dma_start3A_105] : memref<4096x1024xf32, #tpu.memory_space<hbm>> -> memref<16x1024xf32, #tpu.memory_space<hbm>>
    tpu.enqueue_dma source(%arg12 : memref<16x1024xf32, #tpu.memory_space<vmem>>) target(%dma_start3A_106 : memref<16x1024xf32, #tpu.memory_space<hbm>>) target_semaphore(%arg26 : memref<!tpu.dma_semaphore, #tpu.memory_space<semaphore_mem>>)
    %dma_wait3A_107 = arith.constant 0 : i32
    %dma_wait3A_108 = arith.constant 0 : i32
    %dma_wait3A_109 = tpu.memref_slice %arg3[%dma_wait3A_107, %dma_wait3A_108] : memref<12288x1024xf32, #tpu.memory_space<hbm>> -> memref<12288x1024xf32, #tpu.memory_space<hbm>>
    tpu.wait_indirect_dma semaphore(%arg13 : memref<!tpu.dma_semaphore, #tpu.memory_space<semaphore_mem>>) src(%dma_wait3A_109 : memref<12288x1024xf32, #tpu.memory_space<hbm>>) dst(%arg6 : memref<16x1024xf32, #tpu.memory_space<vmem>>)
    %add3A_110 = arith.constant 112 : i32
    %add3A_111 = arith.addi %mul3A_2, %add3A_110 : i32
    %dma_start3A_112 = arith.constant 0 : i32
    %dma_start3A_113 = tpu.memref_slice %arg4[%add3A_111, %dma_start3A_112] : memref<4096x1024xf32, #tpu.memory_space<hbm>> -> memref<16x1024xf32, #tpu.memory_space<hbm>>
    %dma_start3A_114 = arith.constant 0 : i32
    %dma_start3A_115 = tpu.memref_slice %arg4[%add3A_111, %dma_start3A_114] : memref<4096x1024xf32, #tpu.memory_space<hbm>> -> memref<16x1024xf32, #tpu.memory_space<hbm>>
    tpu.enqueue_dma source(%arg6 : memref<16x1024xf32, #tpu.memory_space<vmem>>) target(%dma_start3A_115 : memref<16x1024xf32, #tpu.memory_space<hbm>>) target_semaphore(%arg20 : memref<!tpu.dma_semaphore, #tpu.memory_space<semaphore_mem>>)
    %dma_wait3A_116 = arith.constant 0 : i32
    %dma_wait3A_117 = tpu.memref_slice %arg4[%add3A_48, %dma_wait3A_116] : memref<4096x1024xf32, #tpu.memory_space<hbm>> -> memref<16x1024xf32, #tpu.memory_space<hbm>>
    %dma_wait3A_118 = arith.constant 0 : i32
    %dma_wait3A_119 = tpu.memref_slice %arg4[%add3A_48, %dma_wait3A_118] : memref<4096x1024xf32, #tpu.memory_space<hbm>> -> memref<16x1024xf32, #tpu.memory_space<hbm>>
    tpu.wait_dma2 semaphore(%arg21 : memref<!tpu.dma_semaphore, #tpu.memory_space<semaphore_mem>>) src(%arg7 : memref<16x1024xf32, #tpu.memory_space<vmem>>) dst(%dma_wait3A_119 : memref<16x1024xf32, #tpu.memory_space<hbm>>)
    %dma_wait3A_120 = arith.constant 0 : i32
    %dma_wait3A_121 = tpu.memref_slice %arg4[%add3A_66, %dma_wait3A_120] : memref<4096x1024xf32, #tpu.memory_space<hbm>> -> memref<16x1024xf32, #tpu.memory_space<hbm>>
    %dma_wait3A_122 = arith.constant 0 : i32
    %dma_wait3A_123 = tpu.memref_slice %arg4[%add3A_66, %dma_wait3A_122] : memref<4096x1024xf32, #tpu.memory_space<hbm>> -> memref<16x1024xf32, #tpu.memory_space<hbm>>
    tpu.wait_dma2 semaphore(%arg22 : memref<!tpu.dma_semaphore, #tpu.memory_space<semaphore_mem>>) src(%arg8 : memref<16x1024xf32, #tpu.memory_space<vmem>>) dst(%dma_wait3A_123 : memref<16x1024xf32, #tpu.memory_space<hbm>>)
    %dma_wait3A_124 = arith.constant 0 : i32
    %dma_wait3A_125 = tpu.memref_slice %arg4[%add3A_75, %dma_wait3A_124] : memref<4096x1024xf32, #tpu.memory_space<hbm>> -> memref<16x1024xf32, #tpu.memory_space<hbm>>
    %dma_wait3A_126 = arith.constant 0 : i32
    %dma_wait3A_127 = tpu.memref_slice %arg4[%add3A_75, %dma_wait3A_126] : memref<4096x1024xf32, #tpu.memory_space<hbm>> -> memref<16x1024xf32, #tpu.memory_space<hbm>>
    tpu.wait_dma2 semaphore(%arg23 : memref<!tpu.dma_semaphore, #tpu.memory_space<semaphore_mem>>) src(%arg9 : memref<16x1024xf32, #tpu.memory_space<vmem>>) dst(%dma_wait3A_127 : memref<16x1024xf32, #tpu.memory_space<hbm>>)
    %dma_wait3A_128 = arith.constant 0 : i32
    %dma_wait3A_129 = tpu.memref_slice %arg4[%add3A_84, %dma_wait3A_128] : memref<4096x1024xf32, #tpu.memory_space<hbm>> -> memref<16x1024xf32, #tpu.memory_space<hbm>>
    %dma_wait3A_130 = arith.constant 0 : i32
    %dma_wait3A_131 = tpu.memref_slice %arg4[%add3A_84, %dma_wait3A_130] : memref<4096x1024xf32, #tpu.memory_space<hbm>> -> memref<16x1024xf32, #tpu.memory_space<hbm>>
    tpu.wait_dma2 semaphore(%arg24 : memref<!tpu.dma_semaphore, #tpu.memory_space<semaphore_mem>>) src(%arg10 : memref<16x1024xf32, #tpu.memory_space<vmem>>) dst(%dma_wait3A_131 : memref<16x1024xf32, #tpu.memory_space<hbm>>)
    %dma_wait3A_132 = arith.constant 0 : i32
    %dma_wait3A_133 = tpu.memref_slice %arg4[%add3A_93, %dma_wait3A_132] : memref<4096x1024xf32, #tpu.memory_space<hbm>> -> memref<16x1024xf32, #tpu.memory_space<hbm>>
    %dma_wait3A_134 = arith.constant 0 : i32
    %dma_wait3A_135 = tpu.memref_slice %arg4[%add3A_93, %dma_wait3A_134] : memref<4096x1024xf32, #tpu.memory_space<hbm>> -> memref<16x1024xf32, #tpu.memory_space<hbm>>
    tpu.wait_dma2 semaphore(%arg25 : memref<!tpu.dma_semaphore, #tpu.memory_space<semaphore_mem>>) src(%arg11 : memref<16x1024xf32, #tpu.memory_space<vmem>>) dst(%dma_wait3A_135 : memref<16x1024xf32, #tpu.memory_space<hbm>>)
    %dma_wait3A_136 = arith.constant 0 : i32
    %dma_wait3A_137 = tpu.memref_slice %arg4[%add3A_102, %dma_wait3A_136] : memref<4096x1024xf32, #tpu.memory_space<hbm>> -> memref<16x1024xf32, #tpu.memory_space<hbm>>
    %dma_wait3A_138 = arith.constant 0 : i32
    %dma_wait3A_139 = tpu.memref_slice %arg4[%add3A_102, %dma_wait3A_138] : memref<4096x1024xf32, #tpu.memory_space<hbm>> -> memref<16x1024xf32, #tpu.memory_space<hbm>>
    tpu.wait_dma2 semaphore(%arg26 : memref<!tpu.dma_semaphore, #tpu.memory_space<semaphore_mem>>) src(%arg12 : memref<16x1024xf32, #tpu.memory_space<vmem>>) dst(%dma_wait3A_139 : memref<16x1024xf32, #tpu.memory_space<hbm>>)
    %dma_wait3A_140 = arith.constant 0 : i32
    %dma_wait3A_141 = tpu.memref_slice %arg4[%add3A_111, %dma_wait3A_140] : memref<4096x1024xf32, #tpu.memory_space<hbm>> -> memref<16x1024xf32, #tpu.memory_space<hbm>>
    %dma_wait3A_142 = arith.constant 0 : i32
    %dma_wait3A_143 = tpu.memref_slice %arg4[%add3A_111, %dma_wait3A_142] : memref<4096x1024xf32, #tpu.memory_space<hbm>> -> memref<16x1024xf32, #tpu.memory_space<hbm>>
    tpu.wait_dma2 semaphore(%arg20 : memref<!tpu.dma_semaphore, #tpu.memory_space<semaphore_mem>>) src(%arg6 : memref<16x1024xf32, #tpu.memory_space<vmem>>) dst(%dma_wait3A_143 : memref<16x1024xf32, #tpu.memory_space<hbm>>)
    return
  }
}

module attributes {stable_mosaic.version = 14 : i64} {
  func.func @_gmm_body(%arg0: i32, %arg1: memref<48xi32, #tpu.memory_space<smem>>, %arg2: memref<512x1024xf32, #tpu.memory_space<vmem>>, %arg3: memref<1x1024x1024xf32, #tpu.memory_space<vmem>>, %arg4: memref<512x1024xf32, #tpu.memory_space<vmem>>) attributes {dimension_semantics = [#tpu.dimension_semantics<arbitrary>], iteration_bounds = array<i64: 24>, scalar_prefetch = 1 : i64, scratch_operands = 0 : i64, tpu.core_type = #tpu.core_type<tc>, window_params = [{transform_indices = @transform_0, window_bounds = array<i64: 512, 1024>}, {transform_indices = @transform_1, window_bounds = array<i64: 1, 1024, 1024>}, {transform_indices = @transform_2, window_bounds = array<i64: 512, 1024>}]} {
    %get3A = arith.constant 32 : index
    %get3A_0 = memref.load %arg1[%get3A] : memref<48xi32, #tpu.memory_space<smem>>
    %lt3A = arith.cmpi slt, %arg0, %get3A_0 : i32
    %convert_element_type3A = arith.extui %lt3A : i1 to i32
    %cond3A = arith.constant 0 : i32
    %cond3A_1 = arith.cmpi ne, %convert_element_type3A, %cond3A : i32
    scf.if %cond3A_1 {
      %get3A_2 = arith.constant 0 : index
      %get3A_3 = arith.constant 0 : index
      %get3A_4 = vector.load %arg2[%get3A_2, %get3A_3] : memref<512x1024xf32, #tpu.memory_space<vmem>>, vector<512x1024xf32>
      %get3A_5 = arith.constant 0 : index
      %get3A_6 = arith.constant 0 : index
      %get3A_7 = arith.constant 0 : index
      %get3A_8 = vector.load %arg3[%get3A_5, %get3A_6, %get3A_7] : memref<1x1024x1024xf32, #tpu.memory_space<vmem>>, vector<1x1024x1024xf32>
      %get3A_9 = vector.shape_cast %get3A_8 : vector<1x1024x1024xf32> to vector<1024x1024xf32>
      %dot_general3A = arith.constant dense<0.000000e+00> : vector<512x1024xf32>
      %dot_general3A_10 = tpu.matmul %get3A_4, %get3A_9, %dot_general3A {dimension_numbers = #tpu.dot_dimension_numbers<[1], [0], [0], [1], [0, 0, 1, 1], [], []>, transpose_lhs_hint = false} : vector<512x1024xf32>, vector<1024x1024xf32>, vector<512x1024xf32> -> vector<512x1024xf32>
      %swap3A = arith.constant 0 : index
      %swap3A_11 = arith.constant 0 : index
      %swap3A_12 = vector.load %arg4[%swap3A, %swap3A_11] : memref<512x1024xf32, #tpu.memory_space<vmem>>, vector<512x1024xf32>
      tpu.vector_store %arg4[%swap3A, %swap3A_11], %dot_general3A_10 {strides = array<i32>} : memref<512x1024xf32, #tpu.memory_space<vmem>>, vector<512x1024xf32>,
    } else {
    }
    return
  }
  func.func @transform_0(%arg0: i32, %arg1: memref<48xi32, #tpu.memory_space<smem>>) -> (i32, i32) {
    %get3A = arith.constant 32 : index
    %get3A_0 = memref.load %arg1[%get3A] : memref<48xi32, #tpu.memory_space<smem>>
    %sub3A = arith.constant 1 : i32
    %sub3A_1 = arith.subi %get3A_0, %sub3A : i32
    %min3A = arith.minsi %arg0, %sub3A_1 : i32
    %c0_i32 = arith.constant 0 : i32
    %c0_i32_2 = arith.constant 0 : i32
    return %min3A, %c0_i32 : i32, i32
  }
  func.func @transform_1(%arg0: i32, %arg1: memref<48xi32, #tpu.memory_space<smem>>) -> (i32, i32, i32) {
    %get3A = arith.constant 32 : index
    %get3A_0 = memref.load %arg1[%get3A] : memref<48xi32, #tpu.memory_space<smem>>
    %sub3A = arith.constant 1 : i32
    %sub3A_1 = arith.subi %get3A_0, %sub3A : i32
    %min3A = arith.minsi %arg0, %sub3A_1 : i32
    %get3A_2 = arith.index_cast %min3A : i32 to index
    %get3A_3 = memref.load %arg1[%get3A_2] : memref<48xi32, #tpu.memory_space<smem>>
    %c0_i32 = arith.constant 0 : i32
    %c0_i32_4 = arith.constant 0 : i32
    %c0_i32_5 = arith.constant 0 : i32
    return %get3A_3, %c0_i32, %c0_i32_4 : i32, i32, i32
  }
  func.func @transform_2(%arg0: i32, %arg1: memref<48xi32, #tpu.memory_space<smem>>) -> (i32, i32) {
    %get3A = arith.constant 32 : index
    %get3A_0 = memref.load %arg1[%get3A] : memref<48xi32, #tpu.memory_space<smem>>
    %sub3A = arith.constant 1 : i32
    %sub3A_1 = arith.subi %get3A_0, %sub3A : i32
    %min3A = arith.minsi %arg0, %sub3A_1 : i32
    %c0_i32 = arith.constant 0 : i32
    %c0_i32_2 = arith.constant 0 : i32
    return %min3A, %c0_i32 : i32, i32
  }
}

</mosaic_0001>

<sc_bundles>
// kernel: kernel.5.cloned.1.call-start
scs
__scs_entry_jumppad:
0x0: {  	(pc) =	sbr.rel $0x88, $3  }
0x1: {  	(tag) =	ssettag $0x0;
	lr =	simm.s32 $0x1  }
0x2: {  	[smem:$0x3F9E] =	sst lr;
	_ =	strace $0xD0000000  }
0x3: {  	_ = 	snop  }
0x4: {  	_ = 	snop  }
0x5: {  	_ = 	snop  }
0x6: {  	_ = 	snop  }
0x7: {  	_ = 	snop  }
__scs_overlays_trampoline_lowered:
0x8: {  	[smem:$0x3FAD] =	sst s0  }
0x9: {  	[smem:$0x3FAE] =	sst s1  }
0xa: {  	[smem:$0x3FAF] =	sst s2  }
0xb: {  	[smem:$0x3FB0] =	sst s3  }
0xc: {  	[smem:$0x3FB1] =	sst s4  }
0xd: {  	[smem:$0x3FB2] =	sst s5  }
0xe: {  	[smem:$0x3FB3] =	sst s6  }
0xf: {  	[smem:$0x3FB4] =	sst s7  }
0x10: {  	[smem:$0x3FB5] =	sst s8  }
0x11: {  	[smem:$0x3FB6] =	sst s9;
	s0 =	simm.s32 @!p0 $0x0  }
0x12: {  	s1 =	sld [smem:$0x3F9C];
	s0 =	simm.s32 @p0 $0x1  }
0x13: {  	[smem:$0x3FB7] =	sst s0;
	s0 =	simm.s32 @!p1 $0x0  }
0x14: {  	s2 =	sld [smem:$0x3F9B];
	s0 =	simm.s32 @p1 $0x1  }
0x15: {  	[smem:$0x3FB8] =	sst s0;
	s0 =	simm.s32 @!p2 $0x0  }
0x16: {  	s3 =	sld [smem:$0x3FDB];
	s0 =	simm.s32 @p2 $0x1  }
0x17: {  	s4 =	simm.s32 $0x1BF5;
	[smem:$0x3FBA] =	sst s0  }
0x18: {  	s0 =	sld [smem:$0x3F9D];
	_ =	swait.ge [sflag:s4], $0x0  }
0x19: {  	s7 =	sld [smem:$0x3F9E]  }
0x1a: {  	s8 =	sadd.s32 $0xFFFFE003, lr  }
0x1b: {  	s9 =	sadd.s32 $0xFFFFFEF7, lr;
	s5 =	simm.s32 $0xFFFFFFFF;
	p2 =	slt.u32 s8, $0xFFFFF086  }
0x1c: {  	p1 =	slt.u32 s9, $0xF7A;
	s5 =	simm.s32 @!p2 $0x0  }
0x1d: {  	s5 =	simm.s32 @p1 $0x1;
	p0 =	seq.s32 s7, s2  }
0x1e: {  	s7 =	smul.u32 @!p0 $0xF7A, s2;
	p2 =	seq.s32 @!p0 s5, $0x0  }
0x1f: {  	s9 =	smul.u32 $0xF7A, s1;
	s8 =	simm.s32 @!p0 $0x1BF5;
	p2 =	por !p2, p0  }
0x20: {  	[sflag:s8] =	ssyncset.s32 @!p0 $0xFFFFF086;
	s6 =	sadd.s32 @!p0 s3, s7;
	s7 =	simm.s32 @!p0 $0x108  }
0x21: {  	s3 =	sadd.s32 s3, s9;
	s6 =	sadd.s32 @!p0 $0x88, s6;
	s7 =	simm.s32 @p2 $0x1082  }
0x22: {  	[simem:s7], [sflag:s8] =	dma.local @!p0 [hbm:s6], $0xF7A  }
0x23: {  	s9 =	sor.u32 $0xD0000000, s2;
	s6 =	simm.s32 $0x108;
	_ =	swait.ge @!p0 [sflag:s8], $0x0  }
0x24: {  	s3 =	sadd.s32 $0x88, s3;
	s6 =	simm.s32 @!p1 $0x1082;
	[sflag:s4] =	ssyncset.s32 $0xFFFFF086  }
0x25: {  	[simem:s6], [sflag:s4] =	dma.local [hbm:s3], $0xF7A  }
0x26: {  	[smem:$0x3F9E] =	sst s1;
	(tag) =	ssettag s2;
	_ =	strace s9  }
0x27: {  	s1 =	sld [smem:$0x3FAE]  }
0x28: {  	s2 =	sld [smem:$0x3FAF]  }
0x29: {  	s4 =	sld [smem:$0x3FB1]  }
0x2a: {  	p0 =	seq.s32 s5, $0x0;
	s5 =	sld [smem:$0x3FB2]  }
0x2b: {  	s6 =	sld [smem:$0x3FB3]  }
0x2c: {  	s7 =	sld [smem:$0x3FB4]  }
0x2d: {  	s3 =	simm.s32 $0x108;
	s8 =	sld [smem:$0x3FB5]  }
0x2e: {  	s3 =	simm.s32 @!p0 $0x1082;
	s9 =	sld [smem:$0x3FB6]  }
0x2f: {  	lr =	sadd.s32 s0, s3;
	s0 =	sld [smem:$0x3FAD]  }
0x30: {  	s3 =	sld [smem:$0x3FB0]  }
0x31: {  	[smem:$0x3FB9] =	sst s10  }
0x32: {  	s10 =	sld [smem:$0x3FB7];
	_ =	sdelay $0x3  }
0x33: {  	p0 =	seq.s32 s10, $0x1;
	s10 =	sld [smem:$0x3FB9];
	_ =	sdelay $0x3  }
0x34: {  	[smem:$0x3FB9] =	sst s10  }
0x35: {  	s10 =	sld [smem:$0x3FB8];
	_ =	sdelay $0x3  }
0x36: {  	p1 =	seq.s32 s10, $0x1;
	s10 =	sld [smem:$0x3FB9];
	_ =	sdelay $0x3  }
0x37: {  	[smem:$0x3FB9] =	sst s10  }
0x38: {  	s10 =	sld [smem:$0x3FBA]  }
0x39: {  	_ = 	snop;
	(pc) =	sbr.ind lr, $3  }
0x3a: {  	_ = 	snop  }
0x3b: {  	_ = 	snop  }
0x3c: {  	p2 =	seq.s32 s10, $0x1;
	s10 =	sld [smem:$0x3FB9]  }
0x3d: {  	_ =	shalt  }
0x3e: {  	_ =	shalt  }
0x3f: {  	_ =	shalt  }
0x40: {  	_ =	shalt  }
0x41: {  	_ =	shalt  }
0x42: {  	_ =	shalt  }
0x43: {  	_ =	shalt  }
0x44: {  	_ =	shalt  }
0x45: {  	_ =	shalt  }
0x46: {  	_ =	shalt  }
0x47: {  	_ =	shalt  }
0x48: {  	_ =	shalt  }
0x49: {  	_ =	shalt  }
0x4a: {  	_ =	shalt  }
0x4b: {  	_ =	shalt  }
0x4c: {  	_ =	shalt  }
0x4d: {  	_ =	shalt  }
0x4e: {  	_ =	shalt  }
0x4f: {  	_ =	shalt  }
0x50: {  	_ =	shalt  }
0x51: {  	_ =	shalt  }
0x52: {  	_ =	shalt  }
0x53: {  	_ =	shalt  }
0x54: {  	_ =	shalt  }
0x55: {  	_ =	shalt  }
0x56: {  	_ =	shalt  }
0x57: {  	_ =	shalt  }
0x58: {  	_ =	shalt  }
0x59: {  	_ =	shalt  }
0x5a: {  	_ =	shalt  }
0x5b: {  	_ =	shalt  }
0x5c: {  	_ =	shalt  }
0x5d: {  	_ =	shalt  }
0x5e: {  	_ =	shalt  }
0x5f: {  	_ =	shalt  }
0x60: {  	_ =	shalt  }
0x61: {  	_ =	shalt  }
0x62: {  	_ =	shalt  }
0x63: {  	_ =	shalt  }
0x64: {  	_ =	shalt  }
0x65: {  	_ =	shalt  }
0x66: {  	_ =	shalt  }
0x67: {  	_ =	shalt  }
0x68: {  	_ =	shalt  }
0x69: {  	_ =	shalt  }
0x6a: {  	_ =	shalt  }
0x6b: {  	_ =	shalt  }
0x6c: {  	_ =	shalt  }
0x6d: {  	_ =	shalt  }
0x6e: {  	_ =	shalt  }
0x6f: {  	_ =	shalt  }
0x70: {  	_ =	shalt  }
0x71: {  	_ =	shalt  }
0x72: {  	_ =	shalt  }
0x73: {  	_ =	shalt  }
0x74: {  	_ =	shalt  }
0x75: {  	_ =	shalt  }
0x76: {  	_ =	shalt  }
0x77: {  	_ =	shalt  }
0x78: {  	_ =	shalt  }
0x79: {  	_ =	shalt  }
0x7a: {  	_ =	shalt  }
0x7b: {  	_ =	shalt  }
0x7c: {  	_ =	shalt  }
0x7d: {  	_ =	shalt  }
0x7e: {  	_ =	shalt  }
0x7f: {  	_ =	shalt  }
0x80: {  	_ =	shalt  }
0x81: {  	_ =	shalt  }
0x82: {  	_ =	shalt  }
0x83: {  	_ =	shalt  }
0x84: {  	_ =	shalt  }
0x85: {  	_ =	shalt  }
0x86: {  	_ =	shalt  }
0x87: {  	_ =	shalt  }
.Lfunc_end0:
.L_simem_size_0:
called_computation_lowered:
.L_overlay_start_0:
0x88: {  	s2 =	sld [smem:$0x3FD9]  }
0x89: {  	s3 =	sld [smem:$0x3FFE];
	_ =	sdelay $0x1  }
0x8a: {  	s1 =	srdreg.scid  }
0x8b: {  	s0 =	sand.u32 $0x1, s1  }
0x8c: {  	s17 =	sshll.u32 s0, $0xA;
	s2 =	sadd.s32 s3, s2  }
0x8d: {  	s2 =	sadd.s32 s2, s17  }
0x8e: {  	[smem:$0x3FC5] =	sst s2  }
0x8f: {  	_ = 	snop  }
0x90: {  	s2 =	sld [smem:$0x3FC9]  }
0x91: {  	s18 =	sld [smem:$0x3FC8]  }
0x92: {  	s4 =	sld [smem:$0x3FD0];
	(tm) =	ssettm $0x1  }
0x93: {  	s5 =	sld [smem:$0x3FFB];
	_ =	sdelay $0x3  }
0x94: {  	_ =	strace s5  }
0x95: {  	s5 =	sld [smem:$0x3FFC];
	_ =	sdelay $0x3  }
0x96: {  	_ =	strace s5  }
0x97: {  	s5 =	sld [smem:$0x3FFD];
	_ =	sdelay $0x3  }
0x98: {  	_ =	strace s5  }
0x99: {  	_ =	strace $0x8FFFFFFF  }
0x9a: {  	s19 =	sld [smem:$0x3FDB];
	_ =	sdelay $0x1  }
0x9b: {  	s6 =	simm.s32 $_scs_section_size  }
0x9c: {  	s7 =	simm.s32 $_size__tile_overlayer_lowered;
	s8 =	simm.s32 $_tile_overlayer_lowered  }
0x9d: {  	s22 =	simm.s32 $0x1BFF;
	s21 =	sshll.u32 s8, $0x1;
	s5 =	sadd.s32 s6, s19  }
0x9e: {  	s9 =	simm.s32 $0x0;
	s20 =	sshll.u32 s7, $0x1;
	s7 =	sadd.s32 s21, s5  }
0x9f: {  	[timem:s9], [sflag:s22] =	dma.local [hbm:s7], s20  }
0xa0: {  	_ =	swait.ge [sflag:s22], s20  }
0xa1: {  	s6 =	ssub.s32 $0x0, s20;
	[sflag:s22] =	ssyncset.done $0x0  }
0xa2: {  	[sflag:s22] =	ssyncadd.s32 s6;
	_ =	sdelay $0x1  }
0xa3: {  	s23 =	simm.s32 $0x1B8B  }
0xa4: {  	_ =	swait.ge [sflag:s23], $0x1  }
0xa5: {  	[sflag:s23] =	ssyncset.done $0x0  }
0xa6: {  	s25 =	simm.s32 $0x1B8E;
	s24 =	sld [smem:$0x3FFE];
	[sflag:s23] =	ssyncadd.s32 $0xFFFFFFFF  }
0xa7: {  	s26 =	simm.s32 $execute0_lowered;
	[smem:$0x3FD2] =	sst s25  }
0xa8: {  	s7 =	sshll.u32 s26, $0x1;
	_ =	strace $0x80000046;
	[dreg:$0x1] =	wrdreg $0xFFFFFFFF  }
0xa9: {  	s28 =	simm.s32 $_size_execute0_lowered;
	s5 =	sadd.s32 s5, s7;
	[dreg:$0x0] =	wrdreg $0x0  }
0xaa: {  	s7 =	sshll.u32 s28, $0x1;
	[dreg:$0x2] =	wrdreg s5  }
0xab: {  	[dreg:$0x3] =	wrdreg s7  }
0xac: {  	[dreg:$0x4] =	wrdreg $0xC0  }
0xad: {  	_ =	task [dreg:s9], $0x5FFFF  }
0xae: {  	[dreg:$0x1] =	wrdreg $0xFFFFFFFF  }
0xaf: {  	[dreg:$0x0] =	wrdreg $0x60  }
0xb0: {  	[dreg:$0x2] =	wrdreg s18  }
0xb1: {  	[dreg:$0x3] =	wrdreg s2  }
0xb2: {  	[dreg:$0x4] =	wrdreg s24  }
0xb3: {  	[dreg:$0x5] =	wrdreg s4  }
0xb4: {  	[dreg:$0x6] =	wrdreg $0x1C5800  }
0xb5: {  	[dreg:$0x7] =	wrdreg $0x9  }
0xb6: {  	_ =	task.clear_ibuf [dreg:s9], $0x8FFFF;
	_ =	strace $0x90000046  }
0xb7: {  	s29 =	simm.s32 $0x9;
	_ =	strace $0x80000048  }
0xb8: {  	_ =	swait.ge [sflag:s29], $0x1  }
0xb9: {  	[sflag:s29] =	ssyncadd.s32 $0xFFFFFFFF  }
0xba: {  	_ =	strace $0x90000048  }
0xbb: {  	_ =	sfence  }
0xbc: {  	s30 =	sld [smem:$0x0];
	_ =	sdelay $0x2  }
0xbd: {  	s31 =	sshll.u32 s1, $0xD;
	s1 =	sshrl.u32 s1, $0x2  }
0xbe: {  	s3 =	sand.u32 $0x4000, s31;
	s1 =	sadd.s32 s1, s30  }
0xbf: {  	s0 =	sor.u32 s3, s0;
	s1 =	sshll.u32 s1, $0x11  }
0xc0: {  	s0 =	sor.u32 s1, s0  }
0xc1: {  	s0 =	sadd.s32 $0x8F2B, s0  }
0xc2: {  	[sflag:s0] =	ssyncadd.remote.s32 $0x1  }
0xc3: {  	_ =	sfence.sel $0xFFFF  }
0xc4: {  	[dreg:$0x0] =	wrdreg $0xFFFFFFFF;
	(pc) =	sbr.abs _section_cstart, $3  }
0xc5: {  	[dreg:$0x1] =	wrdreg $0xFFFFFFFF  }
0xc6: {  	_ =	task.clear_ibuf [dreg:s9], $0x2FFFF;
	_ =	strace $0x9FFFFFFF  }
0xc7: {  	(tm) =	ssettm $0x7FFFFFFF  }
tec
execute0_lowered:
.L_overlay_start_1:
0x0: {  	(tag) =	ssettag $0x1  }
0x1: {  	s0 =	rddreg [dreg:$0x0]  }
0x2: {  	s1 =	rddreg [dreg:$0x1]  }
0x3: {  	s2 =	rddreg [dreg:$0x2]  }
0x4: {  	s11 =	rddreg [dreg:$0x4];
	s4 =	simm.s32 $0x0  }
0x5: {  	s3 =	srdreg.scid;
	s12 =	stileid.u32;
	s31 =	simm.s32 $0x10  }
0x6: {  	s28 =	simm.s32 $0xB;
	s29 =	simm.s32 $0xC;
	s30 =	simm.s32 $0xE  }
0x7: {  	s13 =	simm.s32 $0x2580;
	s14 =	simm.s32 $0x2D80;
	[smem:$0x7FF] =	sst s4  }
0x8: {  	s3 =	sand.u32 $0x1, s3;
	s7 =	sshll.u32 s12, $0x8;
	s6 =	sadd.s32 $0xE00, s2  }
0x9: {  	s19 =	sshll.u32 s12, $0x5;
	s21 =	sshll.u32 s12, $0x4;
	p3 =	sgt.u32 s12, $0x5  }
0xa: {  	p4 =	sgt.u32 s12, $0x4;
	p5 =	sgt.u32 s12, $0x3;
	p6 =	sgt.u32 s12, $0x2  }
0xb: {  	p1 =	seq.s32 s12, $0x0;
	_ =	strace $0x80000047;
	s5 =	sshll.u32 s3, $0x7  }
0xc: {  	s8 =	ssub.s32 $0x2, s3;
	s0 =	sadd.s32 s0, s19;
	s19 =	sadd.s32 $0x1000, s2  }
0xd: {  	vm0 =	vmmov $0x3;
	v2 =	vimm.s32 $0x0;
	s25 =	sor.u32 s3, s12;
	s3 =	simm.s32 $0x380;
	s7 =	sor.u32 s5, s7  }
0xe: {  	v2 =	vsel vm0, $0xFFFFFFFF, v2;
	s10 =	sshrl.u32 s8, $0x1;
	[dreg:$0xc] =	wrdreg s0;
	s0 =	sadd.s32 s21, s11  }
0xf: {  	vm0 =	vmmov $0x7;
	[tilespmem:$0x1FF10] =	vst v2;
	v2 =	vimm.s32 $0x0;
	s23 =	sor.u32 $0x400, s5;
	p0 =	sne.s32 s25, $0x0;
	s25 =	simm.s32 $0xC580  }
0x10: {  	v2 =	vsel vm0, $0xFFFFFFFF, v2;
	s21 =	simm.s32 $0xA;
	s11 =	simm.s32 $0x1D80;
	s9 =	sshrl.u32 s7, $0x3  }
0x11: {  	vm0 =	vmmov $0xf;
	s7 =	sshll.u32 s7, $0x7;
	s8 =	ssub.s32 s8, s10;
	[dreg:$0xd] =	wrdreg s0;
	[tilespmem:$0x1FF20] =	vst v2;
	v2 =	vimm.s32 $0x0  }
0x12: {  	[dreg:$0xf] =	wrdreg s23;
	s23 =	simm.s32 $0x580;
	s7 =	sadd.s32 s1, s7;
	v2 =	vsel vm0, $0xFFFFFFFF, v2  }
0x13: {  	s0 =	simm.s32 @!p0 $0x0;
	s26 =	smax.u32 s8, $0x1;
	vm0 =	vmmov $0x1f;
	[dreg:$0x12] =	wrdreg s7;
	[tilespmem:$0x1FF30] =	vst v2;
	v2 =	vimm.s32 $0x0  }
0x14: {  	s10 =	simm.s32 $0xD80;
	s0 =	simm.s32 @p0 $0x1;
	[dreg:$0x11] =	wrdreg s26;
	v2 =	vsel vm0, $0xFFFFFFFF, v2  }
0x15: {  	s9 =	sadd.s32 s9, s2;
	s1 =	sadd.s32 $0x800, s7;
	[smem:$0x7F4] =	sst s0;
	vm0 =	vmmov $0x3f;
	[tilespmem:$0x1FF40] =	vst v2;
	v2 =	vimm.s32 $0x0  }
0x16: {  	p0 =	seq.s32 s12, $0xF;
	s15 =	sadd.s32 $0x1000, s7;
	[dreg:$0x6] =	wrdreg s1;
	v2 =	vsel vm0, $0xFFFFFFFF, v2  }
0x17: {  	s16 =	sadd.s32 $0x1800, s7;
	s17 =	sadd.s32 $0x2000, s7;
	[dreg:$0x7] =	wrdreg s15;
	vm0 =	vmmov $0x7f;
	[tilespmem:$0x1FF50] =	vst v2;
	v2 =	vimm.s32 $0x0  }
0x18: {  	s18 =	sadd.s32 $0x2800, s7;
	s20 =	sadd.s32 $0x3000, s7;
	[dreg:$0x8] =	wrdreg s16;
	v2 =	vsel vm0, $0xFFFFFFFF, v2  }
0x19: {  	s22 =	sadd.s32 $0x180E00, s9;
	s0 =	simm.s32 @!p0 $0x0;
	[dreg:$0x9] =	wrdreg s17;
	vm0 =	vmmov $0xff;
	[tilespmem:$0x1FF60] =	vst v2;
	v2 =	vimm.s32 $0x0  }
0x1a: {  	[dreg:$0xa] =	wrdreg s18;
	s0 =	simm.s32 @p0 $0x1;
	p0 =	sgt.u32 s12, $0xD;
	v2 =	vsel vm0, $0xFFFFFFFF, v2  }
0x1b: {  	s24 =	sadd.s32 $0x3800, s7;
	[smem:$0x7F5] =	sst s0;
	s0 =	simm.s32 @!p0 $0x0;
	vm0 =	vmmov $0x1ff;
	[tilespmem:$0x1FF70] =	vst v2;
	v2 =	vimm.s32 $0x0  }
0x1c: {  	[dreg:$0xb] =	wrdreg s20;
	s0 =	simm.s32 @p0 $0x1;
	p0 =	sgt.u32 s12, $0xC;
	v2 =	vsel vm0, $0xFFFFFFFF, v2  }
0x1d: {  	vm14 =	vmmov $0x3ff;
	s9 =	simm.s32 $0x4580;
	[smem:$0x7F6] =	sst s0;
	s0 =	simm.s32 @!p0 $0x0;
	[tilespmem:$0x1FF80] =	vst v2;
	v2 =	vimm.s32 $0x0  }
0x1e: {  	[dreg:$0xe] =	wrdreg s22;
	s0 =	simm.s32 @p0 $0x1;
	p0 =	sgt.u32 s12, $0xB;
	v2 =	vsel vm14, $0xFFFFFFFF, v2  }
0x1f: {  	vm8 =	vmmov $0x7ff;
	s26 =	simm.s32 $0x9;
	[smem:$0x7F7] =	sst s0;
	s0 =	simm.s32 @!p0 $0x0;
	[tilespmem:$0x1FF90] =	vst v2;
	v2 =	vimm.s32 $0x0  }
0x20: {  	s18 =	sadd.s32 $0xF00, s2;
	s0 =	simm.s32 @p0 $0x1;
	p0 =	sgt.u32 s12, $0xA;
	v2 =	vsel vm8, $0xFFFFFFFF, v2  }
0x21: {  	vm7 =	vmmov $0xfff;
	s20 =	sadd.s32 $0x1100, s2;
	[smem:$0x7F8] =	sst s0;
	s0 =	simm.s32 @!p0 $0x0;
	[tilespmem:$0x1FFA0] =	vst v2;
	v2 =	vimm.s32 $0x0  }
0x22: {  	vm12 =	vmmov $0x1;
	[dreg:$0x10] =	wrdreg s24;
	s0 =	simm.s32 @p0 $0x1;
	p0 =	sgt.u32 s12, $0x9;
	v2 =	vsel vm7, $0xFFFFFFFF, v2  }
0x23: {  	v0 =	vlaneseq.u32;
	vm6 =	vmmov $0x1fff;
	s24 =	simm.s32 $0x8580;
	[smem:$0x7F9] =	sst s0;
	s0 =	simm.s32 @!p0 $0x0;
	[tilespmem:$0x1FFB0] =	vst v2;
	v2 =	vimm.s32 $0x0  }
0x24: {  	v1 =	vimm.s32 $0x0;
	vm4 =	vcmask $0x70C;
	s2 =	simm.s32 $0x1;
	s0 =	simm.s32 @p0 $0x1;
	p0 =	sgt.u32 s12, $0x8;
	v2 =	vsel vm6, $0xFFFFFFFF, v2  }
0x25: {  	s17 =	simm.s32 $0x7;
	vm14 =	vmmov vm4;
	vm4 =	vmmov $0x3fff;
	[smem:$0x7FA] =	sst s0;
	s0 =	simm.s32 @!p0 $0x0;
	[tilespmem:$0x1FFC0] =	vst v2;
	v2 =	vimm.s32 $0x0  }
0x26: {  	vm15 =	vcmask $0x308;
	vm9 =	vcmask $0xB10;
	s22 =	simm.s32 $0xD;
	s0 =	simm.s32 @p0 $0x1;
	p0 =	sgt.u32 s12, $0x7;
	v2 =	vsel vm4, $0xFFFFFFFF, v2  }
.Ltmp0:
0x27: {  	vm2 =	vcmask $0xF14;
	[smem:$0x7FB] =	sst s0;
	s0 =	simm.s32 @!p0 $0x0;
	vm4 =	vmmov $0x7fff;
	[tilespmem:$0x1FFD0] =	vst v2;
	v2 =	vimm.s32 $0x0;
	(pc) =	sbr.rel .LBB2_1-.Ltmp0, $4  }
0x28: {  	vm1 =	vcmask $0x1318;
	vm5 =	vcmask $0x171C;
	s1 =	simm.s32 $0x0;
	s0 =	simm.s32 @p0 $0x1;
	p0 =	sgt.u32 s12, $0x6;
	v2 =	vsel vm4, $0xFFFFFFFF, v2  }
0x29: {  	vm10 =	vcmask $0x1F24;
	vm3 =	vcmask $0x2328;
	s15 =	simm.s32 $0x3580;
	[smem:$0x7FC] =	sst s0;
	s0 =	simm.s32 @!p0 $0x0;
	[tilespmem:$0x1FFE0] =	vst v2;
	v2 =	vimm.s32 $0x0  }
0x2a: {  	vm13 =	vcmask $0x2B30;
	s16 =	simm.s32 $0x3D80;
	vm0 =	vcmask $0x272C;
	s0 =	simm.s32 @p0 $0x1;
	p0 =	sgt.u32 s12, $0x1;
	v2 =	vsel vm12, $0xFFFFFFFF, v2  }
0x2b: {  	vm8 =	vcmask $0x2F34;
	vm7 =	vcmask $0x3338;
	s12 =	simm.s32 $0x8;
	vm6 =	vcmask $0x373C;
	[smem:$0x7FD] =	sst s0;
	s0 =	simm.s32 $0xF;
	[tilespmem:$0x1FFF0] =	vst v2  }
.LBB2_5:
0x2c: {  	s1 =	sadd.s32 $0x1, s1;
	s8 =	rddreg [dreg:$0x11]  }
0x2d: {  	p2 =	sne.s32 s1, s8  }
.Ltmp1:
0x2e: {  	_ = 	snop;
	(pc) =	sbr.rel @!p2 .LBB2_6-.Ltmp1, $2  }
0x2f: {  	_ =	sdelay $0x2  }
0x30: {  	vm0 =	vcmask $0x272C  }
.LBB2_1:
0x31: {  	s7 =	rddreg [dreg:$0x12]  }
0x32: {  	[tilespmem:s23], [sflag:$0x1] =	stream.linear.gather [hbm4b:s7+s4], $0x4000, $0x38;
	[tilespmem:$0x1C590] =	vst v63  }
0x33: {  	s8 =	rddreg [dreg:$0x6]  }
0x34: {  	[tilespmem:s9], [sflag:$0x2] =	stream.linear.gather [hbm4b:s8+s4], $0x4000, $0x38;
	[tilespmem:$0x1C590] =	vst v63  }
0x35: {  	s9 =	rddreg [dreg:$0x7]  }
0x36: {  	[tilespmem:s24], [sflag:$0x3] =	stream.linear.gather [hbm4b:s9+s4], $0x4000, $0x38;
	[tilespmem:$0x1C590] =	vst v63  }
0x37: {  	s7 =	rddreg [dreg:$0x8]  }
0x38: {  	[tilespmem:s25], [sflag:$0x4] =	stream.linear.gather [hbm4b:s7+s4], $0x4000, $0x38;
	[tilespmem:$0x1C590] =	vst v63  }
0x39: {  	s9 =	rddreg [dreg:$0x9];
	s24 =	simm.s32 $0x10580  }
0x3a: {  	[tilespmem:s24], [sflag:$0x5] =	stream.linear.gather [hbm4b:s9+s4], $0x4000, $0x38;
	[tilespmem:$0x1C590] =	vst v63  }
0x3b: {  	s25 =	rddreg [dreg:$0xa];
	s7 =	simm.s32 $0x14580  }
0x3c: {  	[tilespmem:s7], [sflag:$0x6] =	stream.linear.gather [hbm4b:s25+s4], $0x4000, $0x38;
	[tilespmem:$0x1C590] =	vst v63  }
0x3d: {  	s9 =	rddreg [dreg:$0xb];
	s24 =	simm.s32 $0x18580  }
0x3e: {  	[tilespmem:s24], [sflag:$0x7] =	stream.linear.gather [hbm4b:s9+s4], $0x4000, $0x38;
	[tilespmem:$0x1C590] =	vst v63  }
0x3f: {  	s25 =	rddreg [dreg:$0xc]  }
0x40: {  	[tilespmem:s4], [sflag:$0x10] =	stream.linear.gather [hbm4b:s25+s4], $0x100, $0x38;
	[tilespmem:$0x1C590] =	vst v63  }
0x41: {  	_ =	swait.ge [sflag:s31], $0x100  }
0x42: {  	[sflag:s31] =	ssyncset.done $0x0  }
0x43: {  	s24 =	simm.s32 $0x0;
	[sflag:s31] =	ssyncadd.s32 $0xFFFFFF00  }
0x44: {  	v2 =	vld [tilespmem:s24+$0x0];
	_ =	sdelay $0x4  }
0x45: {  	v3 =	vsel vm4, $0x0, v2  }
0x46: {  	v4 =	vsel vm6, $0x0, v2;
	(xrf0) =	vadd.scan.msk.s32 $0xffff, v3  }
0x47: {  	v3 =	vsel vm7, $0x0, v2;
	(xrf0) =	vadd.scan.msk.s32 $0xffff, v4  }
0x48: {  	v4 =	vsel vm8, $0x0, v2;
	(xrf0) =	vadd.scan.msk.s32 $0xffff, v3  }
0x49: {  	v3 =	vsel vm13, $0x0, v2;
	(xrf0) =	vadd.scan.msk.s32 $0xffff, v4  }
0x4a: {  	v4 =	vsel vm0, $0x0, v2;
	(xrf0) =	vadd.scan.msk.s32 $0xffff, v3;
	v3 =	vsel vm3, $0x0, v2  }
0x4b: {  	(xrf0) =	vadd.scan.msk.s32 $0xffff, v4;
	v4 =	vnsel vm12, $0x0, v2  }
0x4c: {  	v5 =	vsel vm10, $0x0, v2;
	vm10 =	vcmask $0x1B20  }
0x4d: {  	v6 =	vsel vm10, $0x0, v2;
	(xrf0) =	vadd.scan.msk.s32 $0xffff, v3;
	v3, _, _ =	vpop (xrf0)  }
0x4e: {  	v7 =	vsel vm5, $0x0, v2;
	(xrf0) =	vadd.scan.msk.s32 $0xffff, v4;
	v4, _, _ =	vpop (xrf0)  }
0x4f: {  	v8 =	vsel vm1, $0x0, v2;
	(xrf0) =	vadd.scan.msk.s32 $0xffff, v5;
	v5, _, _ =	vpop (xrf0)  }
0x50: {  	v9 =	vsel vm2, $0x0, v2;
	(xrf0) =	vadd.scan.msk.s32 $0xffff, v6;
	v6, _, _ =	vpop (xrf0)  }
0x51: {  	(xrf0) =	vadd.scan.msk.s32 $0xffff, v7;
	v7, _, _ =	vpop (xrf0)  }
0x52: {  	v10 =	vsel vm15, $0x0, v2;
	v11 =	vsel vm14, $0x0, v2;
	vm15 =	vmmov vm3;
	(xrf0) =	vadd.scan.msk.s32 $0xffff, v8;
	v8, _, _ =	vpop (xrf0)  }
0x53: {  	vm1 =	vmmov vm0;
	vm13 =	vmmov vm6;
	v2 =	vsel vm9, $0x0, v2;
	(xrf0) =	vadd.scan.msk.s32 $0xffff, v9;
	v9, _, _ =	vpop (xrf0)  }
0x54: {  	vm0 =	vmmov vm10;
	v3 =	vbroadcast v3, $0xF;
	v5 =	vbroadcast v5, $0xF;
	v12, _, _ =	vpop (xrf0);
	(xrf0) =	vadd.scan.msk.s32 $0xffff, v10  }
0x55: {  	vm12 =	vmmov vm4;
	v7 =	vbroadcast v7, $0xF;
	v8 =	vbroadcast v8, $0xF;
	(xrf0) =	vadd.scan.msk.s32 $0xffff, v11;
	v10, _, _ =	vpop (xrf0)  }
0x56: {  	vm9 =	vmmov vm7;
	v6 =	vbroadcast v6, $0xF;
	v11 =	vbroadcast v12, $0xF;
	(xrf0) =	vadd.scan.msk.s32 $0xffff, v2;
	v2, _, _ =	vpop (xrf0)  }
0x57: {  	v9 =	vbroadcast v9, $0xF;
	vm10 =	veq.s32 v7, v0;
	vm8 =	veq.s32 v8, v0;
	v12, _, _ =	vpop (xrf0)  }
0x58: {  	v10 =	vbroadcast v10, $0xF;
	vm3 =	veq.s32 v11, v0;
	v2 =	vbroadcast v2, $0xF;
	v13, _, _ =	vpop (xrf0)  }
0x59: {  	v12 =	vbroadcast v12, $0xF;
	v17 =	vsel vm3, $0x1, v1;
	v19 =	vnsel vm3, $0x0, v1;
	v14, _, _ =	vpop (xrf0)  }
0x5a: {  	s25 =	simm.s32 $0x10;
	vm3 =	veq.s32 v10, v0;
	v13 =	vbroadcast v13, $0xF;
	vm2 =	veq.s32 v2, v0;
	v15, _, _ =	vpop (xrf0)  }
0x5b: {  	v2 =	vld [tilespmem:s25+$0x0];
	v14 =	vbroadcast v14, $0xF;
	vm11 =	veq.s32 v12, v0;
	v15 =	vbroadcast v15, $0xF;
	v16, _, _ =	vpop (xrf0)  }
0x5c: {  	v18 =	vsel vm2, $0x1, v1;
	vm14 =	veq.s32 v13, v0;
	v11 =	vbroadcast v16, $0xF;
	v16, _, _ =	vpop (xrf0)  }
0x5d: {  	vm7 =	veq.s32 v14, v0;
	vm4 =	veq.s32 v15, v0;
	v15 =	vbroadcast v16, $0xF  }
0x5e: {  	v16 =	vadd.s32 v17, v1;
	v17 =	vsel vm4, $0x1, v1;
	vm5 =	veq.s32 v11, v0  }
0x5f: {  	v11 =	vadd.s32 v17, v16;
	v17 =	vsel vm5, $0x1, v1;
	vm6 =	veq.s32 v15, v0  }
0x60: {  	v7 =	vsel vm13, $0x0, v2;
	v15 =	vadd.s32 v17, v11;
	v17 =	vsel vm6, $0x1, v1  }
0x61: {  	v16 =	vnsel vm4, $0x0, v16;
	v14 =	vadd.s32 v17, v15;
	v17 =	vsel vm7, $0x1, v1  }
0x62: {  	vm4 =	veq.s32 v9, v0;
	v13 =	vadd.s32 v17, v14;
	v17 =	vsel vm14, $0x1, v1  }
0x63: {  	(xrf0) =	vadd.scan.msk.s32 $0xffff, v16;
	v11 =	vnsel vm5, $0x0, v11;
	v12 =	vadd.s32 v17, v13;
	v17 =	vsel vm11, $0x1, v1  }
0x64: {  	v16 =	vsel vm3, $0x1, v1;
	vm5 =	veq.s32 v6, v0;
	(xrf0) =	vadd.scan.msk.s32 $0xffff, v19;
	v17 =	vadd.s32 v17, v12  }
0x65: {  	v9 =	vnsel vm6, $0x0, v15;
	v15 =	vsel vm4, $0x1, v1;
	(xrf0) =	vadd.scan.msk.s32 $0xffff, v11;
	v10 =	vadd.s32 v18, v17  }
0x66: {  	vm6 =	vcmask $0x2F34;
	v14 =	vnsel vm7, $0x0, v14;
	(xrf0) =	vadd.scan.msk.s32 $0xffff, v9;
	v11 =	vadd.s32 v16, v10  }
0x67: {  	v9 =	vsel vm12, $0x0, v2;
	(xrf0) =	vadd.scan.msk.s32 $0xffff, v14;
	v14 =	vsel vm8, $0x1, v1;
	v8 =	vadd.s32 v15, v11  }
0x68: {  	vm7 =	veq.s32 v5, v0;
	(xrf0) =	vadd.scan.msk.s32 $0xffff, v9;
	v9 =	vadd.s32 v14, v8;
	v14 =	vsel vm10, $0x1, v1  }
0x69: {  	v6 =	vadd.s32 v14, v9;
	v14 =	vsel vm6, $0x0, v2;
	vm6 =	vcmask $0x2B30  }
0x6a: {  	v15 =	vsel vm9, $0x0, v2;
	v5 =	vsel vm6, $0x0, v2;
	vm6 =	veq.s32 v3, v0;
	v3 =	vld [tilespmem:$0x1FFF0]  }
0x6b: {  	v4 =	vbroadcast v4, $0xF;
	(xrf0) =	vadd.scan.msk.s32 $0xffff, v7  }
0x6c: {  	v19 =	vsel vm1, $0x0, v2;
	vm12 =	vcmask $0x1F24;
	v7, _, _ =	vpop (xrf0);
	(xrf0) =	vadd.scan.msk.s32 $0xffff, v15  }
0x6d: {  	v21 =	vsel vm12, $0x0, v2;
	v16 =	vsel vm5, $0x1, v1;
	vm9 =	veq.s32 v4, v0;
	v15, _, _ =	vpop (xrf0);
	(xrf0) =	vadd.scan.msk.s32 $0xffff, v14  }
0x6e: {  	v18 =	vsel vm7, $0x1, v1;
	v20 =	vsel vm9, $0x1, v1;
	v16 =	vadd.s32 v16, v6;
	v14, _, _ =	vpop (xrf0);
	(xrf0) =	vadd.scan.msk.s32 $0xffff, v5  }
0x6f: {  	v4 =	vadd.s32 v18, v16;
	v18 =	vsel vm15, $0x0, v2;
	v5, _, _ =	vpop (xrf0);
	(xrf0) =	vadd.scan.msk.s32 $0xffff, v19;
	vm1 =	vnez.u8 v3  }
0x70: {  	v19, _, _ =	vpop (xrf0);
	(xrf0) =	vadd.scan.msk.s32 $0xffff, v18;
	v18 =	vadd.s32 v20, v4;
	v20 =	vsel vm6, $0x1, v1;
	v3 =	vnsel vm1, $0x0, v2  }
0x71: {  	v28, _, _ =	vpop (xrf0);
	(xrf0) =	vadd.scan.msk.s32 $0xffff, v3;
	v3 =	vadd.s32 v20, v18;
	v20 =	vsel vm0, $0x0, v2;
	vm0 =	vcmask $0x171C  }
0x72: {  	v13 =	vnsel vm14, $0x0, v13;
	v22, _, _ =	vpop (xrf0);
	v23 =	vsel vm0, $0x0, v2;
	vm0 =	vcmask $0x1318  }
0x73: {  	v12 =	vnsel vm11, $0x0, v12;
	(xrf0) =	vadd.scan.msk.s32 $0xffff, v21;
	v21, _, _ =	vpop (xrf0);
	v24 =	vsel vm0, $0x0, v2;
	vm0 =	vcmask $0xF14  }
0x74: {  	v17 =	vnsel vm2, $0x0, v17;
	(xrf0) =	vadd.scan.msk.s32 $0xffff, v20;
	v20, _, _ =	vpop (xrf0);
	v25 =	vsel vm0, $0x0, v2;
	vm0 =	vcmask $0x308  }
0x75: {  	v10 =	vnsel vm3, $0x0, v10;
	(xrf0) =	vadd.scan.msk.s32 $0xffff, v23;
	v23, _, _ =	vpop (xrf0);
	v26 =	vsel vm0, $0x0, v2;
	vm0 =	vcmask $0x70C  }
0x76: {  	v11 =	vnsel vm4, $0x0, v11;
	(xrf0) =	vadd.scan.msk.s32 $0xffff, v24;
	v24, _, _ =	vpop (xrf0);
	v27 =	vsel vm0, $0x0, v2;
	vm0 =	vcmask $0xB10  }
0x77: {  	v7 =	vbroadcast v7, $0xF;
	v8 =	vnsel vm8, $0x0, v8;
	(xrf0) =	vadd.scan.msk.s32 $0xffff, v25;
	v25, _, _ =	vpop (xrf0);
	v2 =	vsel vm0, $0x0, v2  }
0x78: {  	v9 =	vnsel vm10, $0x0, v9;
	v6 =	vnsel vm5, $0x0, v6;
	(xrf0) =	vadd.scan.msk.s32 $0xffff, v26;
	v26 =	vbroadcast v23, $0xF;
	v23 =	vld [tilespmem:$0x1FF10];
	v29, _, _ =	vpop (xrf0)  }
0x79: {  	v15 =	vbroadcast v15, $0xF;
	v16 =	vnsel vm7, $0x0, v16;
	v30 =	vbroadcast v5, $0xF;
	(xrf0) =	vadd.scan.msk.s32 $0xffff, v27;
	v5, _, _ =	vpop (xrf0)  }
0x7a: {  	v14 =	vbroadcast v14, $0xF;
	v4 =	vnsel vm9, $0x0, v4;
	v32 =	vbroadcast v19, $0xF;
	(xrf0) =	vadd.scan.msk.s32 $0xffff, v2;
	v2, _, _ =	vpop (xrf0)  }
0x7b: {  	v34 =	vnsel vm6, $0x0, v18;
	v31 =	vbroadcast v22, $0xF;
	v27 =	vbroadcast v20, $0xF;
	v20, _, _ =	vpop (xrf0)  }
0x7c: {  	v7 =	vsel vm1, v15, v7;
	v19 =	vbroadcast v29, $0xF;
	v29 =	vbroadcast v21, $0xF;
	v21, _, _ =	vpop (xrf0)  }
0x7d: {  	v24 =	vbroadcast v24, $0xF;
	v15 =	vbroadcast v25, $0xF;
	vm0 =	vnez.u8 v23;
	v22, _, _ =	vpop (xrf0)  }
0x7e: {  	v5 =	vbroadcast v5, $0xF;
	v2 =	vbroadcast v2, $0xF;
	v33 =	vsel vm0, v7, v14;
	v14, _, _ =	vpop (xrf0)  }
0x7f: {  	vm5 =	veq.s32 v19, v0;
	v7 =	vbroadcast v20, $0xF;
	v14 =	vbroadcast v14, $0xF;
	v20, _, _ =	vpop (xrf0)  }
0x80: {  	(xrf0) =	vadd.scan.msk.s32 $0xffff, v13;
	v13 =	vsel vm5, $0x1, v1;
	v18 =	vbroadcast v21, $0xF;
	v19 =	vbroadcast v20, $0xF;
	v21, _, _ =	vpop (xrf0)  }
0x81: {  	v35 =	vadd.s32 v13, v3;
	vm1 =	veq.s32 v14, v0;
	v14 =	vbroadcast v21, $0xF  }
0x82: {  	(xrf0) =	vadd.scan.msk.s32 $0xffff, v12;
	v20 =	vbroadcast v22, $0xF;
	v12 =	vsel vm1, $0x1, v1;
	vm13 =	veq.s32 v19, v0  }
0x83: {  	(xrf0) =	vadd.scan.msk.s32 $0xffff, v17;
	v21 =	vadd.s32 v12, v35;
	v12 =	vsel vm13, $0x1, v1;
	vm2 =	veq.s32 v14, v0  }
0x84: {  	(xrf0) =	vadd.scan.msk.s32 $0xffff, v10;
	vm10 =	veq.s32 v20, v0;
	v23 =	vadd.s32 v12, v21;
	v10 =	vsel vm2, $0x1, v1  }
0x85: {  	(xrf0) =	vadd.scan.msk.s32 $0xffff, v11;
	vm3 =	veq.s32 v18, v0;
	v25 =	vadd.s32 v10, v23;
	v10 =	vsel vm10, $0x1, v1  }
0x86: {  	(xrf0) =	vadd.scan.msk.s32 $0xffff, v8;
	vm7 =	veq.s32 v7, v0;
	v8 =	vsel vm3, $0x1, v1;
	v17 =	vadd.s32 v10, v25  }
0x87: {  	vm9 =	veq.s32 v2, v0;
	v7 =	vsel vm7, $0x1, v1;
	v18 =	vadd.s32 v8, v17  }
0x88: {  	vm11 =	veq.s32 v5, v0;
	v2 =	vsel vm9, $0x1, v1;
	v19 =	vadd.s32 v7, v18  }
0x89: {  	vm15 =	veq.s32 v15, v0;
	v20 =	vadd.s32 v2, v19;
	v2 =	vsel vm11, $0x1, v1  }
0x8a: {  	vm6 =	veq.s32 v24, v0;
	v22 =	vadd.s32 v2, v20;
	v2 =	vsel vm15, $0x1, v1  }
0x8b: {  	vm14 =	veq.s32 v26, v0;
	v13, _, _ =	vpop (xrf0);
	(xrf0) =	vadd.scan.msk.s32 $0xffff, v9;
	v24 =	vadd.s32 v2, v22;
	v2 =	vsel vm6, $0x1, v1  }
0x8c: {  	vm4 =	veq.s32 v27, v0;
	v14, _, _ =	vpop (xrf0);
	(xrf0) =	vadd.scan.msk.s32 $0xffff, v6;
	v26 =	vadd.s32 v2, v24;
	v2 =	vsel vm14, $0x1, v1  }
0x8d: {  	vm12 =	veq.s32 v29, v0;
	v9 =	vld [tilespmem:$0x1FF20];
	v12, _, _ =	vpop (xrf0);
	(xrf0) =	vadd.scan.msk.s32 $0xffff, v16;
	v27 =	vadd.s32 v2, v26;
	v2 =	vsel vm4, $0x1, v1  }
0x8e: {  	v11, _, _ =	vpop (xrf0);
	(xrf0) =	vadd.scan.msk.s32 $0xffff, v4;
	v29 =	vadd.s32 v2, v27;
	v2 =	vsel vm12, $0x1, v1  }
0x8f: {  	v4 =	vbroadcast v28, $0xF;
	v6, _, _ =	vpop (xrf0);
	(xrf0) =	vadd.scan.msk.s32 $0xffff, v34;
	v28 =	vadd.s32 v2, v29;
	v2 =	vld [tilespmem:$0x1FF30]  }
0x90: {  	v8, _, _ =	vpop (xrf0)  }
0x91: {  	v5, _, _ =	vpop (xrf0)  }
0x92: {  	vm0 =	vnez.u8 v9;
	v7, _, _ =	vpop (xrf0)  }
0x93: {  	v15 =	vsel vm0, v33, v30;
	vm0 =	veq.s32 v31, v0;
	v31 =	vnsel vm1, $0x0, v35;
	v9, _, _ =	vpop (xrf0)  }
0x94: {  	s8 =	simm.s32 $0x20;
	v16 =	vsel vm0, $0x1, v1;
	vm8 =	veq.s32 v4, v0;
	v10, _, _ =	vpop (xrf0);
	vm1 =	vnez.u8 v2  }
0x95: {  	s9 =	simm.s32 $0xC0;
	v30 =	vsel vm8, $0x1, v1;
	v16 =	vadd.s32 v16, v28;
	v2, _, _ =	vpop (xrf0);
	v4 =	vsel vm1, v15, v32;
	v15 =	vld [tilespmem:s8+$0x0]  }
.LBB2_2:
0x96: {  	(xrf0) =	vadd.scan.msk.s32 $0xffff, v31;
	v31 =	vnsel vm3, $0x0, v17;
	v17 =	vld [tilespmem:$0x1FFE0];
	_ =	sdelay $0x1  }
0x97: {  	v32 =	vnsel vm5, $0x0, v3  }
0x98: {  	v21 =	vnsel vm13, $0x0, v21;
	(xrf0) =	vadd.scan.msk.s32 $0xffff, v32  }
0x99: {  	v3 =	vadd.s32 v30, v16;
	v30 =	vnsel vm2, $0x0, v23;
	(xrf0) =	vadd.scan.msk.s32 $0xffff, v21  }
0x9a: {  	v25 =	vnsel vm10, $0x0, v25;
	(xrf0) =	vadd.scan.msk.s32 $0xffff, v30;
	vm1 =	vnez.u8 v17  }
0x9b: {  	vm2 =	vcmask $0x373C;
	(xrf0) =	vadd.scan.msk.s32 $0xffff, v25;
	v17 =	vsel vm1, $0x0, v15  }
0x9c: {  	v23 =	vnsel vm11, $0x0, v20;
	v20 =	vnsel vm14, $0x0, v26;
	v26 =	vsel vm2, $0x0, v15;
	(xrf0) =	vadd.scan.msk.s32 $0xffff, v17  }
0x9d: {  	(xrf0) =	vadd.scan.msk.s32 $0xffff, v26;
	v26 =	vld [tilespmem:$0x1FF40]  }
0x9e: {  	vm2 =	vcmask $0x3338  }
0x9f: {  	v62 =	vnsel vm7, $0x0, v18;
	v18 =	vnsel vm4, $0x0, v27;
	v27 =	vsel vm2, $0x0, v15  }
0xa0: {  	v21 =	vnsel vm6, $0x0, v24;
	v24, _, _ =	vpop (xrf0);
	(xrf0) =	vadd.scan.msk.s32 $0xffff, v27;
	v27 =	vld [tilespmem:$0x1FF50]  }
0xa1: {  	v13 =	vbroadcast v13, $0xF  }
0xa2: {  	v17 =	vnsel vm0, $0x0, v28;
	vm0 =	vnez.u8 v26  }
0xa3: {  	v4 =	vsel vm0, v4, v13;
	vm0 =	vcmask $0x2F34  }
0xa4: {  	v14 =	vbroadcast v14, $0xF;
	v13 =	vsel vm0, $0x0, v15;
	vm0 =	vcmask $0x2B30  }
0xa5: {  	v28 =	vsel vm0, $0x0, v15;
	vm0 =	vnez.u8 v27  }
0xa6: {  	v25, _, _ =	vpop (xrf0);
	(xrf0) =	vadd.scan.msk.s32 $0xffff, v13;
	v4 =	vsel vm0, v4, v14;
	vm0 =	vcmask $0x272C  }
0xa7: {  	v13 =	vbroadcast v25, $0xF;
	v25, _, _ =	vpop (xrf0);
	(xrf0) =	vadd.scan.msk.s32 $0xffff, v28;
	v14 =	vsel vm0, $0x0, v15;
	vm0 =	vcmask $0x2328  }
0xa8: {  	v26, _, _ =	vpop (xrf0);
	v28 =	vsel vm0, $0x0, v15;
	(xrf0) =	vadd.scan.msk.s32 $0xffff, v14;
	v14 =	vld [tilespmem:$0x1FFF0]  }
0xa9: {  	v33 =	vnsel vm9, $0x0, v19;
	v19 =	vnsel vm12, $0x0, v29;
	v29 =	vbroadcast v24, $0xF;
	v24, _, _ =	vpop (xrf0);
	(xrf0) =	vadd.scan.msk.s32 $0xffff, v28;
	v28 =	vld [tilespmem:$0x1FF10];
	_ =	sdelay $0x3  }
0xaa: {  	vm0 =	vnez.u8 v14  }
0xab: {  	v13 =	vsel vm0, v13, v29;
	v29 =	vnsel vm0, $0x0, v15;
	vm0 =	vnez.u8 v28;
	v28 =	vld [tilespmem:$0x1FF20];
	_ =	sdelay $0x1  }
0xac: {  	v25 =	vbroadcast v25, $0xF;
	_ =	sdelay $0x1  }
0xad: {  	v14 =	vbroadcast v26, $0xF;
	v13 =	vsel vm0, v13, v25;
	vm0 =	vcmask $0x1F24  }
0xae: {  	v30 =	vsel vm0, $0x0, v15;
	vm0 =	vnez.u8 v28  }
0xaf: {  	v13 =	vsel vm0, v13, v14;
	v14 =	vld [tilespmem:$0x1FF60];
	_ =	sdelay $0x3  }
0xb0: {  	v12 =	vbroadcast v12, $0xF  }
0xb1: {  	vm0 =	vnez.u8 v14  }
0xb2: {  	v12 =	vsel vm0, v4, v12;
	v4 =	vld [tilespmem:$0x1FF30];
	_ =	sdelay $0x3  }
0xb3: {  	v24 =	vbroadcast v24, $0xF;
	vm0 =	vcmask $0x1B20  }
0xb4: {  	v28 =	vsel vm0, $0x0, v15;
	vm0 =	vnez.u8 v4  }
0xb5: {  	v4 =	vsel vm0, v13, v24;
	v24 =	vld [tilespmem:$0x1FF70];
	_ =	sdelay $0x3  }
0xb6: {  	vm0 =	vcmask $0x171C  }
0xb7: {  	v27, _, _ =	vpop (xrf0);
	(xrf0) =	vadd.scan.msk.s32 $0xffff, v29;
	v29 =	vsel vm0, $0x0, v15;
	vm0 =	vnez.u8 v24;
	v24 =	vld [tilespmem:$0x1FF80];
	_ =	sdelay $0x1  }
0xb8: {  	v11 =	vbroadcast v11, $0xF;
	_ =	sdelay $0x1  }
0xb9: {  	v26, _, _ =	vpop (xrf0);
	(xrf0) =	vadd.scan.msk.s32 $0xffff, v30;
	v11 =	vsel vm0, v12, v11;
	vm0 =	vcmask $0x1318  }
0xba: {  	v25, _, _ =	vpop (xrf0);
	(xrf0) =	vadd.scan.msk.s32 $0xffff, v28;
	v28 =	vsel vm0, $0x0, v15;
	vm0 =	vnez.u8 v24;
	v24 =	vld [tilespmem:$0x1FF90];
	_ =	sdelay $0x1  }
0xbb: {  	v6 =	vbroadcast v6, $0xF;
	_ =	sdelay $0x1  }
0xbc: {  	v8 =	vbroadcast v8, $0xF;
	v14, _, _ =	vpop (xrf0);
	v6 =	vsel vm0, v11, v6;
	vm0 =	vcmask $0xF14  }
0xbd: {  	v13, _, _ =	vpop (xrf0);
	(xrf0) =	vadd.scan.msk.s32 $0xffff, v29;
	v29 =	vsel vm0, $0x0, v15;
	vm0 =	vnez.u8 v24  }
0xbe: {  	v12, _, _ =	vpop (xrf0);
	(xrf0) =	vadd.scan.msk.s32 $0xffff, v28;
	v6 =	vsel vm0, v6, v8;
	vm0 =	vcmask $0x308  }
0xbf: {  	v11, _, _ =	vpop (xrf0);
	(xrf0) =	vadd.scan.msk.s32 $0xffff, v29;
	v8 =	vsel vm0, $0x0, v15  }
0xc0: {  	v28, _, _ =	vpop (xrf0);
	(xrf0) =	vadd.scan.msk.s32 $0xffff, v8;
	v8 =	vld [tilespmem:$0x1FFA0];
	_ =	sdelay $0x3  }
0xc1: {  	v5 =	vbroadcast v5, $0xF;
	vm0 =	vcmask $0x70C  }
0xc2: {  	v24 =	vsel vm0, $0x0, v15;
	vm0 =	vnez.u8 v8  }
0xc3: {  	v5 =	vsel vm0, v6, v5;
	vm0 =	vcmask $0xB10  }
0xc4: {  	(xrf0) =	vadd.scan.msk.s32 $0xffff, v24;
	v24 =	vld [tilespmem:$0x1FFB0];
	v6 =	vbroadcast v10, $0xF;
	v10 =	vsel vm0, $0x0, v15  }
0xc5: {  	v15, _, _ =	vpop (xrf0);
	(xrf0) =	vadd.scan.msk.s32 $0xffff, v10;
	v10 =	vld [tilespmem:$0x1FFC0];
	_ =	sdelay $0x2  }
0xc6: {  	v29 =	vbroadcast v7, $0xF  }
0xc7: {  	vm0 =	vnez.u8 v24  }
0xc8: {  	v5 =	vsel vm0, v5, v29;
	vm0 =	vnez.u8 v10;
	v10 =	vld [tilespmem:$0x1FFD0]  }
0xc9: {  	v9 =	vbroadcast v9, $0xF;
	_ =	sdelay $0x1  }
0xca: {  	v22 =	vnsel vm15, $0x0, v22;
	v30 =	vbroadcast v27, $0xF  }
0xcb: {  	v27 =	vbroadcast v14, $0xF;
	v8 =	vbroadcast v28, $0xF;
	v7, _, _ =	vpop (xrf0);
	v5 =	vsel vm0, v5, v9  }
0xcc: {  	v28 =	vbroadcast v26, $0xF;
	v26 =	vbroadcast v13, $0xF;
	v9, _, _ =	vpop (xrf0);
	vm0 =	vnez.u8 v10  }
0xcd: {  	v24 =	vbroadcast v11, $0xF;
	v29 =	vbroadcast v25, $0xF;
	(xrf0) =	vadd.scan.msk.s32 $0xffff, v31;
	v14 =	vsel vm0, v5, v6;
	v6, _, _ =	vpop (xrf0)  }
0xce: {  	v15 =	vbroadcast v15, $0xF;
	v7 =	vbroadcast v7, $0xF;
	(xrf0) =	vadd.scan.msk.s32 $0xffff, v62;
	v2 =	vsel vm1, v14, v2;
	v5, _, _ =	vpop (xrf0)  }
0xcf: {  	v10 =	vbroadcast v12, $0xF;
	(xrf0) =	vadd.scan.msk.s32 $0xffff, v33;
	[tilespmem:s24+$0x100] =	vst v2;
	v2 =	vbroadcast v9, $0xF;
	v9, _, _ =	vpop (xrf0)  }
0xd0: {  	v16 =	vnsel vm8, $0x0, v16;
	v6 =	vbroadcast v6, $0xF;
	(xrf0) =	vadd.scan.msk.s32 $0xffff, v23;
	v9 =	vbroadcast v9, $0xF;
	v11, _, _ =	vpop (xrf0)  }
0xd1: {  	vm5 =	veq.s32 v8, v0;
	v5 =	vbroadcast v5, $0xF;
	(xrf0) =	vadd.scan.msk.s32 $0xffff, v22;
	v8 =	vbroadcast v11, $0xF;
	v11, _, _ =	vpop (xrf0)  }
0xd2: {  	v22 =	vsel vm5, $0x1, v1;
	(xrf0) =	vadd.scan.msk.s32 $0xffff, v21;
	vm1 =	veq.s32 v9, v0;
	v9 =	vbroadcast v11, $0xF  }
0xd3: {  	v31 =	vadd.s32 v22, v3;
	v13, _, _ =	vpop (xrf0);
	(xrf0) =	vadd.scan.msk.s32 $0xffff, v20;
	v20 =	vsel vm1, $0x1, v1;
	vm13 =	veq.s32 v8, v0  }
0xd4: {  	v21 =	vadd.s32 v20, v31;
	v8 =	vsel vm13, $0x1, v1;
	vm2 =	veq.s32 v9, v0  }
0xd5: {  	vm10 =	veq.s32 v5, v0;
	v14, _, _ =	vpop (xrf0);
	(xrf0) =	vadd.scan.msk.s32 $0xffff, v18;
	v23 =	vadd.s32 v8, v21;
	v9 =	vsel vm2, $0x1, v1  }
0xd6: {  	vm3 =	veq.s32 v6, v0;
	v12, _, _ =	vpop (xrf0);
	(xrf0) =	vadd.scan.msk.s32 $0xffff, v19;
	v19 =	vsel vm10, $0x1, v1;
	v25 =	vadd.s32 v9, v23  }
0xd7: {  	vm7 =	veq.s32 v2, v0;
	v11, _, _ =	vpop (xrf0);
	(xrf0) =	vadd.scan.msk.s32 $0xffff, v17;
	v9 =	vsel vm3, $0x1, v1;
	v17 =	vadd.s32 v19, v25  }
0xd8: {  	vm9 =	veq.s32 v7, v0;
	v2 =	vsel vm7, $0x1, v1;
	v18 =	vadd.s32 v9, v17  }
0xd9: {  	vm11 =	veq.s32 v15, v0;
	v19 =	vadd.s32 v2, v18;
	v2 =	vsel vm9, $0x1, v1  }
0xda: {  	vm15 =	veq.s32 v24, v0;
	v63 =	vsel vm11, $0x1, v1;
	v20 =	vadd.s32 v2, v19  }
0xdb: {  	vm6 =	veq.s32 v10, v0;
	v6, _, _ =	vpop (xrf0);
	(xrf0) =	vadd.scan.msk.s32 $0xffff, v16;
	v16 =	vsel vm15, $0x1, v1;
	v22 =	vadd.s32 v63, v20  }
0xdc: {  	p2 =	sne.s32 s9, $0x3C0;
	vm14 =	veq.s32 v26, v0;
	v15 =	vsel vm6, $0x1, v1;
	v8, _, _ =	vpop (xrf0);
	v24 =	vadd.s32 v16, v22  }
.Ltmp2:
0xdd: {  	vm4 =	veq.s32 v27, v0;
	v5, _, _ =	vpop (xrf0);
	v26 =	vadd.s32 v15, v24;
	v15 =	vsel vm14, $0x1, v1;
	(pc) =	sbr.rel @p2 .LBB2_2-.Ltmp2, $4  }
0xde: {  	vm12 =	veq.s32 v29, v0;
	v7, _, _ =	vpop (xrf0);
	v27 =	vadd.s32 v15, v26;
	v15 =	vsel vm4, $0x1, v1  }
0xdf: {  	vm0 =	veq.s32 v28, v0;
	v9, _, _ =	vpop (xrf0);
	v29 =	vadd.s32 v15, v27;
	v15 =	vsel vm12, $0x1, v1  }
0xe0: {  	vm8 =	veq.s32 v30, v0;
	s24 =	smov.u32 s25;
	s25 =	smov.u32 s8;
	s8 =	sshra.s32 s9, $0x2;
	v10, _, _ =	vpop (xrf0);
	v16 =	vsel vm0, $0x1, v1;
	v28 =	vadd.s32 v15, v29  }
0xe1: {  	v30 =	vsel vm8, $0x1, v1;
	s9 =	sadd.s32 $0x40, s9;
	v31 =	vnsel vm1, $0x0, v31;
	v2, _, _ =	vpop (xrf0);
	v15 =	vld [tilespmem:s8+$0x0];
	v16 =	vadd.s32 v16, v28  }
0xe2: {  	v3 =	vnsel vm5, $0x0, v3;
	(xrf0) =	vadd.scan.msk.s32 $0xffff, v31  }
0xe3: {  	v21 =	vnsel vm13, $0x0, v21;
	(xrf0) =	vadd.scan.msk.s32 $0xffff, v3  }
0xe4: {  	v3 =	vnsel vm2, $0x0, v23;
	(xrf0) =	vadd.scan.msk.s32 $0xffff, v21  }
0xe5: {  	(xrf0) =	vadd.scan.msk.s32 $0xffff, v3;
	v3 =	vld [tilespmem:$0x1FFE0];
	_ =	sdelay $0x4  }
0xe6: {  	v56 =	vnsel vm10, $0x0, v25;
	vm1 =	vnez.u8 v3  }
0xe7: {  	v33 =	vld [tilespmem:$0x1FFF0];
	(xrf0) =	vadd.scan.msk.s32 $0xffff, v56;
	v3 =	vsel vm1, $0x0, v15;
	vm1 =	vcmask $0x373C  }
0xe8: {  	vm13 =	vcmask $0x3338;
	v57 =	vsel vm1, $0x0, v15;
	(xrf0) =	vadd.scan.msk.s32 $0xffff, v3  }
0xe9: {  	v3 =	vsel vm13, $0x0, v15;
	vm13 =	vcmask $0x2F34;
	vm1 =	vcmask $0x2B30;
	(xrf0) =	vadd.scan.msk.s32 $0xffff, v57  }
0xea: {  	v58, _, _ =	vpop (xrf0);
	v59 =	vsel vm13, $0x0, v15;
	(xrf0) =	vadd.scan.msk.s32 $0xffff, v3;
	v3 =	vsel vm1, $0x0, v15;
	vm1 =	vcmask $0x272C  }
0xeb: {  	v60, _, _ =	vpop (xrf0);
	(xrf0) =	vadd.scan.msk.s32 $0xffff, v59;
	v62 =	vsel vm1, $0x0, v15;
	vm1 =	vcmask $0x2328  }
0xec: {  	v61, _, _ =	vpop (xrf0);
	(xrf0) =	vadd.scan.msk.s32 $0xffff, v3;
	v3 =	vsel vm1, $0x0, v15;
	vm1 =	vnez.u8 v33  }
0xed: {  	v32, _, _ =	vpop (xrf0);
	vm13 =	vcmask $0x1F24;
	(xrf0) =	vadd.scan.msk.s32 $0xffff, v62;
	v33 =	vnsel vm1, $0x0, v15  }
0xee: {  	v63, _, _ =	vpop (xrf0);
	(xrf0) =	vadd.scan.msk.s32 $0xffff, v3;
	v3 =	vsel vm13, $0x0, v15;
	vm13 =	vcmask $0x1B20  }
0xef: {  	vm5 =	vcmask $0x171C;
	vm10 =	vcmask $0x1318;
	v34, _, _ =	vpop (xrf0);
	v35 =	vsel vm13, $0x0, v15  }
0xf0: {  	v17 =	vnsel vm3, $0x0, v17;
	v18 =	vnsel vm7, $0x0, v18;
	v36 =	vsel vm5, $0x0, v15;
	(xrf0) =	vadd.scan.msk.s32 $0xffff, v33;
	v33, _, _ =	vpop (xrf0)  }
0xf1: {  	v19 =	vnsel vm9, $0x0, v19;
	vm2 =	vcmask $0xF14;
	v37 =	vsel vm10, $0x0, v15;
	(xrf0) =	vadd.scan.msk.s32 $0xffff, v3;
	v3, _, _ =	vpop (xrf0)  }
0xf2: {  	v20 =	vnsel vm11, $0x0, v20;
	v22 =	vnsel vm15, $0x0, v22;
	v52 =	vld [tilespmem:$0x1FF50];
	v38 =	vsel vm2, $0x0, v15;
	(xrf0) =	vadd.scan.msk.s32 $0xffff, v35;
	v35, _, _ =	vpop (xrf0)  }
0xf3: {  	v24 =	vnsel vm6, $0x0, v24;
	v26 =	vnsel vm14, $0x0, v26;
	v27 =	vnsel vm4, $0x0, v27;
	v54 =	vld [tilespmem:$0x1FFF0];
	(xrf0) =	vadd.scan.msk.s32 $0xffff, v36;
	v36, _, _ =	vpop (xrf0)  }
0xf4: {  	v29 =	vnsel vm12, $0x0, v29;
	v13 =	vbroadcast v13, $0xF;
	v31 =	vld [tilespmem:$0x1FFA0];
	vm2 =	vcmask $0x308;
	(xrf0) =	vadd.scan.msk.s32 $0xffff, v37;
	v37, _, _ =	vpop (xrf0)  }
0xf5: {  	v30 =	vadd.s32 v30, v16;
	v14 =	vbroadcast v14, $0xF;
	v23 =	vld [tilespmem:$0x1FF90];
	v39 =	vsel vm2, $0x0, v15;
	(xrf0) =	vadd.scan.msk.s32 $0xffff, v38;
	v38, _, _ =	vpop (xrf0)  }
0xf6: {  	v28 =	vnsel vm0, $0x0, v28;
	v12 =	vbroadcast v12, $0xF;
	v11 =	vbroadcast v11, $0xF;
	v40, _, _ =	vpop (xrf0);
	(xrf0) =	vadd.scan.msk.s32 $0xffff, v39  }
0xf7: {  	v16 =	vnsel vm8, $0x0, v16;
	v6 =	vbroadcast v6, $0xF;
	v21 =	vbroadcast v58, $0xF;
	v58 =	vld [tilespmem:$0x1FF10];
	v48, _, _ =	vpop (xrf0)  }
0xf8: {  	vm9 =	vcmask $0xB10;
	v8 =	vbroadcast v8, $0xF;
	v25 =	vbroadcast v60, $0xF;
	v60 =	vld [tilespmem:$0x1FF20];
	v41, _, _ =	vpop (xrf0)  }
0xf9: {  	v5 =	vbroadcast v5, $0xF;
	vm10 =	vnez.u8 v52;
	v53 =	vbroadcast v61, $0xF;
	v61 =	vld [tilespmem:$0x1FF60];
	v42, _, _ =	vpop (xrf0)  }
0xfa: {  	v46 =	vld [tilespmem:$0x1FF40];
	vm12 =	vnez.u8 v54;
	vm4 =	vnez.u8 v31;
	vm2 =	vnez.u8 v23;
	v43, _, _ =	vpop (xrf0)  }
0xfb: {  	v21 =	vsel vm12, v25, v21;
	v56 =	vbroadcast v32, $0xF;
	v40 =	vbroadcast v40, $0xF;
	v44, _, _ =	vpop (xrf0)  }
0xfc: {  	v25 =	vbroadcast v9, $0xF;
	v57 =	vsel vm9, $0x0, v15;
	vm11 =	vnez.u8 v58;
	v45, _, _ =	vpop (xrf0)  }
0xfd: {  	v59 =	vbroadcast v63, $0xF;
	v63 =	vld [tilespmem:$0x1FF70];
	vm0 =	veq.s32 v40, v0;
	v49 =	vbroadcast v45, $0xF  }
0xfe: {  	vm5 =	vnez.u8 v60;
	vm7 =	vnez.u8 v61;
	v62 =	vld [tilespmem:$0x1FF30];
	v40 =	vsel vm0, $0x1, v1  }
0xff: {  	vm13 =	vnez.u8 v46;
	v50 =	vadd.s32 v40, v30;
	vm1 =	veq.s32 v49, v0  }
0x100: {  	v51 =	vsel vm1, $0x1, v1;
	v45 =	vnsel vm1, $0x0, v50;
	vm1 =	vcmask $0x70C  }
0x101: {  	v9 =	vbroadcast v34, $0xF;
	v4 =	vsel vm13, v4, v13;
	v55 =	vsel vm1, $0x0, v15;
	v15 =	vld [tilespmem:$0x1FF80]  }
0x102: {  	vm8 =	vnez.u8 v63;
	v4 =	vsel vm10, v4, v14;
	v14 =	vsel vm11, v21, v53;
	(xrf0) =	vadd.scan.msk.s32 $0xffff, v55  }
0x103: {  	v21 =	vbroadcast v7, $0xF;
	v14 =	vsel vm5, v14, v56;
	vm6 =	vnez.u8 v62  }
0x104: {  	v4 =	vsel vm7, v4, v12;
	v3 =	vbroadcast v3, $0xF;
	v12 =	vsel vm6, v14, v59;
	(xrf0) =	vadd.scan.msk.s32 $0xffff, v57  }
0x105: {  	v4 =	vsel vm8, v4, v11;
	v7 =	vbroadcast v37, $0xF;
	v60 =	vbroadcast v38, $0xF;
	(xrf0) =	vadd.scan.msk.s32 $0xffff, v17  }
0x106: {  	v47 =	vbroadcast v48, $0xF;
	v56 =	vbroadcast v41, $0xF;
	(xrf0) =	vadd.scan.msk.s32 $0xffff, v18;
	vm1 =	vnez.u8 v15  }
0x107: {  	v14 =	vnsel vm0, $0x0, v30;
	(xrf0) =	vadd.scan.msk.s32 $0xffff, v19;
	v4 =	vsel vm1, v4, v6;
	v6 =	vbroadcast v35, $0xF;
	v35 =	vld [tilespmem:$0x1FFC0]  }
0x108: {  	v52 =	vbroadcast v43, $0xF;
	(xrf0) =	vadd.scan.msk.s32 $0xffff, v20;
	v4 =	vsel vm2, v4, v8;
	v8 =	vbroadcast v10, $0xF;
	v32, _, _ =	vpop (xrf0)  }
0x109: {  	v4 =	vsel vm4, v4, v5;
	v5 =	vbroadcast v33, $0xF;
	v33 =	vld [tilespmem:$0x1FFB0];
	v10 =	vbroadcast v32, $0xF  }
0x10a: {  	v46 =	vadd.s32 v51, v50;
	v50 =	vbroadcast v42, $0xF;
	v51 =	vbroadcast v44, $0xF;
	(xrf0) =	vadd.scan.msk.s32 $0xffff, v22;
	v34, _, _ =	vpop (xrf0)  }
0x10b: {  	(xrf0) =	vadd.scan.msk.s32 $0xffff, v24;
	v11 =	vbroadcast v34, $0xF;
	v58, _, _ =	vpop (xrf0);
	v34 =	vbroadcast v36, $0xF;
	vm0 =	veq.s32 v10, v0  }
0x10c: {  	(xrf0) =	vadd.scan.msk.s32 $0xffff, v26;
	v61, _, _ =	vpop (xrf0);
	vm15 =	vnez.u8 v35;
	v48 =	vsel vm0, $0x1, v1;
	v49 =	vnsel vm0, $0x0, v46  }
0x10d: {  	(xrf0) =	vadd.scan.msk.s32 $0xffff, v27;
	vm0 =	veq.s32 v11, v0;
	v24, _, _ =	vpop (xrf0);
	v11 =	vbroadcast v58, $0xF;
	v10 =	vadd.s32 v48, v46  }
0x10e: {  	(xrf0) =	vadd.scan.msk.s32 $0xffff, v29;
	v53 =	vsel vm0, $0x1, v1;
	v13, _, _ =	vpop (xrf0);
	vm3 =	vnez.u8 v33;
	v54 =	vnsel vm0, $0x0, v10  }
0x10f: {  	(xrf0) =	vadd.scan.msk.s32 $0xffff, v28;
	vm0 =	veq.s32 v51, v0;
	v10 =	vadd.s32 v53, v10;
	v26 =	vbroadcast v13, $0xF  }
0x110: {  	v35, _, _ =	vpop (xrf0);
	(xrf0) =	vadd.scan.msk.s32 $0xffff, v16;
	v4 =	vsel vm3, v4, v21;
	v55 =	vsel vm0, $0x1, v1;
	v17 =	vnsel vm0, $0x0, v10  }
0x111: {  	vm0 =	veq.s32 v52, v0;
	v37, _, _ =	vpop (xrf0);
	(xrf0) =	vadd.scan.msk.s32 $0xffff, v45;
	v28 =	vbroadcast v35, $0xF;
	v4 =	vsel vm15, v4, v25  }
0x112: {  	v10 =	vadd.s32 v55, v10;
	v57 =	vsel vm0, $0x1, v1;
	v40, _, _ =	vpop (xrf0);
	(xrf0) =	vadd.scan.msk.s32 $0xffff, v14;
	v25 =	vbroadcast v24, $0xF  }
0x113: {  	v20 =	vnsel vm0, $0x0, v10;
	vm0 =	veq.s32 v50, v0;
	v10 =	vadd.s32 v57, v10;
	v43, _, _ =	vpop (xrf0)  }
0x114: {  	v59 =	vsel vm0, $0x1, v1;
	v22 =	vnsel vm0, $0x0, v10;
	vm0 =	veq.s32 v56, v0;
	v45, _, _ =	vpop (xrf0)  }
0x115: {  	v30 =	vbroadcast v37, $0xF;
	(xrf0) =	vadd.scan.msk.s32 $0xffff, v49;
	v10 =	vadd.s32 v59, v10;
	v62 =	vsel vm0, $0x1, v1;
	v48, _, _ =	vpop (xrf0)  }
0x116: {  	v63 =	vnsel vm0, $0x0, v10;
	vm0 =	veq.s32 v47, v0;
	v10 =	vadd.s32 v62, v10;
	v51, _, _ =	vpop (xrf0)  }
0x117: {  	(xrf0) =	vadd.scan.msk.s32 $0xffff, v54;
	v32 =	vsel vm0, $0x1, v1;
	v33 =	vnsel vm0, $0x0, v10;
	vm0 =	veq.s32 v60, v0;
	v54, _, _ =	vpop (xrf0)  }
0x118: {  	v60 =	vbroadcast v61, $0xF;
	v10 =	vadd.s32 v32, v10;
	v36 =	vsel vm0, $0x1, v1;
	v57, _, _ =	vpop (xrf0)  }
0x119: {  	v38 =	vnsel vm0, $0x0, v10;
	vm0 =	veq.s32 v7, v0;
	v58 =	vbroadcast v57, $0xF  }
0x11a: {  	(xrf0) =	vadd.scan.msk.s32 $0xffff, v17;
	v39 =	vadd.s32 v36, v10;
	v10 =	vbroadcast v40, $0xF;
	v36 =	vbroadcast v43, $0xF  }
0x11b: {  	v59, _, _ =	vpop (xrf0);
	v41 =	vsel vm0, $0x1, v1;
	v42 =	vnsel vm0, $0x0, v39;
	vm0 =	veq.s32 v34, v0  }
0x11c: {  	(xrf0) =	vadd.scan.msk.s32 $0xffff, v20;
	v20 =	vbroadcast v59, $0xF;
	v7 =	vadd.s32 v41, v39;
	v44 =	vsel vm0, $0x1, v1  }
0x11d: {  	(xrf0) =	vadd.scan.msk.s32 $0xffff, v22;
	v46 =	vnsel vm0, $0x0, v7;
	vm0 =	veq.s32 v6, v0;
	v47 =	vadd.s32 v44, v7  }
0x11e: {  	v61, _, _ =	vpop (xrf0);
	v49 =	vsel vm0, $0x1, v1;
	v50 =	vnsel vm0, $0x0, v47;
	vm0 =	veq.s32 v3, v0  }
0x11f: {  	(xrf0) =	vadd.scan.msk.s32 $0xffff, v63;
	v62 =	vbroadcast v61, $0xF;
	v6 =	vadd.s32 v49, v47;
	v52 =	vsel vm0, $0x1, v1  }
0x120: {  	v63, _, _ =	vpop (xrf0);
	v15 =	vnsel vm0, $0x0, v6;
	v53 =	vadd.s32 v52, v6;
	v6 =	vbroadcast v54, $0xF  }
0x121: {  	v11 =	vsel vm13, v12, v11;
	(xrf0) =	vadd.scan.msk.s32 $0xffff, v33;
	v39 =	vbroadcast v45, $0xF;
	v12 =	vbroadcast v63, $0xF;
	v3 =	vld [tilespmem:$0x1FFD0]  }
0x122: {  	(xrf0) =	vadd.scan.msk.s32 $0xffff, v38;
	v7 =	vbroadcast v48, $0xF;
	v29, _, _ =	vpop (xrf0);
	vm0 =	veq.s32 v5, v0;
	v6 =	vsel vm12, v58, v6  }
0x123: {  	(xrf0) =	vadd.scan.msk.s32 $0xffff, v42;
	v31, _, _ =	vpop (xrf0);
	v55 =	vsel vm0, $0x1, v1;
	v56 =	vnsel vm0, $0x0, v53;
	v6 =	vsel vm11, v6, v20  }
0x124: {  	(xrf0) =	vadd.scan.msk.s32 $0xffff, v46;
	vm0 =	veq.s32 v9, v0;
	v13 =	vbroadcast v31, $0xF;
	v6 =	vsel vm5, v6, v62  }
0x125: {  	(xrf0) =	vadd.scan.msk.s32 $0xffff, v50;
	v33, _, _ =	vpop (xrf0);
	v5 =	vadd.s32 v55, v53;
	v6 =	vsel vm6, v6, v12;
	v12 =	vbroadcast v29, $0xF  }
0x126: {  	v9 =	vbroadcast v33, $0xF;
	vm14 =	vnez.u8 v3;
	v32 =	vnsel vm0, $0x0, v5  }
0x127: {  	v34, _, _ =	vpop (xrf0);
	v3 =	vsel vm14, v4, v8;
	v8 =	vsel vm10, v11, v60;
	v6 =	vsel vm13, v6, v12  }
0x128: {  	(xrf0) =	vadd.scan.msk.s32 $0xffff, v15;
	v35, _, _ =	vpop (xrf0);
	v11 =	vbroadcast v34, $0xF;
	v8 =	vsel vm7, v8, v25;
	v6 =	vsel vm10, v6, v13  }
0x129: {  	v48 =	vld [tilespmem:$0x1FFE0];
	(xrf0) =	vadd.scan.msk.s32 $0xffff, v56;
	v37, _, _ =	vpop (xrf0);
	v38 =	vbroadcast v35, $0xF;
	v8 =	vsel vm8, v8, v26;
	v6 =	vsel vm7, v6, v9  }
0x12a: {  	v40, _, _ =	vpop (xrf0);
	v41 =	vbroadcast v37, $0xF;
	v8 =	vsel vm1, v8, v28;
	v6 =	vsel vm8, v6, v11  }
0x12b: {  	v42, _, _ =	vpop (xrf0);
	v43 =	vbroadcast v40, $0xF;
	v8 =	vsel vm2, v8, v30;
	v6 =	vsel vm1, v6, v38  }
0x12c: {  	(xrf0) =	vadd.scan.msk.s32 $0xffff, v32;
	v8 =	vsel vm4, v8, v10;
	v10 =	vbroadcast v42, $0xF;
	v6 =	vsel vm2, v6, v41  }
0x12d: {  	v8 =	vsel vm3, v8, v36;
	v6 =	vsel vm4, v6, v43  }
0x12e: {  	v44, _, _ =	vpop (xrf0);
	v8 =	vsel vm15, v8, v39;
	v6 =	vsel vm3, v6, v10;
	vm3 =	vnez.u8 v48  }
0x12f: {  	v45, _, _ =	vpop (xrf0);
	v46 =	vbroadcast v44, $0xF;
	v2 =	vsel vm3, v3, v2;
	v3 =	vsel vm14, v8, v7  }
0x130: {  	v47 =	vbroadcast v45, $0xF  }
0x131: {  	v6 =	vsel vm15, v6, v46  }
0x132: {  	[tilespmem:s24+$0x100] =	vst v2;
	v2 =	vsel vm3, v3, v51;
	v49 =	vsel vm14, v6, v47;
	v3, _, _ =	vpop (xrf0)  }
0x133: {  	[tilespmem:s25+$0x100] =	vst v2;
	v2 =	vsel vm0, $0x1, v1;
	v3 =	vsel vm3, v49, v3  }
0x134: {  	v2 =	vadd.s32 v2, v5;
	[tilespmem:s8+$0x100] =	vst v3  }
0x135: {  	s7 =	rddreg [dreg:$0xd];
	s9 =	simm.s32 $0x200;
	[tilespmem:$0x200] =	vst v2  }
0x136: {  	[spmem:s7] =	stream.linear.scatter [tilespmem:s9], [sflag:$0x10], $0x10, $0x38;
	[tilespmem:$0x1C590] =	vst v63  }
0x137: {  	_ =	swait.ge [sflag:s31], $0x10  }
0x138: {  	[sflag:s31] =	ssyncset.done $0x0  }
0x139: {  	[sflag:s31] =	ssyncadd.s32 $0xFFFFFFF0  }
0x13a: {  	[bflag:$0x0] =	sbarrier.arrive $0xFFFF  }
0x13b: {  	s24 =	simm.s32 $0x280;
	s9 =	rddreg [dreg:$0x4]  }
0x13c: {  	[tilespmem:s24], [sflag:$0x10] =	stream.linear.gather [spmem:s9], $0x100, $0x38;
	[tilespmem:$0x1C590] =	vst v63  }
0x13d: {  	_ =	swait.ge [sflag:s31], $0x100  }
0x13e: {  	[sflag:s31] =	ssyncset.done $0x0  }
0x13f: {  	[sflag:s31] =	ssyncadd.s32 $0xFFFFFF00  }
0x140: {  	v2 =	vld [tilespmem:$0x280]  }
0x141: {  	v3 =	vld [tilespmem:$0x290]  }
0x142: {  	v50 =	vld [tilespmem:$0x2A0]  }
0x143: {  	v51 =	vld [tilespmem:$0x2B0]  }
0x144: {  	v52 =	vld [tilespmem:$0x2C0]  }
0x145: {  	v53 =	vld [tilespmem:$0x2D0]  }
0x146: {  	v55 =	vld [tilespmem:$0x2E0];
	v54 =	vadd.s32 v2, v3  }
0x147: {  	v56 =	vld [tilespmem:$0x2F0];
	v8 =	vadd.s32 v54, v50  }
0x148: {  	v57 =	vld [tilespmem:$0x300];
	v8 =	vadd.s32 v8, v51  }
0x149: {  	v58 =	vld [tilespmem:$0x310];
	v8 =	vadd.s32 v8, v52  }
0x14a: {  	v59 =	vld [tilespmem:$0x320];
	v8 =	vadd.s32 v8, v53  }
0x14b: {  	v60 =	vld [tilespmem:$0x330];
	v8 =	vadd.s32 v8, v55  }
0x14c: {  	v61 =	vld [tilespmem:$0x340];
	v8 =	vadd.s32 v8, v56  }
0x14d: {  	v62 =	vld [tilespmem:$0x350];
	v2 =	vpsel p1, $0x0, v2;
	v3 =	vpsel !p0, $0x0, v3;
	v8 =	vadd.s32 v8, v57  }
0x14e: {  	s7 =	sld [smem:$0x7FD];
	v63 =	vld [tilespmem:$0x360];
	v2 =	vadd.s32 v2, v3;
	v3 =	vpsel !p6, $0x0, v50;
	v8 =	vadd.s32 v8, v58  }
0x14f: {  	s25 =	sld [smem:$0x7FC];
	v19 =	vld [tilespmem:$0x370];
	v2 =	vadd.s32 v2, v3;
	v3 =	vpsel !p5, $0x0, v51;
	v18 =	vadd.s32 v8, v59  }
0x150: {  	s8 =	sld [smem:$0x7FB];
	v2 =	vadd.s32 v2, v3;
	v3 =	vpsel !p4, $0x0, v52;
	v4 =	vadd.s32 v18, v60  }
0x151: {  	s9 =	sld [smem:$0x7FA];
	p2 =	seq.s32 s7, $0x1;
	v2 =	vadd.s32 v2, v3;
	v3 =	vpsel !p3, $0x0, v53;
	v4 =	vadd.s32 v4, v61  }
0x152: {  	s24 =	sld [smem:$0x7F9];
	v2 =	vadd.s32 v2, v3;
	v3 =	vpsel !p2, $0x0, v55;
	p2 =	seq.s32 s25, $0x1;
	v4 =	vadd.s32 v4, v62  }
0x153: {  	s25 =	sld [smem:$0x7F8];
	v2 =	vadd.s32 v2, v3;
	v3 =	vpsel !p2, $0x0, v56;
	p2 =	seq.s32 s8, $0x1;
	v4 =	vadd.s32 v4, v63  }
0x154: {  	s8 =	sld [smem:$0x7F7];
	v2 =	vadd.s32 v2, v3;
	v3 =	vpsel !p2, $0x0, v57;
	p2 =	seq.s32 s9, $0x1;
	v4 =	vadd.s32 v4, v19  }
0x155: {  	s9 =	sld [smem:$0x7F6];
	v2 =	vadd.s32 v2, v3;
	v3 =	vpsel !p2, $0x0, v58;
	p2 =	seq.s32 s24, $0x1;
	v4 =	vadd.s32 $0x1FF, v4  }
0x156: {  	v2 =	vadd.s32 v2, v3;
	v3 =	vpsel !p2, $0x0, v59;
	p2 =	seq.s32 s25, $0x1;
	v4 =	vand.u32 $0xFFFFFE00, v4  }
0x157: {  	s24 =	sld [smem:$0x7F5];
	v2 =	vadd.s32 v2, v3;
	v3 =	vpsel !p2, $0x0, v60;
	p2 =	seq.s32 s8, $0x1;
	(xrf0) =	vadd.scan.msk.s32 $0xffff, v4  }
0x158: {  	v20 =	vld [tilespmem:$0x0];
	v2 =	vadd.s32 v2, v3;
	v3 =	vpsel !p2, $0x0, v61;
	p2 =	seq.s32 s9, $0x1  }
0x159: {  	v2 =	vadd.s32 v2, v3;
	v3 =	vpsel !p2, $0x0, v62  }
0x15a: {  	p2 =	seq.s32 s24, $0x1;
	v2 =	vadd.s32 v2, v3  }
0x15b: {  	v3 =	vpsel !p2, $0x0, v63  }
0x15c: {  	v3 =	vadd.s32 v2, v3  }
0x15d: {  	v3 =	vsub.s32 v3, v4;
	v2, _, _ =	vpop (xrf0)  }
0x15e: {  	v21 =	vld [tilespmem:$0x100];
	v3 =	vadd.s32 v2, v3  }
0x15f: {  	[tilespmem:$0x380] =	vst v3;
	v3 =	vld [tilespmem:$0x10]  }
0x160: {  	v5 =	vld.idx.msk [tilespmem:v20+s3+$0x0], $0xffff;
	_ =	sdelay $0x4  }
0x161: {  	v22 =	vld [tilespmem:$0x110];
	v4 =	vadd.s32 v21, v5  }
0x162: {  	v23 =	vld [tilespmem:$0x20];
	[tilespmem:$0x400] =	vst v4  }
0x163: {  	v3 =	vld.idx.msk [tilespmem:v3+s3+$0x0], $0xffff;
	_ =	sdelay $0x4  }
0x164: {  	v24 =	vld [tilespmem:$0x120];
	v3 =	vadd.s32 v22, v3  }
0x165: {  	[tilespmem:$0x410] =	vst v3;
	v3 =	vld [tilespmem:$0x30]  }
0x166: {  	v4 =	vld.idx.msk [tilespmem:v23+s3+$0x0], $0xffff;
	_ =	sdelay $0x4  }
0x167: {  	v25 =	vld [tilespmem:$0x130];
	v4 =	vadd.s32 v24, v4  }
0x168: {  	v26 =	vld [tilespmem:$0x40];
	[tilespmem:$0x420] =	vst v4  }
0x169: {  	v3 =	vld.idx.msk [tilespmem:v3+s3+$0x0], $0xffff;
	_ =	sdelay $0x4  }
0x16a: {  	v27 =	vld [tilespmem:$0x140];
	v3 =	vadd.s32 v25, v3  }
0x16b: {  	[tilespmem:$0x430] =	vst v3;
	v3 =	vld [tilespmem:$0x50]  }
0x16c: {  	v4 =	vld.idx.msk [tilespmem:v26+s3+$0x0], $0xffff;
	_ =	sdelay $0x4  }
0x16d: {  	v28 =	vld [tilespmem:$0x150];
	v4 =	vadd.s32 v27, v4  }
0x16e: {  	v29 =	vld [tilespmem:$0x60];
	[tilespmem:$0x440] =	vst v4  }
0x16f: {  	v3 =	vld.idx.msk [tilespmem:v3+s3+$0x0], $0xffff;
	_ =	sdelay $0x4  }
0x170: {  	v30 =	vld [tilespmem:$0x160];
	v3 =	vadd.s32 v28, v3  }
0x171: {  	[tilespmem:$0x450] =	vst v3;
	v3 =	vld [tilespmem:$0x70]  }
0x172: {  	v4 =	vld.idx.msk [tilespmem:v29+s3+$0x0], $0xffff;
	_ =	sdelay $0x4  }
0x173: {  	v31 =	vld [tilespmem:$0x170];
	v4 =	vadd.s32 v30, v4  }
0x174: {  	v32 =	vld [tilespmem:$0x80];
	[tilespmem:$0x460] =	vst v4  }
0x175: {  	v3 =	vld.idx.msk [tilespmem:v3+s3+$0x0], $0xffff;
	_ =	sdelay $0x4  }
0x176: {  	v33 =	vld [tilespmem:$0x180];
	v3 =	vadd.s32 v31, v3  }
0x177: {  	[tilespmem:$0x470] =	vst v3;
	v3 =	vld [tilespmem:$0x90]  }
0x178: {  	v4 =	vld.idx.msk [tilespmem:v32+s3+$0x0], $0xffff;
	_ =	sdelay $0x4  }
0x179: {  	v34 =	vld [tilespmem:$0x190];
	v4 =	vadd.s32 v33, v4  }
0x17a: {  	v35 =	vld [tilespmem:$0xA0];
	[tilespmem:$0x480] =	vst v4  }
0x17b: {  	v3 =	vld.idx.msk [tilespmem:v3+s3+$0x0], $0xffff;
	_ =	sdelay $0x4  }
0x17c: {  	v36 =	vld [tilespmem:$0x1A0];
	v3 =	vadd.s32 v34, v3  }
0x17d: {  	[tilespmem:$0x490] =	vst v3;
	v3 =	vld [tilespmem:$0xB0]  }
0x17e: {  	v4 =	vld.idx.msk [tilespmem:v35+s3+$0x0], $0xffff;
	_ =	sdelay $0x4  }
0x17f: {  	v37 =	vld [tilespmem:$0x1B0];
	v4 =	vadd.s32 v36, v4  }
0x180: {  	v38 =	vld [tilespmem:$0xC0];
	[tilespmem:$0x4A0] =	vst v4  }
0x181: {  	v3 =	vld.idx.msk [tilespmem:v3+s3+$0x0], $0xffff;
	_ =	sdelay $0x4  }
0x182: {  	v39 =	vld [tilespmem:$0x1C0];
	v3 =	vadd.s32 v37, v3  }
0x183: {  	[tilespmem:$0x4B0] =	vst v3;
	v3 =	vld [tilespmem:$0xD0]  }
0x184: {  	v4 =	vld.idx.msk [tilespmem:v38+s3+$0x0], $0xffff;
	_ =	sdelay $0x4  }
0x185: {  	v40 =	vld [tilespmem:$0x1D0];
	v4 =	vadd.s32 v39, v4  }
0x186: {  	v41 =	vld [tilespmem:$0xE0];
	[tilespmem:$0x4C0] =	vst v4  }
0x187: {  	v3 =	vld.idx.msk [tilespmem:v3+s3+$0x0], $0xffff;
	_ =	sdelay $0x4  }
0x188: {  	v42 =	vld [tilespmem:$0x1E0];
	v3 =	vadd.s32 v40, v3  }
0x189: {  	[tilespmem:$0x4D0] =	vst v3;
	v3 =	vld [tilespmem:$0xF0]  }
0x18a: {  	v4 =	vld.idx.msk [tilespmem:v41+s3+$0x0], $0xffff;
	_ =	sdelay $0x4  }
0x18b: {  	v4 =	vadd.s32 v42, v4  }
0x18c: {  	v43 =	vld [tilespmem:$0x1F0];
	[tilespmem:$0x4E0] =	vst v4  }
0x18d: {  	v3 =	vld.idx.msk [tilespmem:v3+s3+$0x0], $0xffff;
	_ =	sdelay $0x4  }
0x18e: {  	s7 =	rddreg [dreg:$0xf];
	v3 =	vadd.s32 v43, v3  }
0x18f: {  	s25 =	rddreg [dreg:$0xe];
	[tilespmem:$0x4F0] =	vst v3  }
0x190: {  	[hbm4b:s25+s4] =	stream.linear.scatter [tilespmem:s7], [sflag:$0xF], $0x80, $0x38;
	[tilespmem:$0x1C590] =	vst v63  }
0x191: {  	_ =	swait.ge [sflag:s2], $0x4000  }
0x192: {  	[sflag:s2] =	ssyncset.done $0x0  }
0x193: {  	[sflag:s2] =	ssyncadd.s32 $0xFFFFC000  }
0x194: {  	v3 =	vld [tilespmem:s5+$0x400];
	_ =	sdelay $0x4  }
0x195: {  	v44 =	vshll.u32 v3, $0x3  }
0x196: {  	v3 =	vand.u32 $0x7, v3;
	v4 =	vand.u32 $0xFFFFFFC0, v44  }
0x197: {  	v46 =	vand.u32 $0x7, v0;
	v45 =	vor.u32 v3, v4;
	v3 =	vshrl.u32 v0, $0x3  }
0x198: {  	v47 =	vperm.xlane v45, v46;
	v3 =	vmul.u32 $0x8, v3;
	_ =	sdelay $0x1  }
0x199: {  	v48 =	vadd.s32 v3, v47;
	_ =	sdelay $0x3  }
0x19a: {  	vm0 =	vmmov vm3;
	vm3 =	vmmov $0xffff  }
0x19b: {  	v49 =	vor.u32 $0x8, v0;
	[hbm4b:s6+s4] =	stream.indirect_vreg.scatter [tilespmem:s23], [sflag:$0x8], $0x80, v48, vm3, $0xb8;
	[tilespmem:$0x1C590] =	vst v63  }
0x19c: {  	v6 =	vperm.xlane v45, v49  }
0x19d: {  	[hbm4b:s18+s4] =	stream.indirect_vreg.scatter [tilespmem:s10], [sflag:$0x8], $0x80, v48, vm3, $0xb8;
	[tilespmem:$0x1C590] =	vst v63  }
0x19e: {  	s7 =	simm.s32 $0x1580;
	v6 =	vadd.s32 v3, v6  }
0x19f: {  	[hbm4b:s19+s4] =	stream.indirect_vreg.scatter [tilespmem:s7], [sflag:$0x8], $0x80, v48, vm3, $0xb8;
	[tilespmem:$0x1C590] =	vst v63  }
0x1a0: {  	_ = 	snop  }
0x1a1: {  	[hbm4b:s20+s4] =	stream.indirect_vreg.scatter [tilespmem:s11], [sflag:$0x8], $0x80, v48, vm3, $0xb8;
	[tilespmem:$0x1C590] =	vst v63  }
0x1a2: {  	_ = 	snop  }
0x1a3: {  	[hbm4b:s6+s4] =	stream.indirect_vreg.scatter [tilespmem:s13], [sflag:$0x8], $0x80, v6, vm3, $0xb8;
	[tilespmem:$0x1C590] =	vst v63  }
0x1a4: {  	_ = 	snop  }
0x1a5: {  	[hbm4b:s18+s4] =	stream.indirect_vreg.scatter [tilespmem:s14], [sflag:$0x8], $0x80, v6, vm3, $0xb8;
	[tilespmem:$0x1C590] =	vst v63  }
0x1a6: {  	_ = 	snop  }
0x1a7: {  	[hbm4b:s19+s4] =	stream.indirect_vreg.scatter [tilespmem:s15], [sflag:$0x8], $0x80, v6, vm3, $0xb8;
	[tilespmem:$0x1C590] =	vst v63  }
0x1a8: {  	s9 =	simm.s32 $0x2  }
0x1a9: {  	[hbm4b:s20+s4] =	stream.indirect_vreg.scatter [tilespmem:s16], [sflag:$0x8], $0x80, v6, vm3, $0xb8;
	[tilespmem:$0x1C590] =	vst v63  }
0x1aa: {  	_ =	swait.ge [sflag:s9], $0x4000  }
0x1ab: {  	[sflag:s9] =	ssyncset.done $0x0  }
0x1ac: {  	[sflag:s9] =	ssyncadd.s32 $0xFFFFC000  }
0x1ad: {  	v50 =	vld [tilespmem:s5+$0x410];
	_ =	sdelay $0x4  }
0x1ae: {  	v51 =	vshll.u32 v50, $0x3  }
0x1af: {  	v6 =	vand.u32 $0x7, v50;
	v7 =	vand.u32 $0xFFFFFFC0, v51  }
0x1b0: {  	v6 =	vor.u32 v6, v7  }
0x1b1: {  	v7 =	vperm.xlane v6, v46;
	_ =	sdelay $0x1  }
0x1b2: {  	v7 =	vadd.s32 v3, v7;
	_ =	sdelay $0x3  }
0x1b3: {  	s9 =	simm.s32 $0x4580  }
0x1b4: {  	[hbm4b:s6+s4] =	stream.indirect_vreg.scatter [tilespmem:s9], [sflag:$0x9], $0x80, v7, vm3, $0xb8;
	[tilespmem:$0x1C590] =	vst v63  }
0x1b5: {  	s24 =	simm.s32 $0x4D80;
	v6 =	vperm.xlane v6, v49  }
0x1b6: {  	[hbm4b:s18+s4] =	stream.indirect_vreg.scatter [tilespmem:s24], [sflag:$0x9], $0x80, v7, vm3, $0xb8;
	[tilespmem:$0x1C590] =	vst v63  }
0x1b7: {  	s25 =	simm.s32 $0x5580;
	v6 =	vadd.s32 v3, v6  }
0x1b8: {  	[hbm4b:s19+s4] =	stream.indirect_vreg.scatter [tilespmem:s25], [sflag:$0x9], $0x80, v7, vm3, $0xb8;
	[tilespmem:$0x1C590] =	vst v63  }
0x1b9: {  	s24 =	simm.s32 $0x5D80  }
0x1ba: {  	[hbm4b:s20+s4] =	stream.indirect_vreg.scatter [tilespmem:s24], [sflag:$0x9], $0x80, v7, vm3, $0xb8;
	[tilespmem:$0x1C590] =	vst v63  }
0x1bb: {  	s25 =	simm.s32 $0x6580  }
0x1bc: {  	[hbm4b:s6+s4] =	stream.indirect_vreg.scatter [tilespmem:s25], [sflag:$0x9], $0x80, v6, vm3, $0xb8;
	[tilespmem:$0x1C590] =	vst v63  }
0x1bd: {  	s24 =	simm.s32 $0x6D80  }
0x1be: {  	[hbm4b:s18+s4] =	stream.indirect_vreg.scatter [tilespmem:s24], [sflag:$0x9], $0x80, v6, vm3, $0xb8;
	[tilespmem:$0x1C590] =	vst v63  }
0x1bf: {  	s25 =	simm.s32 $0x7580  }
0x1c0: {  	[hbm4b:s19+s4] =	stream.indirect_vreg.scatter [tilespmem:s25], [sflag:$0x9], $0x80, v6, vm3, $0xb8;
	[tilespmem:$0x1C590] =	vst v63  }
0x1c1: {  	s24 =	simm.s32 $0x7D80  }
0x1c2: {  	[hbm4b:s20+s4] =	stream.indirect_vreg.scatter [tilespmem:s24], [sflag:$0x9], $0x80, v6, vm3, $0xb8;
	[tilespmem:$0x1C590] =	vst v63  }
0x1c3: {  	_ =	swait.ge [sflag:s12], $0x4000  }
0x1c4: {  	[sflag:s12] =	ssyncset.done $0x0  }
0x1c5: {  	s24 =	simm.s32 $0x3;
	s25 =	rddreg [dreg:$0x10];
	[sflag:s12] =	ssyncadd.s32 $0xFFFFC000  }
0x1c6: {  	[tilespmem:s23], [sflag:$0x1] =	stream.linear.gather [hbm4b:s25+s4], $0x4000, $0x38;
	[tilespmem:$0x1C590] =	vst v63  }
0x1c7: {  	_ =	swait.ge [sflag:s24], $0x4000  }
0x1c8: {  	[sflag:s24] =	ssyncset.done $0x0  }
0x1c9: {  	[sflag:s24] =	ssyncadd.s32 $0xFFFFC000  }
0x1ca: {  	v52 =	vld [tilespmem:s5+$0x420];
	_ =	sdelay $0x4  }
0x1cb: {  	v53 =	vshll.u32 v52, $0x3  }
0x1cc: {  	v6 =	vand.u32 $0x7, v52;
	v7 =	vand.u32 $0xFFFFFFC0, v53  }
0x1cd: {  	v6 =	vor.u32 v6, v7  }
0x1ce: {  	v7 =	vperm.xlane v6, v46;
	_ =	sdelay $0x1  }
0x1cf: {  	v7 =	vadd.s32 v3, v7;
	_ =	sdelay $0x3  }
0x1d0: {  	s24 =	simm.s32 $0x8580  }
0x1d1: {  	[hbm4b:s6+s4] =	stream.indirect_vreg.scatter [tilespmem:s24], [sflag:$0xA], $0x80, v7, vm3, $0xb8;
	[tilespmem:$0x1C590] =	vst v63  }
0x1d2: {  	s25 =	simm.s32 $0x8D80;
	v6 =	vperm.xlane v6, v49  }
0x1d3: {  	[hbm4b:s18+s4] =	stream.indirect_vreg.scatter [tilespmem:s25], [sflag:$0xA], $0x80, v7, vm3, $0xb8;
	[tilespmem:$0x1C590] =	vst v63  }
0x1d4: {  	v6 =	vadd.s32 v3, v6;
	s25 =	simm.s32 $0x9580  }
0x1d5: {  	[hbm4b:s19+s4] =	stream.indirect_vreg.scatter [tilespmem:s25], [sflag:$0xA], $0x80, v7, vm3, $0xb8;
	[tilespmem:$0x1C590] =	vst v63  }
0x1d6: {  	s25 =	simm.s32 $0x9D80  }
0x1d7: {  	[hbm4b:s20+s4] =	stream.indirect_vreg.scatter [tilespmem:s25], [sflag:$0xA], $0x80, v7, vm3, $0xb8;
	[tilespmem:$0x1C590] =	vst v63  }
0x1d8: {  	s25 =	simm.s32 $0xA580  }
0x1d9: {  	[hbm4b:s6+s4] =	stream.indirect_vreg.scatter [tilespmem:s25], [sflag:$0xA], $0x80, v6, vm3, $0xb8;
	[tilespmem:$0x1C590] =	vst v63  }
0x1da: {  	s25 =	simm.s32 $0xAD80  }
0x1db: {  	[hbm4b:s18+s4] =	stream.indirect_vreg.scatter [tilespmem:s25], [sflag:$0xA], $0x80, v6, vm3, $0xb8;
	[tilespmem:$0x1C590] =	vst v63  }
0x1dc: {  	s25 =	simm.s32 $0xB580  }
0x1dd: {  	[hbm4b:s19+s4] =	stream.indirect_vreg.scatter [tilespmem:s25], [sflag:$0xA], $0x80, v6, vm3, $0xb8;
	[tilespmem:$0x1C590] =	vst v63  }
0x1de: {  	s25 =	simm.s32 $0xBD80  }
0x1df: {  	[hbm4b:s20+s4] =	stream.indirect_vreg.scatter [tilespmem:s25], [sflag:$0xA], $0x80, v6, vm3, $0xb8;
	[tilespmem:$0x1C590] =	vst v63  }
0x1e0: {  	s25 =	simm.s32 $0x4  }
0x1e1: {  	_ =	swait.ge [sflag:s25], $0x4000  }
0x1e2: {  	[sflag:s25] =	ssyncset.done $0x0  }
0x1e3: {  	[sflag:s25] =	ssyncadd.s32 $0xFFFFC000  }
0x1e4: {  	v54 =	vld [tilespmem:s5+$0x430];
	_ =	sdelay $0x4  }
0x1e5: {  	v55 =	vshll.u32 v54, $0x3  }
0x1e6: {  	v6 =	vand.u32 $0x7, v54;
	v7 =	vand.u32 $0xFFFFFFC0, v55  }
0x1e7: {  	v6 =	vor.u32 v6, v7  }
0x1e8: {  	v7 =	vperm.xlane v6, v46;
	_ =	sdelay $0x1  }
0x1e9: {  	v7 =	vadd.s32 v3, v7;
	_ =	sdelay $0x3  }
0x1ea: {  	s25 =	simm.s32 $0xC580  }
0x1eb: {  	[hbm4b:s6+s4] =	stream.indirect_vreg.scatter [tilespmem:s25], [sflag:$0xB], $0x80, v7, vm3, $0xb8;
	[tilespmem:$0x1C590] =	vst v63  }
0x1ec: {  	s8 =	simm.s32 $0xCD80;
	v6 =	vperm.xlane v6, v49  }
0x1ed: {  	[hbm4b:s18+s4] =	stream.indirect_vreg.scatter [tilespmem:s8], [sflag:$0xB], $0x80, v7, vm3, $0xb8;
	[tilespmem:$0x1C590] =	vst v63  }
0x1ee: {  	v6 =	vadd.s32 v3, v6;
	s8 =	simm.s32 $0xD580  }
0x1ef: {  	[hbm4b:s19+s4] =	stream.indirect_vreg.scatter [tilespmem:s8], [sflag:$0xB], $0x80, v7, vm3, $0xb8;
	[tilespmem:$0x1C590] =	vst v63  }
0x1f0: {  	s8 =	simm.s32 $0xDD80  }
0x1f1: {  	[hbm4b:s20+s4] =	stream.indirect_vreg.scatter [tilespmem:s8], [sflag:$0xB], $0x80, v7, vm3, $0xb8;
	[tilespmem:$0x1C590] =	vst v63  }
0x1f2: {  	s8 =	simm.s32 $0xE580  }
0x1f3: {  	[hbm4b:s6+s4] =	stream.indirect_vreg.scatter [tilespmem:s8], [sflag:$0xB], $0x80, v6, vm3, $0xb8;
	[tilespmem:$0x1C590] =	vst v63  }
0x1f4: {  	s8 =	simm.s32 $0xED80  }
0x1f5: {  	[hbm4b:s18+s4] =	stream.indirect_vreg.scatter [tilespmem:s8], [sflag:$0xB], $0x80, v6, vm3, $0xb8;
	[tilespmem:$0x1C590] =	vst v63  }
0x1f6: {  	s8 =	simm.s32 $0xF580  }
0x1f7: {  	[hbm4b:s19+s4] =	stream.indirect_vreg.scatter [tilespmem:s8], [sflag:$0xB], $0x80, v6, vm3, $0xb8;
	[tilespmem:$0x1C590] =	vst v63  }
0x1f8: {  	s8 =	simm.s32 $0xFD80  }
0x1f9: {  	[hbm4b:s20+s4] =	stream.indirect_vreg.scatter [tilespmem:s8], [sflag:$0xB], $0x80, v6, vm3, $0xb8;
	[tilespmem:$0x1C590] =	vst v63  }
0x1fa: {  	s8 =	simm.s32 $0x5  }
0x1fb: {  	_ =	swait.ge [sflag:s8], $0x4000  }
0x1fc: {  	[sflag:s8] =	ssyncset.done $0x0  }
0x1fd: {  	[sflag:s8] =	ssyncadd.s32 $0xFFFFC000  }
0x1fe: {  	v56 =	vld [tilespmem:s5+$0x440];
	_ =	sdelay $0x4  }
0x1ff: {  	v57 =	vshll.u32 v56, $0x3  }
0x200: {  	v6 =	vand.u32 $0x7, v56;
	v7 =	vand.u32 $0xFFFFFFC0, v57  }
0x201: {  	v6 =	vor.u32 v6, v7  }
0x202: {  	v7 =	vperm.xlane v6, v46;
	_ =	sdelay $0x1  }
0x203: {  	v7 =	vadd.s32 v3, v7;
	_ =	sdelay $0x3  }
0x204: {  	s8 =	simm.s32 $0x10580  }
0x205: {  	[hbm4b:s6+s4] =	stream.indirect_vreg.scatter [tilespmem:s8], [sflag:$0xC], $0x80, v7, vm3, $0xb8;
	[tilespmem:$0x1C590] =	vst v63  }
0x206: {  	v6 =	vperm.xlane v6, v49;
	s8 =	simm.s32 $0x10D80  }
0x207: {  	[hbm4b:s18+s4] =	stream.indirect_vreg.scatter [tilespmem:s8], [sflag:$0xC], $0x80, v7, vm3, $0xb8;
	[tilespmem:$0x1C590] =	vst v63  }
0x208: {  	v6 =	vadd.s32 v3, v6;
	s8 =	simm.s32 $0x11580  }
0x209: {  	[hbm4b:s19+s4] =	stream.indirect_vreg.scatter [tilespmem:s8], [sflag:$0xC], $0x80, v7, vm3, $0xb8;
	[tilespmem:$0x1C590] =	vst v63  }
0x20a: {  	s8 =	simm.s32 $0x11D80  }
0x20b: {  	[hbm4b:s20+s4] =	stream.indirect_vreg.scatter [tilespmem:s8], [sflag:$0xC], $0x80, v7, vm3, $0xb8;
	[tilespmem:$0x1C590] =	vst v63  }
0x20c: {  	s8 =	simm.s32 $0x12580  }
0x20d: {  	[hbm4b:s6+s4] =	stream.indirect_vreg.scatter [tilespmem:s8], [sflag:$0xC], $0x80, v6, vm3, $0xb8;
	[tilespmem:$0x1C590] =	vst v63  }
0x20e: {  	s8 =	simm.s32 $0x12D80  }
0x20f: {  	[hbm4b:s18+s4] =	stream.indirect_vreg.scatter [tilespmem:s8], [sflag:$0xC], $0x80, v6, vm3, $0xb8;
	[tilespmem:$0x1C590] =	vst v63  }
0x210: {  	s8 =	simm.s32 $0x13580  }
0x211: {  	[hbm4b:s19+s4] =	stream.indirect_vreg.scatter [tilespmem:s8], [sflag:$0xC], $0x80, v6, vm3, $0xb8;
	[tilespmem:$0x1C590] =	vst v63  }
0x212: {  	s8 =	simm.s32 $0x13D80  }
0x213: {  	[hbm4b:s20+s4] =	stream.indirect_vreg.scatter [tilespmem:s8], [sflag:$0xC], $0x80, v6, vm3, $0xb8;
	[tilespmem:$0x1C590] =	vst v63  }
0x214: {  	s8 =	simm.s32 $0x6  }
0x215: {  	_ =	swait.ge [sflag:s8], $0x4000  }
0x216: {  	[sflag:s8] =	ssyncset.done $0x0  }
0x217: {  	[sflag:s8] =	ssyncadd.s32 $0xFFFFC000  }
0x218: {  	v58 =	vld [tilespmem:s5+$0x450];
	_ =	sdelay $0x4  }
0x219: {  	v59 =	vshll.u32 v58, $0x3  }
0x21a: {  	v6 =	vand.u32 $0x7, v58;
	v7 =	vand.u32 $0xFFFFFFC0, v59  }
0x21b: {  	v6 =	vor.u32 v6, v7  }
0x21c: {  	v7 =	vperm.xlane v6, v46;
	_ =	sdelay $0x1  }
0x21d: {  	v7 =	vadd.s32 v3, v7;
	_ =	sdelay $0x3  }
0x21e: {  	s8 =	simm.s32 $0x14580  }
0x21f: {  	[hbm4b:s6+s4] =	stream.indirect_vreg.scatter [tilespmem:s8], [sflag:$0xD], $0x80, v7, vm3, $0xb8;
	[tilespmem:$0x1C590] =	vst v63  }
0x220: {  	v6 =	vperm.xlane v6, v49;
	s8 =	simm.s32 $0x14D80  }
0x221: {  	[hbm4b:s18+s4] =	stream.indirect_vreg.scatter [tilespmem:s8], [sflag:$0xD], $0x80, v7, vm3, $0xb8;
	[tilespmem:$0x1C590] =	vst v63  }
0x222: {  	v6 =	vadd.s32 v3, v6;
	s8 =	simm.s32 $0x15580  }
0x223: {  	[hbm4b:s19+s4] =	stream.indirect_vreg.scatter [tilespmem:s8], [sflag:$0xD], $0x80, v7, vm3, $0xb8;
	[tilespmem:$0x1C590] =	vst v63  }
0x224: {  	s8 =	simm.s32 $0x15D80  }
0x225: {  	[hbm4b:s20+s4] =	stream.indirect_vreg.scatter [tilespmem:s8], [sflag:$0xD], $0x80, v7, vm3, $0xb8;
	[tilespmem:$0x1C590] =	vst v63  }
0x226: {  	s8 =	simm.s32 $0x16580  }
0x227: {  	[hbm4b:s6+s4] =	stream.indirect_vreg.scatter [tilespmem:s8], [sflag:$0xD], $0x80, v6, vm3, $0xb8;
	[tilespmem:$0x1C590] =	vst v63  }
0x228: {  	s8 =	simm.s32 $0x16D80  }
0x229: {  	[hbm4b:s18+s4] =	stream.indirect_vreg.scatter [tilespmem:s8], [sflag:$0xD], $0x80, v6, vm3, $0xb8;
	[tilespmem:$0x1C590] =	vst v63  }
0x22a: {  	s8 =	simm.s32 $0x17580  }
0x22b: {  	[hbm4b:s19+s4] =	stream.indirect_vreg.scatter [tilespmem:s8], [sflag:$0xD], $0x80, v6, vm3, $0xb8;
	[tilespmem:$0x1C590] =	vst v63  }
0x22c: {  	s8 =	simm.s32 $0x17D80  }
0x22d: {  	[hbm4b:s20+s4] =	stream.indirect_vreg.scatter [tilespmem:s8], [sflag:$0xD], $0x80, v6, vm3, $0xb8;
	[tilespmem:$0x1C590] =	vst v63  }
0x22e: {  	_ =	swait.ge [sflag:s17], $0x4000  }
0x22f: {  	[sflag:s17] =	ssyncset.done $0x0  }
0x230: {  	[sflag:s17] =	ssyncadd.s32 $0xFFFFC000  }
0x231: {  	v60 =	vld [tilespmem:s5+$0x460];
	_ =	sdelay $0x4  }
0x232: {  	v61 =	vshll.u32 v60, $0x3  }
0x233: {  	v6 =	vand.u32 $0x7, v60;
	v7 =	vand.u32 $0xFFFFFFC0, v61  }
0x234: {  	v6 =	vor.u32 v6, v7  }
0x235: {  	v7 =	vperm.xlane v6, v46;
	_ =	sdelay $0x1  }
0x236: {  	v7 =	vadd.s32 v3, v7;
	_ =	sdelay $0x3  }
0x237: {  	s8 =	simm.s32 $0x18580  }
0x238: {  	[hbm4b:s6+s4] =	stream.indirect_vreg.scatter [tilespmem:s8], [sflag:$0xE], $0x80, v7, vm3, $0xb8;
	[tilespmem:$0x1C590] =	vst v63  }
0x239: {  	v6 =	vperm.xlane v6, v49;
	s8 =	simm.s32 $0x18D80  }
0x23a: {  	[hbm4b:s18+s4] =	stream.indirect_vreg.scatter [tilespmem:s8], [sflag:$0xE], $0x80, v7, vm3, $0xb8;
	[tilespmem:$0x1C590] =	vst v63  }
0x23b: {  	v6 =	vadd.s32 v3, v6;
	s8 =	simm.s32 $0x19580  }
0x23c: {  	[hbm4b:s19+s4] =	stream.indirect_vreg.scatter [tilespmem:s8], [sflag:$0xE], $0x80, v7, vm3, $0xb8;
	[tilespmem:$0x1C590] =	vst v63  }
0x23d: {  	s8 =	simm.s32 $0x19D80  }
0x23e: {  	[hbm4b:s20+s4] =	stream.indirect_vreg.scatter [tilespmem:s8], [sflag:$0xE], $0x80, v7, vm3, $0xb8;
	[tilespmem:$0x1C590] =	vst v63  }
0x23f: {  	s8 =	simm.s32 $0x1A580  }
0x240: {  	[hbm4b:s6+s4] =	stream.indirect_vreg.scatter [tilespmem:s8], [sflag:$0xE], $0x80, v6, vm3, $0xb8;
	[tilespmem:$0x1C590] =	vst v63  }
0x241: {  	s8 =	simm.s32 $0x1AD80  }
0x242: {  	[hbm4b:s18+s4] =	stream.indirect_vreg.scatter [tilespmem:s8], [sflag:$0xE], $0x80, v6, vm3, $0xb8;
	[tilespmem:$0x1C590] =	vst v63  }
0x243: {  	s8 =	simm.s32 $0x1B580  }
0x244: {  	[hbm4b:s19+s4] =	stream.indirect_vreg.scatter [tilespmem:s8], [sflag:$0xE], $0x80, v6, vm3, $0xb8;
	[tilespmem:$0x1C590] =	vst v63  }
0x245: {  	s8 =	simm.s32 $0x1BD80  }
0x246: {  	[hbm4b:s20+s4] =	stream.indirect_vreg.scatter [tilespmem:s8], [sflag:$0xE], $0x80, v6, vm3, $0xb8;
	[tilespmem:$0x1C590] =	vst v63  }
0x247: {  	_ =	swait.ge [sflag:s2], $0x4000  }
0x248: {  	[sflag:s2] =	ssyncset.done $0x0  }
0x249: {  	[sflag:s2] =	ssyncadd.s32 $0xFFFFC000  }
0x24a: {  	v62 =	vld [tilespmem:s5+$0x470];
	_ =	sdelay $0x4  }
0x24b: {  	v63 =	vshll.u32 v62, $0x3  }
0x24c: {  	v6 =	vand.u32 $0x7, v62;
	v7 =	vand.u32 $0xFFFFFFC0, v63  }
0x24d: {  	v6 =	vor.u32 v6, v7  }
0x24e: {  	v4 =	vperm.xlane v6, v46;
	_ =	sdelay $0x1  }
0x24f: {  	v4 =	vadd.s32 v3, v4;
	_ =	sdelay $0x4  }
0x250: {  	[hbm4b:s6+s4] =	stream.indirect_vreg.scatter [tilespmem:s23], [sflag:$0x8], $0x80, v4, vm3, $0xb8;
	[tilespmem:$0x1C590] =	vst v63  }
0x251: {  	v5 =	vperm.xlane v6, v49  }
0x252: {  	[hbm4b:s18+s4] =	stream.indirect_vreg.scatter [tilespmem:s10], [sflag:$0x8], $0x80, v4, vm3, $0xb8;
	[tilespmem:$0x1C590] =	vst v63  }
0x253: {  	v3 =	vadd.s32 v3, v5  }
0x254: {  	[hbm4b:s19+s4] =	stream.indirect_vreg.scatter [tilespmem:s7], [sflag:$0x8], $0x80, v4, vm3, $0xb8;
	[tilespmem:$0x1C590] =	vst v63  }
0x255: {  	_ = 	snop  }
0x256: {  	[hbm4b:s20+s4] =	stream.indirect_vreg.scatter [tilespmem:s11], [sflag:$0x8], $0x80, v4, vm3, $0xb8;
	[tilespmem:$0x1C590] =	vst v63  }
0x257: {  	_ = 	snop  }
0x258: {  	[hbm4b:s6+s4] =	stream.indirect_vreg.scatter [tilespmem:s13], [sflag:$0x8], $0x80, v3, vm3, $0xb8;
	[tilespmem:$0x1C590] =	vst v63  }
0x259: {  	_ = 	snop  }
0x25a: {  	[hbm4b:s18+s4] =	stream.indirect_vreg.scatter [tilespmem:s14], [sflag:$0x8], $0x80, v3, vm3, $0xb8;
	[tilespmem:$0x1C590] =	vst v63  }
0x25b: {  	_ = 	snop  }
0x25c: {  	[hbm4b:s19+s4] =	stream.indirect_vreg.scatter [tilespmem:s15], [sflag:$0x8], $0x80, v3, vm3, $0xb8;
	[tilespmem:$0x1C590] =	vst v63  }
0x25d: {  	_ = 	snop  }
0x25e: {  	[hbm4b:s20+s4] =	stream.indirect_vreg.scatter [tilespmem:s16], [sflag:$0x8], $0x80, v3, vm3, $0xb8;
	[tilespmem:$0x1C590] =	vst v63  }
0x25f: {  	_ =	swait.ge [sflag:s26], $0x4000  }
0x260: {  	[sflag:s26] =	ssyncset.done $0x0  }
0x261: {  	[sflag:s26] =	ssyncadd.s32 $0xFFFFC000  }
0x262: {  	_ =	swait.ge [sflag:s21], $0x4000  }
0x263: {  	[sflag:s21] =	ssyncset.done $0x0  }
0x264: {  	[sflag:s21] =	ssyncadd.s32 $0xFFFFC000  }
0x265: {  	_ =	swait.ge [sflag:s28], $0x4000  }
0x266: {  	[sflag:s28] =	ssyncset.done $0x0  }
0x267: {  	[sflag:s28] =	ssyncadd.s32 $0xFFFFC000  }
0x268: {  	_ =	swait.ge [sflag:s29], $0x4000  }
0x269: {  	[sflag:s29] =	ssyncset.done $0x0  }
0x26a: {  	[sflag:s29] =	ssyncadd.s32 $0xFFFFC000  }
0x26b: {  	_ =	swait.ge [sflag:s22], $0x4000  }
0x26c: {  	[sflag:s22] =	ssyncset.done $0x0  }
0x26d: {  	[sflag:s22] =	ssyncadd.s32 $0xFFFFC000  }
0x26e: {  	_ =	swait.ge [sflag:s30], $0x4000  }
0x26f: {  	[sflag:s30] =	ssyncset.done $0x0  }
0x270: {  	[sflag:s30] =	ssyncadd.s32 $0xFFFFC000  }
0x271: {  	_ =	swait.ge [sflag:s12], $0x4000  }
0x272: {  	[sflag:s12] =	ssyncset.done $0x0  }
0x273: {  	[sflag:s12] =	ssyncadd.s32 $0xFFFFC000  }
0x274: {  	_ =	swait.ge [sflag:s0], $0x80  }
0x275: {  	s8 =	sld [smem:$0x7F4];
	_ =	sdelay $0x2  }
0x276: {  	p2 =	seq.s32 s8, $0x1  }
.Ltmp3:
0x277: {  	_ = 	snop;
	(pc) =	sbr.rel @p2 .LBB2_5-.Ltmp3, $4  }
0x278: {  	vm5 =	vcmask $0x171C;
	vm6 =	vcmask $0x373C;
	vm13 =	vcmask $0x2B30  }
0x279: {  	vm10 =	vcmask $0x1F24;
	vm7 =	vcmask $0x3338;
	vm8 =	vcmask $0x2F34  }
0x27a: {  	vm1 =	vcmask $0x1318;
	vm2 =	vcmask $0xF14;
	vm15 =	vcmask $0x308;
	[sflag:s0] =	ssyncset.done $0x0  }
0x27b: {  	vm14 =	vcmask $0x70C;
	vm4 =	vmmov vm0;
	vm3 =	vcmask $0x2328;
	[sflag:s0] =	ssyncadd.s32 $0xFFFFFF80  }
0x27c: {  	v2 =	vshra.s32 v2, $0x9  }
0x27d: {  	v3 =	vnsel vm12, $0x0, v2  }
0x27e: {  	(xrf0) =	vadd.scan.msk.s32 $0xffff, v3;
	v3 =	vsel vm15, $0x0, v2  }
0x27f: {  	(xrf0) =	vadd.scan.msk.s32 $0xffff, v3;
	v3 =	vsel vm14, $0x0, v2  }
0x280: {  	(xrf0) =	vadd.scan.msk.s32 $0xffff, v3;
	_ =	sdelay $0x1  }
0x281: {  	v3 =	vsel vm9, $0x0, v2  }
0x282: {  	(xrf0) =	vadd.scan.msk.s32 $0xffff, v3;
	v3 =	vsel vm2, $0x0, v2  }
0x283: {  	v4, _, _ =	vpop (xrf0);
	(xrf0) =	vadd.scan.msk.s32 $0xffff, v3  }
0x284: {  	v3 =	vbroadcast v4, $0xF;
	v62, _, _ =	vpop (xrf0)  }
0x285: {  	v6 =	vadd.s32 $0x1, v0;
	v4 =	vbroadcast v62, $0xF;
	v7, _, _ =	vpop (xrf0)  }
0x286: {  	v5 =	vsel vm1, $0x0, v2;
	vm0 =	vlt.s32 v3, v6;
	v63 =	vbroadcast v7, $0xF  }
0x287: {  	(xrf0) =	vadd.scan.msk.s32 $0xffff, v5;
	v23 =	vsel vm0, $0x1, v1;
	vm0 =	vlt.s32 v4, v6  }
0x288: {  	v9 =	vsel vm5, $0x0, v2;
	v8, _, _ =	vpop (xrf0);
	v10 =	vsel vm0, $0x1, v1;
	vm0 =	vlt.s32 v63, v6  }
0x289: {  	(xrf0) =	vadd.scan.msk.s32 $0xffff, v9;
	v8 =	vbroadcast v8, $0xF;
	v24 =	vsel vm0, $0x1, v1;
	v25, _, _ =	vpop (xrf0);
	vm0 =	vcmask $0x1B20  }
0x28a: {  	v7 =	vadd.s32 v10, v23;
	v11 =	vsel vm0, $0x0, v2;
	v10 =	vbroadcast v25, $0xF  }
0x28b: {  	vm0 =	vlt.s32 v8, v6;
	(xrf0) =	vadd.scan.msk.s32 $0xffff, v11  }
0x28c: {  	v26 =	vsel vm10, $0x0, v2;
	v27 =	vsel vm0, $0x1, v1;
	vm0 =	vlt.s32 v10, v6  }
0x28d: {  	v29 =	vsel vm3, $0x0, v2;
	v12, _, _ =	vpop (xrf0);
	(xrf0) =	vadd.scan.msk.s32 $0xffff, v26;
	v30 =	vsel vm0, $0x1, v1;
	vm0 =	vcmask $0x272C  }
0x28e: {  	(xrf0) =	vadd.scan.msk.s32 $0xffff, v29;
	v31 =	vsel vm0, $0x0, v2  }
0x28f: {  	v13 =	vsel vm13, $0x0, v2;
	v35 =	vsel vm8, $0x0, v2;
	v28 =	vbroadcast v12, $0xF;
	v32, _, _ =	vpop (xrf0);
	(xrf0) =	vadd.scan.msk.s32 $0xffff, v31  }
0x290: {  	v36 =	vsel vm7, $0x0, v2;
	v37 =	vsel vm6, $0x0, v2;
	v7 =	vadd.s32 v24, v7  }
0x291: {  	v7 =	vadd.s32 v27, v7;
	v9 =	vbroadcast v32, $0xF;
	vm0 =	vlt.s32 v28, v6;
	v34, _, _ =	vpop (xrf0);
	(xrf0) =	vadd.scan.msk.s32 $0xffff, v13  }
0x292: {  	v7 =	vadd.s32 v30, v7;
	v33 =	vsel vm0, $0x1, v1;
	v12 =	vbroadcast v34, $0xF;
	(xrf0) =	vadd.scan.msk.s32 $0xffff, v35  }
0x293: {  	v2 =	vsel vm4, $0x0, v2;
	vm0 =	vlt.s32 v9, v6;
	v7 =	vadd.s32 v33, v7;
	v14, _, _ =	vpop (xrf0);
	(xrf0) =	vadd.scan.msk.s32 $0xffff, v36  }
0x294: {  	v15 =	vsel vm0, $0x1, v1;
	v14 =	vbroadcast v14, $0xF;
	v38, _, _ =	vpop (xrf0);
	vm0 =	vlt.s32 v12, v6;
	(xrf0) =	vadd.scan.msk.s32 $0xffff, v37  }
0x295: {  	v7 =	vadd.s32 v15, v7;
	v15 =	vbroadcast v38, $0xF;
	v39 =	vsel vm0, $0x1, v1;
	v16, _, _ =	vpop (xrf0);
	(xrf0) =	vadd.scan.msk.s32 $0xffff, v2  }
0x296: {  	v48 =	vadd.s32 $0x11, v0;
	vm0 =	vlt.s32 v14, v6;
	v2 =	vadd.s32 v39, v7  }
0x297: {  	v40 =	vsel vm0, $0x1, v1;
	v41 =	vbroadcast v16, $0xF;
	vm0 =	vlt.s32 v15, v6;
	v42, _, _ =	vpop (xrf0)  }
0x298: {  	v2 =	vadd.s32 v40, v2;
	v17 =	vsel vm0, $0x1, v1;
	v43, _, _ =	vpop (xrf0);
	v16 =	vbroadcast v42, $0xF  }
0x299: {  	vm0 =	vlt.s32 v41, v6;
	v2 =	vadd.s32 v17, v2;
	v18, _, _ =	vpop (xrf0);
	v7 =	vbroadcast v43, $0xF  }
0x29a: {  	v44 =	vsel vm0, $0x1, v1;
	v19, _, _ =	vpop (xrf0);
	vm0 =	vlt.s32 v16, v6;
	v45 =	vbroadcast v18, $0xF  }
0x29b: {  	v46 =	vsel vm0, $0x1, v1;
	vm0 =	vlt.s32 v7, v6;
	v19 =	vbroadcast v19, $0xF;
	v20, _, _ =	vpop (xrf0)  }
0x29c: {  	v21 =	vsel vm0, $0x1, v1;
	vm0 =	vlt.s32 v45, v6;
	v20 =	vbroadcast v20, $0xF  }
0x29d: {  	v2 =	vadd.s32 v44, v2;
	v47 =	vsel vm0, $0x1, v1;
	vm0 =	vlt.s32 v19, v6  }
0x29e: {  	v2 =	vadd.s32 v46, v2;
	v22 =	vsel vm0, $0x1, v1;
	vm0 =	vlt.s32 v20, v6  }
0x29f: {  	v2 =	vadd.s32 v21, v2;
	v49 =	vsel vm0, $0x1, v1;
	vm0 =	vlt.s32 v3, v48  }
0x2a0: {  	v2 =	vadd.s32 v47, v2;
	v3 =	vsel vm0, $0x1, v1;
	vm0 =	vlt.s32 v4, v48  }
0x2a1: {  	v2 =	vadd.s32 v22, v2;
	v4 =	vsel vm0, $0x1, v1;
	vm0 =	vlt.s32 v63, v48  }
0x2a2: {  	v3 =	vadd.s32 v4, v3;
	v50 =	vsel vm0, $0x1, v1;
	vm0 =	vlt.s32 v8, v48  }
0x2a3: {  	v3 =	vadd.s32 v50, v3;
	v51 =	vsel vm0, $0x1, v1;
	vm0 =	vlt.s32 v10, v48  }
0x2a4: {  	v3 =	vadd.s32 v51, v3;
	v52 =	vsel vm0, $0x1, v1;
	vm0 =	vlt.s32 v28, v48  }
0x2a5: {  	v3 =	vadd.s32 v52, v3;
	v53 =	vsel vm0, $0x1, v1;
	vm0 =	vlt.s32 v9, v48  }
0x2a6: {  	v3 =	vadd.s32 v53, v3;
	v54 =	vsel vm0, $0x1, v1;
	vm0 =	vlt.s32 v12, v48  }
0x2a7: {  	v3 =	vadd.s32 v54, v3;
	v55 =	vsel vm0, $0x1, v1;
	vm0 =	vlt.s32 v14, v48  }
0x2a8: {  	v3 =	vadd.s32 v55, v3;
	v56 =	vsel vm0, $0x1, v1;
	vm0 =	vlt.s32 v15, v48  }
0x2a9: {  	v3 =	vadd.s32 v56, v3;
	v57 =	vsel vm0, $0x1, v1;
	vm0 =	vlt.s32 v41, v48  }
0x2aa: {  	v3 =	vadd.s32 v57, v3;
	v58 =	vsel vm0, $0x1, v1;
	vm0 =	vlt.s32 v16, v48  }
0x2ab: {  	v3 =	vadd.s32 v58, v3;
	v59 =	vsel vm0, $0x1, v1;
	vm0 =	vlt.s32 v7, v48  }
0x2ac: {  	v3 =	vadd.s32 v59, v3;
	v60 =	vsel vm0, $0x1, v1;
	vm0 =	vlt.s32 v45, v48  }
0x2ad: {  	v3 =	vadd.s32 v60, v3;
	v61 =	vsel vm0, $0x1, v1;
	vm0 =	vlt.s32 v19, v48  }
0x2ae: {  	v3 =	vadd.s32 v61, v3;
	v62 =	vsel vm0, $0x1, v1;
	vm0 =	vlt.s32 v20, v48  }
0x2af: {  	v2 =	vadd.s32 v49, v2;
	v63 =	vsel vm0, $0x1, v1;
	v3 =	vadd.s32 v62, v3  }
0x2b0: {  	v2 =	vmin.u32 v2, $0xF;
	v3 =	vadd.s32 v63, v3  }
0x2b1: {  	[tilespmem:$0x500] =	vst v2;
	v2 =	vmin.u32 v3, $0xF  }
0x2b2: {  	[tilespmem:$0x510] =	vst v2;
	v2 =	vnsel vm12, $0x0, v20  }
.Ltmp4:
0x2b3: {  	s8 =	rddreg [dreg:$0x3];
	s7 =	simm.s32 $0x500;
	[tilespmem:$0x520] =	vst v2;
	(pc) =	sbr.rel .LBB2_5-.Ltmp4, $4  }
0x2b4: {  	[hbm4b:s8+s4] =	stream.linear.scatter [tilespmem:s7], [sflag:$0x10], $0x80, $0x38;
	[tilespmem:$0x1C590] =	vst v63  }
0x2b5: {  	_ =	swait.ge [sflag:s31], $0x80  }
0x2b6: {  	[sflag:s31] =	ssyncset.done $0x0  }
0x2b7: {  	[sflag:s31] =	ssyncadd.s32 $0xFFFFFF80  }
.LBB2_6:
0x2b8: {  	_ =	sfence.sel $0x180000  }
0x2b9: {  	[bflag:$0x0] =	sbarrier.arrive $0xFFFF  }
0x2ba: {  	_ =	strace $0x90000047  }
0x2bb: {  	s0 =	stileid.u32;
	[bflag:$0x2] =	sbarrier.arrive $0xFFFF  }
0x2bc: {  	p0 =	sne.s32 s0, $0x0;
	s0 =	rddreg [dreg:$0x5]  }
0x2bd: {  	s0 =	sadd.s32 @!p0 $0x100000, s0  }
0x2be: {  	[sflag:s0] =	ssyncadd.tile.s32 @!p0 $0x1;
	_ =	shalt  }
.Lfunc_end2:
_tile_overlayer_lowered:
.L_overlay_start_2:
0x2bf: {  	(tag) =	ssettag $0x2  }
0x2c0: {  	s0 =	rddreg [dreg:$0x0];
	s2 =	stileid.u32  }
0x2c1: {  	s1 =	rddreg [dreg:$0x1];
	p0 =	sne.s32 s2, $0x0  }
0x2c2: {  	s3 =	rddreg [dreg:$0x2];
	[bflag:$0x3] =	sbarrier.arrive $0xFFFF;
	s2 =	simm.s32 @!p0 $0x1C10  }
0x2c3: {  	[timem:s3], [sflag:s2] =	dma.local @!p0 [hbm:s0], s1  }
0x2c4: {  	s0 =	simm.s32 @!p0 $0x10  }
0x2c5: {  	_ =	swait.ge @!p0 [sflag:s0], s1  }
0x2c6: {  	s1 =	ssub.s32 @!p0 $0x0, s1;
	[sflag:s0] =	ssyncset.done @!p0 $0x0  }
0x2c7: {  	[sflag:s0] =	ssyncadd.s32 @!p0 s1  }
0x2c8: {  	[bflag:$0x3] =	sbarrier.arrive $0xFFFF  }
0x2c9: {  	_ =	shalt  }

// kernel: kernel.8.cloned.1.call-start
scs
__scs_entry_jumppad:
0x0: {  	(pc) =	sbr.rel $0x88, $3  }
0x1: {  	(tag) =	ssettag $0x0;
	lr =	simm.s32 $0x1  }
0x2: {  	[smem:$0x3F9E] =	sst lr;
	_ =	strace $0xD0000000  }
0x3: {  	_ = 	snop  }
0x4: {  	_ = 	snop  }
0x5: {  	_ = 	snop  }
0x6: {  	_ = 	snop  }
0x7: {  	_ = 	snop  }
__scs_overlays_trampoline_lowered:
0x8: {  	[smem:$0x3FAD] =	sst s0  }
0x9: {  	[smem:$0x3FAE] =	sst s1  }
0xa: {  	[smem:$0x3FAF] =	sst s2  }
0xb: {  	[smem:$0x3FB0] =	sst s3  }
0xc: {  	[smem:$0x3FB1] =	sst s4  }
0xd: {  	[smem:$0x3FB2] =	sst s5  }
0xe: {  	[smem:$0x3FB3] =	sst s6  }
0xf: {  	[smem:$0x3FB4] =	sst s7  }
0x10: {  	[smem:$0x3FB5] =	sst s8  }
0x11: {  	[smem:$0x3FB6] =	sst s9;
	s0 =	simm.s32 @!p0 $0x0  }
0x12: {  	s1 =	sld [smem:$0x3F9C];
	s0 =	simm.s32 @p0 $0x1  }
0x13: {  	[smem:$0x3FB7] =	sst s0;
	s0 =	simm.s32 @!p1 $0x0  }
0x14: {  	s2 =	sld [smem:$0x3F9B];
	s0 =	simm.s32 @p1 $0x1  }
0x15: {  	[smem:$0x3FB8] =	sst s0;
	s0 =	simm.s32 @!p2 $0x0  }
0x16: {  	s3 =	sld [smem:$0x3FDB];
	s0 =	simm.s32 @p2 $0x1  }
0x17: {  	s4 =	simm.s32 $0x1BF5;
	[smem:$0x3FBA] =	sst s0  }
0x18: {  	s0 =	sld [smem:$0x3F9D];
	_ =	swait.ge [sflag:s4], $0x0  }
0x19: {  	s7 =	sld [smem:$0x3F9E]  }
0x1a: {  	s8 =	sadd.s32 $0xFFFFE003, lr  }
0x1b: {  	s9 =	sadd.s32 $0xFFFFFEF7, lr;
	s5 =	simm.s32 $0xFFFFFFFF;
	p2 =	slt.u32 s8, $0xFFFFF086  }
0x1c: {  	p1 =	slt.u32 s9, $0xF7A;
	s5 =	simm.s32 @!p2 $0x0  }
0x1d: {  	s5 =	simm.s32 @p1 $0x1;
	p0 =	seq.s32 s7, s2  }
0x1e: {  	s7 =	smul.u32 @!p0 $0xF7A, s2;
	p2 =	seq.s32 @!p0 s5, $0x0  }
0x1f: {  	s9 =	smul.u32 $0xF7A, s1;
	s8 =	simm.s32 @!p0 $0x1BF5;
	p2 =	por !p2, p0  }
0x20: {  	[sflag:s8] =	ssyncset.s32 @!p0 $0xFFFFF086;
	s6 =	sadd.s32 @!p0 s3, s7;
	s7 =	simm.s32 @!p0 $0x108  }
0x21: {  	s3 =	sadd.s32 s3, s9;
	s6 =	sadd.s32 @!p0 $0x88, s6;
	s7 =	simm.s32 @p2 $0x1082  }
0x22: {  	[simem:s7], [sflag:s8] =	dma.local @!p0 [hbm:s6], $0xF7A  }
0x23: {  	s9 =	sor.u32 $0xD0000000, s2;
	s6 =	simm.s32 $0x108;
	_ =	swait.ge @!p0 [sflag:s8], $0x0  }
0x24: {  	s3 =	sadd.s32 $0x88, s3;
	s6 =	simm.s32 @!p1 $0x1082;
	[sflag:s4] =	ssyncset.s32 $0xFFFFF086  }
0x25: {  	[simem:s6], [sflag:s4] =	dma.local [hbm:s3], $0xF7A  }
0x26: {  	[smem:$0x3F9E] =	sst s1;
	(tag) =	ssettag s2;
	_ =	strace s9  }
0x27: {  	s1 =	sld [smem:$0x3FAE]  }
0x28: {  	s2 =	sld [smem:$0x3FAF]  }
0x29: {  	s4 =	sld [smem:$0x3FB1]  }
0x2a: {  	p0 =	seq.s32 s5, $0x0;
	s5 =	sld [smem:$0x3FB2]  }
0x2b: {  	s6 =	sld [smem:$0x3FB3]  }
0x2c: {  	s7 =	sld [smem:$0x3FB4]  }
0x2d: {  	s3 =	simm.s32 $0x108;
	s8 =	sld [smem:$0x3FB5]  }
0x2e: {  	s3 =	simm.s32 @!p0 $0x1082;
	s9 =	sld [smem:$0x3FB6]  }
0x2f: {  	lr =	sadd.s32 s0, s3;
	s0 =	sld [smem:$0x3FAD]  }
0x30: {  	s3 =	sld [smem:$0x3FB0]  }
0x31: {  	[smem:$0x3FB9] =	sst s10  }
0x32: {  	s10 =	sld [smem:$0x3FB7];
	_ =	sdelay $0x3  }
0x33: {  	p0 =	seq.s32 s10, $0x1;
	s10 =	sld [smem:$0x3FB9];
	_ =	sdelay $0x3  }
0x34: {  	[smem:$0x3FB9] =	sst s10  }
0x35: {  	s10 =	sld [smem:$0x3FB8];
	_ =	sdelay $0x3  }
0x36: {  	p1 =	seq.s32 s10, $0x1;
	s10 =	sld [smem:$0x3FB9];
	_ =	sdelay $0x3  }
0x37: {  	[smem:$0x3FB9] =	sst s10  }
0x38: {  	s10 =	sld [smem:$0x3FBA]  }
0x39: {  	_ = 	snop;
	(pc) =	sbr.ind lr, $3  }
0x3a: {  	_ = 	snop  }
0x3b: {  	_ = 	snop  }
0x3c: {  	p2 =	seq.s32 s10, $0x1;
	s10 =	sld [smem:$0x3FB9]  }
0x3d: {  	_ =	shalt  }
0x3e: {  	_ =	shalt  }
0x3f: {  	_ =	shalt  }
0x40: {  	_ =	shalt  }
0x41: {  	_ =	shalt  }
0x42: {  	_ =	shalt  }
0x43: {  	_ =	shalt  }
0x44: {  	_ =	shalt  }
0x45: {  	_ =	shalt  }
0x46: {  	_ =	shalt  }
0x47: {  	_ =	shalt  }
0x48: {  	_ =	shalt  }
0x49: {  	_ =	shalt  }
0x4a: {  	_ =	shalt  }
0x4b: {  	_ =	shalt  }
0x4c: {  	_ =	shalt  }
0x4d: {  	_ =	shalt  }
0x4e: {  	_ =	shalt  }
0x4f: {  	_ =	shalt  }
0x50: {  	_ =	shalt  }
0x51: {  	_ =	shalt  }
0x52: {  	_ =	shalt  }
0x53: {  	_ =	shalt  }
0x54: {  	_ =	shalt  }
0x55: {  	_ =	shalt  }
0x56: {  	_ =	shalt  }
0x57: {  	_ =	shalt  }
0x58: {  	_ =	shalt  }
0x59: {  	_ =	shalt  }
0x5a: {  	_ =	shalt  }
0x5b: {  	_ =	shalt  }
0x5c: {  	_ =	shalt  }
0x5d: {  	_ =	shalt  }
0x5e: {  	_ =	shalt  }
0x5f: {  	_ =	shalt  }
0x60: {  	_ =	shalt  }
0x61: {  	_ =	shalt  }
0x62: {  	_ =	shalt  }
0x63: {  	_ =	shalt  }
0x64: {  	_ =	shalt  }
0x65: {  	_ =	shalt  }
0x66: {  	_ =	shalt  }
0x67: {  	_ =	shalt  }
0x68: {  	_ =	shalt  }
0x69: {  	_ =	shalt  }
0x6a: {  	_ =	shalt  }
0x6b: {  	_ =	shalt  }
0x6c: {  	_ =	shalt  }
0x6d: {  	_ =	shalt  }
0x6e: {  	_ =	shalt  }
0x6f: {  	_ =	shalt  }
0x70: {  	_ =	shalt  }
0x71: {  	_ =	shalt  }
0x72: {  	_ =	shalt  }
0x73: {  	_ =	shalt  }
0x74: {  	_ =	shalt  }
0x75: {  	_ =	shalt  }
0x76: {  	_ =	shalt  }
0x77: {  	_ =	shalt  }
0x78: {  	_ =	shalt  }
0x79: {  	_ =	shalt  }
0x7a: {  	_ =	shalt  }
0x7b: {  	_ =	shalt  }
0x7c: {  	_ =	shalt  }
0x7d: {  	_ =	shalt  }
0x7e: {  	_ =	shalt  }
0x7f: {  	_ =	shalt  }
0x80: {  	_ =	shalt  }
0x81: {  	_ =	shalt  }
0x82: {  	_ =	shalt  }
0x83: {  	_ =	shalt  }
0x84: {  	_ =	shalt  }
0x85: {  	_ =	shalt  }
0x86: {  	_ =	shalt  }
0x87: {  	_ =	shalt  }
.Lfunc_end0:
.L_simem_size_0:
called_computation.1_lowered:
.L_overlay_start_0:
0x88: {  	s2 =	sld [smem:$0x3FD9]  }
0x89: {  	s3 =	sld [smem:$0x3FFE];
	_ =	sdelay $0x1  }
0x8a: {  	s1 =	srdreg.scid  }
0x8b: {  	s0 =	sand.u32 $0x1, s1  }
0x8c: {  	s17 =	sshll.u32 s0, $0xA;
	s2 =	sadd.s32 s3, s2  }
0x8d: {  	s2 =	sadd.s32 s2, s17  }
0x8e: {  	[smem:$0x3FC5] =	sst s2  }
0x8f: {  	_ = 	snop  }
0x90: {  	s2 =	sld [smem:$0x3FD0];
	(tm) =	ssettm $0x1  }
0x91: {  	s18 =	sld [smem:$0x3FFB];
	_ =	sdelay $0x3  }
0x92: {  	_ =	strace s18  }
0x93: {  	s3 =	sld [smem:$0x3FFC];
	_ =	sdelay $0x3  }
0x94: {  	_ =	strace s3  }
0x95: {  	s3 =	sld [smem:$0x3FFD];
	_ =	sdelay $0x3  }
0x96: {  	_ =	strace s3  }
0x97: {  	_ =	strace $0x8FFFFFFF  }
0x98: {  	s19 =	sld [smem:$0x3FDB];
	_ =	sdelay $0x1  }
0x99: {  	s4 =	simm.s32 $_scs_section_size  }
0x9a: {  	s5 =	simm.s32 $_size__tile_overlayer_lowered;
	s6 =	simm.s32 $_tile_overlayer_lowered  }
0x9b: {  	s22 =	simm.s32 $0x1BFF;
	s21 =	sshll.u32 s6, $0x1;
	s3 =	sadd.s32 s4, s19  }
0x9c: {  	s7 =	simm.s32 $0x0;
	s20 =	sshll.u32 s5, $0x1;
	s5 =	sadd.s32 s21, s3  }
0x9d: {  	[timem:s7], [sflag:s22] =	dma.local [hbm:s5], s20  }
0x9e: {  	_ =	swait.ge [sflag:s22], s20  }
0x9f: {  	s4 =	ssub.s32 $0x0, s20;
	[sflag:s22] =	ssyncset.done $0x0  }
0xa0: {  	[sflag:s22] =	ssyncadd.s32 s4;
	_ =	sdelay $0x1  }
0xa1: {  	s23 =	simm.s32 $0x1B8B  }
0xa2: {  	_ =	swait.ge [sflag:s23], $0x1  }
0xa3: {  	[sflag:s23] =	ssyncset.done $0x0  }
0xa4: {  	s25 =	simm.s32 $0x1B8E;
	s24 =	sld [smem:$0x3FFE];
	[sflag:s23] =	ssyncadd.s32 $0xFFFFFFFF  }
0xa5: {  	s26 =	simm.s32 $execute0_lowered;
	[smem:$0x3FD2] =	sst s25  }
0xa6: {  	s5 =	sshll.u32 s26, $0x1;
	_ =	strace $0x80000049;
	[dreg:$0x1] =	wrdreg $0xFFFFFFFF  }
0xa7: {  	s28 =	simm.s32 $_size_execute0_lowered;
	s3 =	sadd.s32 s3, s5;
	[dreg:$0x0] =	wrdreg $0x0  }
0xa8: {  	s5 =	sshll.u32 s28, $0x1;
	[dreg:$0x2] =	wrdreg s3  }
0xa9: {  	[dreg:$0x3] =	wrdreg s5  }
0xaa: {  	[dreg:$0x4] =	wrdreg $0xC0  }
0xab: {  	_ =	task [dreg:s7], $0x5FFFF  }
0xac: {  	[dreg:$0x1] =	wrdreg $0xFFFFFFFF  }
0xad: {  	[dreg:$0x0] =	wrdreg $0x60  }
0xae: {  	[dreg:$0x2] =	wrdreg s24  }
0xaf: {  	[dreg:$0x3] =	wrdreg s2  }
0xb0: {  	[dreg:$0x4] =	wrdreg $0x9  }
0xb1: {  	_ =	task.clear_ibuf [dreg:s7], $0x5FFFF;
	_ =	strace $0x90000049  }
0xb2: {  	s29 =	simm.s32 $0x9;
	_ =	strace $0x8000004B  }
0xb3: {  	_ =	swait.ge [sflag:s29], $0x1  }
0xb4: {  	[sflag:s29] =	ssyncadd.s32 $0xFFFFFFFF  }
0xb5: {  	_ =	strace $0x9000004B  }
0xb6: {  	_ =	sfence  }
0xb7: {  	s30 =	sld [smem:$0x0];
	_ =	sdelay $0x2  }
0xb8: {  	s31 =	sshll.u32 s1, $0xD;
	s1 =	sshrl.u32 s1, $0x2  }
0xb9: {  	s3 =	sand.u32 $0x4000, s31;
	s1 =	sadd.s32 s1, s30  }
0xba: {  	s0 =	sor.u32 s3, s0;
	s1 =	sshll.u32 s1, $0x11  }
0xbb: {  	s0 =	sor.u32 s1, s0  }
0xbc: {  	s0 =	sadd.s32 $0x8F2B, s0  }
0xbd: {  	[sflag:s0] =	ssyncadd.remote.s32 $0x1  }
0xbe: {  	_ =	sfence.sel $0xFFFF  }
0xbf: {  	[dreg:$0x0] =	wrdreg $0xFFFFFFFF;
	(pc) =	sbr.abs _section_cstart, $3  }
0xc0: {  	[dreg:$0x1] =	wrdreg $0xFFFFFFFF  }
0xc1: {  	_ =	task.clear_ibuf [dreg:s7], $0x2FFFF;
	_ =	strace $0x9FFFFFFF  }
0xc2: {  	(tm) =	ssettm $0x7FFFFFFF  }
0xc3: {  	_ =	shalt  }
tec
execute0_lowered:
.L_overlay_start_1:
0x0: {  	(tag) =	ssettag $0x1  }
0x1: {  	s0 =	srdreg.scid  }
0x2: {  	s2 =	stileid.u32;
	s1 =	sand.u32 $0x1, s0  }
0x3: {  	s4 =	rddreg [dreg:$0x1];
	s2 =	sshll.u32 s2, $0x8;
	s3 =	sshll.u32 s1, $0x7  }
0x4: {  	s0 =	rddreg [dreg:$0x0];
	s3 =	sor.u32 s3, s2;
	s2 =	simm.s32 $0x0  }
0x5: {  	s6 =	simm.s32 $0x5080;
	[smem:$0x7FF] =	sst s2  }
0x6: {  	s7 =	simm.s32 $0x5880;
	_ =	strace $0x8000004A;
	[dreg:$0xc] =	wrdreg s6  }
0x7: {  	s8 =	simm.s32 $0x6080;
	[dreg:$0xd] =	wrdreg s7  }
0x8: {  	s9 =	simm.s32 $0x6880;
	[dreg:$0xe] =	wrdreg s8  }
0x9: {  	s10 =	simm.s32 $0x7080;
	[dreg:$0xf] =	wrdreg s9  }
0xa: {  	s11 =	simm.s32 $0x7880;
	[dreg:$0x10] =	wrdreg s10  }
0xb: {  	s12 =	simm.s32 $0x8880;
	[dreg:$0x11] =	wrdreg s11  }
0xc: {  	s13 =	simm.s32 $0x9080;
	[dreg:$0x12] =	wrdreg s12  }
0xd: {  	s14 =	simm.s32 $0x9880;
	[dreg:$0x13] =	wrdreg s13  }
0xe: {  	s15 =	simm.s32 $0xA080;
	[dreg:$0x14] =	wrdreg s14  }
0xf: {  	s16 =	simm.s32 $0xA880;
	[dreg:$0x15] =	wrdreg s15  }
0x10: {  	s17 =	simm.s32 $0xB080;
	[dreg:$0x16] =	wrdreg s16  }
0x11: {  	s18 =	simm.s32 $0xB880;
	[dreg:$0x17] =	wrdreg s17  }
0x12: {  	s19 =	simm.s32 $0xC880;
	[dreg:$0x18] =	wrdreg s18  }
0x13: {  	s20 =	simm.s32 $0xD080;
	s21 =	simm.s32 $0xD880;
	[dreg:$0x19] =	wrdreg s19  }
0x14: {  	s5 =	sshrl.u32 s3, $0x3;
	s3 =	sshll.u32 s3, $0x7;
	[dreg:$0x1a] =	wrdreg s20  }
0x15: {  	s4 =	sadd.s32 s4, s3;
	[dreg:$0x1b] =	wrdreg s21  }
0x16: {  	s6 =	simm.s32 $0x10880;
	[smem:$0x7E8] =	sst s4  }
0x17: {  	s7 =	simm.s32 $0x11080;
	[smem:$0x7E9] =	sst s6  }
0x18: {  	s8 =	simm.s32 $0x11880;
	[smem:$0x7EA] =	sst s7  }
0x19: {  	s9 =	simm.s32 $0x12080;
	[smem:$0x7EB] =	sst s8  }
0x1a: {  	s10 =	simm.s32 $0x12880;
	[smem:$0x7EC] =	sst s9  }
0x1b: {  	s11 =	simm.s32 $0x13080;
	[smem:$0x7ED] =	sst s10  }
0x1c: {  	s12 =	simm.s32 $0x13880;
	[smem:$0x7EE] =	sst s11  }
0x1d: {  	s13 =	simm.s32 $0x14880;
	[smem:$0x7EF] =	sst s12  }
0x1e: {  	s14 =	simm.s32 $0x15080;
	[smem:$0x7F0] =	sst s13  }
0x1f: {  	s15 =	simm.s32 $0x15880;
	[smem:$0x7F1] =	sst s14  }
0x20: {  	s16 =	simm.s32 $0x16080;
	[smem:$0x7F2] =	sst s15  }
0x21: {  	s28 =	simm.s32 $0xC080;
	s17 =	simm.s32 $0x16880;
	[smem:$0x7F3] =	sst s16  }
0x22: {  	s29 =	simm.s32 $0x10080;
	s18 =	simm.s32 $0x17080;
	[smem:$0x7F4] =	sst s17  }
0x23: {  	s30 =	simm.s32 $0x14080;
	s19 =	simm.s32 $0x17880;
	[smem:$0x7F5] =	sst s18  }
0x24: {  	s31 =	simm.s32 $0x18080;
	s20 =	simm.s32 $0x18880;
	[smem:$0x7F6] =	sst s19  }
0x25: {  	s5 =	sadd.s32 s5, s0;
	s21 =	simm.s32 $0x19080;
	[smem:$0x7F7] =	sst s20  }
0x26: {  	s1 =	ssub.s32 $0x2, s1;
	s5 =	sadd.s32 $0x180E00, s5;
	[smem:$0x7F8] =	sst s21  }
0x27: {  	s3 =	sadd.s32 $0x800, s4;
	s22 =	sadd.s32 $0x1000, s4;
	[dreg:$0x3] =	wrdreg s5  }
0x28: {  	s23 =	sadd.s32 $0x1800, s4;
	s24 =	sadd.s32 $0x2000, s4;
	[dreg:$0x4] =	wrdreg s3  }
0x29: {  	s25 =	sadd.s32 $0x2800, s4;
	s26 =	sadd.s32 $0x3000, s4;
	[dreg:$0x5] =	wrdreg s22  }
0x2a: {  	s4 =	sadd.s32 $0x3800, s4;
	s6 =	sadd.s32 $0x181200, s0;
	[dreg:$0x6] =	wrdreg s23  }
0x2b: {  	s7 =	sadd.s32 $0x181300, s0;
	s10 =	simm.s32 $0x80;
	[dreg:$0x7] =	wrdreg s24  }
0x2c: {  	s11 =	simm.s32 $0xB;
	s12 =	simm.s32 $0xC;
	[dreg:$0x8] =	wrdreg s25  }
0x2d: {  	s13 =	simm.s32 $0xD;
	s14 =	simm.s32 $0xE;
	[dreg:$0x9] =	wrdreg s26  }
0x2e: {  	s17 =	simm.s32 $0x880;
	[dreg:$0xa] =	wrdreg s4;
	s5 =	simm.s32 $0x4880  }
0x2f: {  	s18 =	simm.s32 $0x1080;
	s22 =	simm.s32 $0xE080;
	[dreg:$0xb] =	wrdreg s5  }
0x30: {  	s19 =	simm.s32 $0x1880;
	s23 =	simm.s32 $0xE880;
	[dreg:$0x1c] =	wrdreg s22  }
0x31: {  	s20 =	simm.s32 $0x2080;
	s24 =	simm.s32 $0xF080;
	[dreg:$0x1d] =	wrdreg s23  }
0x32: {  	s21 =	simm.s32 $0x2880;
	s25 =	simm.s32 $0xF880;
	[dreg:$0x1e] =	wrdreg s24  }
0x33: {  	s4 =	sadd.s32 $0x181000, s0;
	[dreg:$0x1f] =	wrdreg s25;
	s22 =	simm.s32 $0x19880  }
0x34: {  	s26 =	sshrl.u32 s1, $0x1;
	s23 =	simm.s32 $0x1A080;
	[smem:$0x7F9] =	sst s22  }
0x35: {  	s3 =	simm.s32 $0xA;
	s24 =	simm.s32 $0x1A880;
	[smem:$0x7FA] =	sst s23  }
0x36: {  	s1 =	ssub.s32 s1, s26;
	s25 =	simm.s32 $0x1B080;
	[smem:$0x7FB] =	sst s24  }
0x37: {  	s5 =	sadd.s32 $0x181100, s0;
	s26 =	simm.s32 $0x1B880;
	[smem:$0x7FC] =	sst s25  }
0x38: {  	v2 =	vlaneseq.u32;
	s0 =	simm.s32 $0x9;
	s8 =	smax.u32 s1, $0x1;
	[smem:$0x7FD] =	sst s26  }
0x39: {  	vm0 =	vmmov $0xffff;
	v1 =	vshrl.u32 v2, $0x3;
	s24 =	simm.s32 $0x1;
	s26 =	simm.s32 $0x8;
	s1 =	simm.s32 $0x7  }
0x3a: {  	v0 =	vand.u32 $0x7, v2;
	v2 =	vor.u32 $0x8, v2;
	v1 =	vmul.u32 $0x8, v1;
	s22 =	simm.s32 $0x3080;
	s23 =	simm.s32 $0x3880;
	s25 =	simm.s32 $0x8080  }
.LBB2_1:
0x3b: {  	s15 =	rddreg [dreg:$0x3];
	s9 =	simm.s32 $0xF  }
0x3c: {  	[tilespmem:s2], [sflag:$0xF] =	stream.linear.gather [hbm4b:s15+s2], $0x80, $0x38;
	[tilespmem:$0x1C080] =	vst v63  }
0x3d: {  	_ =	swait.ge [sflag:s9], $0x80  }
0x3e: {  	[sflag:s9] =	ssyncset.done $0x0  }
0x3f: {  	[sflag:s9] =	ssyncadd.s32 $0xFFFFFF80  }
0x40: {  	v3 =	vld [tilespmem:$0x0];
	_ =	sdelay $0x4  }
0x41: {  	v4 =	vshll.u32 v3, $0x3  }
0x42: {  	v3 =	vand.u32 $0x7, v3;
	v4 =	vand.u32 $0xFFFFFFC0, v4  }
0x43: {  	v3 =	vor.u32 v3, v4  }
0x44: {  	v4 =	vperm.xlane v3, v0;
	_ =	sdelay $0x1  }
0x45: {  	v4 =	vadd.s32 v1, v4;
	_ =	sdelay $0x4  }
0x46: {  	[tilespmem:s10], [sflag:$0x1] =	stream.indirect_vreg.gather [hbm4b:s4+s2], $0x80, v4, vm0, $0xb8;
	[tilespmem:$0x1C080] =	vst v63  }
0x47: {  	v3 =	vperm.xlane v3, v2  }
0x48: {  	[tilespmem:s17], [sflag:$0x1] =	stream.indirect_vreg.gather [hbm4b:s5+s2], $0x80, v4, vm0, $0xb8;
	[tilespmem:$0x1C080] =	vst v63  }
0x49: {  	v3 =	vadd.s32 v1, v3  }
0x4a: {  	[tilespmem:s18], [sflag:$0x1] =	stream.indirect_vreg.gather [hbm4b:s6+s2], $0x80, v4, vm0, $0xb8;
	[tilespmem:$0x1C080] =	vst v63  }
0x4b: {  	_ = 	snop  }
0x4c: {  	[tilespmem:s19], [sflag:$0x1] =	stream.indirect_vreg.gather [hbm4b:s7+s2], $0x80, v4, vm0, $0xb8;
	[tilespmem:$0x1C080] =	vst v63  }
0x4d: {  	_ = 	snop  }
0x4e: {  	[tilespmem:s20], [sflag:$0x1] =	stream.indirect_vreg.gather [hbm4b:s4+s2], $0x80, v3, vm0, $0xb8;
	[tilespmem:$0x1C080] =	vst v63  }
0x4f: {  	_ = 	snop  }
0x50: {  	[tilespmem:s21], [sflag:$0x1] =	stream.indirect_vreg.gather [hbm4b:s5+s2], $0x80, v3, vm0, $0xb8;
	[tilespmem:$0x1C080] =	vst v63  }
0x51: {  	_ = 	snop  }
0x52: {  	[tilespmem:s22], [sflag:$0x1] =	stream.indirect_vreg.gather [hbm4b:s6+s2], $0x80, v3, vm0, $0xb8;
	[tilespmem:$0x1C080] =	vst v63  }
0x53: {  	_ = 	snop  }
0x54: {  	[tilespmem:s23], [sflag:$0x1] =	stream.indirect_vreg.gather [hbm4b:s7+s2], $0x80, v3, vm0, $0xb8;
	[tilespmem:$0x1C080] =	vst v63  }
0x55: {  	v3 =	vld [tilespmem:$0x10];
	_ =	sdelay $0x4  }
0x56: {  	v57 =	vshll.u32 v3, $0x3  }
0x57: {  	v3 =	vand.u32 $0x7, v3;
	v4 =	vand.u32 $0xFFFFFFC0, v57  }
0x58: {  	v3 =	vor.u32 v3, v4  }
0x59: {  	v4 =	vperm.xlane v3, v0;
	_ =	sdelay $0x1  }
0x5a: {  	v4 =	vadd.s32 v1, v4;
	_ =	sdelay $0x3  }
0x5b: {  	s9 =	simm.s32 $0x4080  }
0x5c: {  	[tilespmem:s9], [sflag:$0x2] =	stream.indirect_vreg.gather [hbm4b:s4+s2], $0x80, v4, vm0, $0xb8;
	[tilespmem:$0x1C080] =	vst v63  }
0x5d: {  	s15 =	rddreg [dreg:$0xb];
	v3 =	vperm.xlane v3, v2  }
0x5e: {  	[tilespmem:s15], [sflag:$0x2] =	stream.indirect_vreg.gather [hbm4b:s5+s2], $0x80, v4, vm0, $0xb8;
	[tilespmem:$0x1C080] =	vst v63  }
0x5f: {  	s16 =	rddreg [dreg:$0xc];
	v3 =	vadd.s32 v1, v3  }
0x60: {  	[tilespmem:s16], [sflag:$0x2] =	stream.indirect_vreg.gather [hbm4b:s6+s2], $0x80, v4, vm0, $0xb8;
	[tilespmem:$0x1C080] =	vst v63  }
0x61: {  	s15 =	rddreg [dreg:$0xd]  }
0x62: {  	[tilespmem:s15], [sflag:$0x2] =	stream.indirect_vreg.gather [hbm4b:s7+s2], $0x80, v4, vm0, $0xb8;
	[tilespmem:$0x1C080] =	vst v63  }
0x63: {  	s16 =	rddreg [dreg:$0xe]  }
0x64: {  	[tilespmem:s16], [sflag:$0x2] =	stream.indirect_vreg.gather [hbm4b:s4+s2], $0x80, v3, vm0, $0xb8;
	[tilespmem:$0x1C080] =	vst v63  }
0x65: {  	s15 =	rddreg [dreg:$0xf]  }
0x66: {  	[tilespmem:s15], [sflag:$0x2] =	stream.indirect_vreg.gather [hbm4b:s5+s2], $0x80, v3, vm0, $0xb8;
	[tilespmem:$0x1C080] =	vst v63  }
0x67: {  	s16 =	rddreg [dreg:$0x10]  }
0x68: {  	[tilespmem:s16], [sflag:$0x2] =	stream.indirect_vreg.gather [hbm4b:s6+s2], $0x80, v3, vm0, $0xb8;
	[tilespmem:$0x1C080] =	vst v63  }
0x69: {  	s15 =	rddreg [dreg:$0x11]  }
0x6a: {  	[tilespmem:s15], [sflag:$0x2] =	stream.indirect_vreg.gather [hbm4b:s7+s2], $0x80, v3, vm0, $0xb8;
	[tilespmem:$0x1C080] =	vst v63  }
0x6b: {  	v3 =	vld [tilespmem:$0x20];
	_ =	sdelay $0x4  }
0x6c: {  	v58 =	vshll.u32 v3, $0x3  }
0x6d: {  	v3 =	vand.u32 $0x7, v3;
	v4 =	vand.u32 $0xFFFFFFC0, v58  }
0x6e: {  	v3 =	vor.u32 v3, v4  }
0x6f: {  	v4 =	vperm.xlane v3, v0;
	_ =	sdelay $0x1  }
0x70: {  	v4 =	vadd.s32 v1, v4;
	_ =	sdelay $0x4  }
0x71: {  	[tilespmem:s25], [sflag:$0x3] =	stream.indirect_vreg.gather [hbm4b:s4+s2], $0x80, v4, vm0, $0xb8;
	[tilespmem:$0x1C080] =	vst v63  }
0x72: {  	s15 =	rddreg [dreg:$0x12];
	v3 =	vperm.xlane v3, v2  }
0x73: {  	[tilespmem:s15], [sflag:$0x3] =	stream.indirect_vreg.gather [hbm4b:s5+s2], $0x80, v4, vm0, $0xb8;
	[tilespmem:$0x1C080] =	vst v63  }
0x74: {  	s16 =	rddreg [dreg:$0x13];
	v3 =	vadd.s32 v1, v3  }
0x75: {  	[tilespmem:s16], [sflag:$0x3] =	stream.indirect_vreg.gather [hbm4b:s6+s2], $0x80, v4, vm0, $0xb8;
	[tilespmem:$0x1C080] =	vst v63  }
0x76: {  	s15 =	rddreg [dreg:$0x14]  }
0x77: {  	[tilespmem:s15], [sflag:$0x3] =	stream.indirect_vreg.gather [hbm4b:s7+s2], $0x80, v4, vm0, $0xb8;
	[tilespmem:$0x1C080] =	vst v63  }
0x78: {  	s16 =	rddreg [dreg:$0x15]  }
0x79: {  	[tilespmem:s16], [sflag:$0x3] =	stream.indirect_vreg.gather [hbm4b:s4+s2], $0x80, v3, vm0, $0xb8;
	[tilespmem:$0x1C080] =	vst v63  }
0x7a: {  	s15 =	rddreg [dreg:$0x16]  }
0x7b: {  	[tilespmem:s15], [sflag:$0x3] =	stream.indirect_vreg.gather [hbm4b:s5+s2], $0x80, v3, vm0, $0xb8;
	[tilespmem:$0x1C080] =	vst v63  }
0x7c: {  	s16 =	rddreg [dreg:$0x17]  }
0x7d: {  	[tilespmem:s16], [sflag:$0x3] =	stream.indirect_vreg.gather [hbm4b:s6+s2], $0x80, v3, vm0, $0xb8;
	[tilespmem:$0x1C080] =	vst v63  }
0x7e: {  	s15 =	rddreg [dreg:$0x18]  }
0x7f: {  	[tilespmem:s15], [sflag:$0x3] =	stream.indirect_vreg.gather [hbm4b:s7+s2], $0x80, v3, vm0, $0xb8;
	[tilespmem:$0x1C080] =	vst v63  }
0x80: {  	v3 =	vld [tilespmem:$0x30];
	_ =	sdelay $0x4  }
0x81: {  	v59 =	vshll.u32 v3, $0x3  }
0x82: {  	v3 =	vand.u32 $0x7, v3;
	v4 =	vand.u32 $0xFFFFFFC0, v59  }
0x83: {  	v3 =	vor.u32 v3, v4  }
0x84: {  	v4 =	vperm.xlane v3, v0;
	_ =	sdelay $0x1  }
0x85: {  	v4 =	vadd.s32 v1, v4;
	_ =	sdelay $0x4  }
0x86: {  	[tilespmem:s28], [sflag:$0x4] =	stream.indirect_vreg.gather [hbm4b:s4+s2], $0x80, v4, vm0, $0xb8;
	[tilespmem:$0x1C080] =	vst v63  }
0x87: {  	s15 =	rddreg [dreg:$0x19];
	v3 =	vperm.xlane v3, v2  }
0x88: {  	[tilespmem:s15], [sflag:$0x4] =	stream.indirect_vreg.gather [hbm4b:s5+s2], $0x80, v4, vm0, $0xb8;
	[tilespmem:$0x1C080] =	vst v63  }
0x89: {  	s16 =	rddreg [dreg:$0x1a];
	v3 =	vadd.s32 v1, v3  }
0x8a: {  	[tilespmem:s16], [sflag:$0x4] =	stream.indirect_vreg.gather [hbm4b:s6+s2], $0x80, v4, vm0, $0xb8;
	[tilespmem:$0x1C080] =	vst v63  }
0x8b: {  	s15 =	rddreg [dreg:$0x1b]  }
0x8c: {  	[tilespmem:s15], [sflag:$0x4] =	stream.indirect_vreg.gather [hbm4b:s7+s2], $0x80, v4, vm0, $0xb8;
	[tilespmem:$0x1C080] =	vst v63  }
0x8d: {  	s16 =	rddreg [dreg:$0x1c]  }
0x8e: {  	[tilespmem:s16], [sflag:$0x4] =	stream.indirect_vreg.gather [hbm4b:s4+s2], $0x80, v3, vm0, $0xb8;
	[tilespmem:$0x1C080] =	vst v63  }
0x8f: {  	s15 =	rddreg [dreg:$0x1d]  }
0x90: {  	[tilespmem:s15], [sflag:$0x4] =	stream.indirect_vreg.gather [hbm4b:s5+s2], $0x80, v3, vm0, $0xb8;
	[tilespmem:$0x1C080] =	vst v63  }
0x91: {  	s16 =	rddreg [dreg:$0x1e]  }
0x92: {  	[tilespmem:s16], [sflag:$0x4] =	stream.indirect_vreg.gather [hbm4b:s6+s2], $0x80, v3, vm0, $0xb8;
	[tilespmem:$0x1C080] =	vst v63  }
0x93: {  	s15 =	rddreg [dreg:$0x1f]  }
0x94: {  	[tilespmem:s15], [sflag:$0x4] =	stream.indirect_vreg.gather [hbm4b:s7+s2], $0x80, v3, vm0, $0xb8;
	[tilespmem:$0x1C080] =	vst v63  }
0x95: {  	v3 =	vld [tilespmem:$0x40];
	_ =	sdelay $0x4  }
0x96: {  	v60 =	vshll.u32 v3, $0x3  }
0x97: {  	v3 =	vand.u32 $0x7, v3;
	v4 =	vand.u32 $0xFFFFFFC0, v60  }
0x98: {  	v3 =	vor.u32 v3, v4  }
0x99: {  	v4 =	vperm.xlane v3, v0;
	_ =	sdelay $0x1  }
0x9a: {  	v4 =	vadd.s32 v1, v4;
	_ =	sdelay $0x3  }
0x9b: {  	s15 =	sld [smem:$0x7E9]  }
0x9c: {  	[tilespmem:s29], [sflag:$0x5] =	stream.indirect_vreg.gather [hbm4b:s4+s2], $0x80, v4, vm0, $0xb8;
	[tilespmem:$0x1C080] =	vst v63  }
0x9d: {  	s16 =	sld [smem:$0x7EA];
	v3 =	vperm.xlane v3, v2  }
0x9e: {  	[tilespmem:s15], [sflag:$0x5] =	stream.indirect_vreg.gather [hbm4b:s5+s2], $0x80, v4, vm0, $0xb8;
	[tilespmem:$0x1C080] =	vst v63  }
0x9f: {  	v3 =	vadd.s32 v1, v3;
	s15 =	sld [smem:$0x7EB]  }
0xa0: {  	[tilespmem:s16], [sflag:$0x5] =	stream.indirect_vreg.gather [hbm4b:s6+s2], $0x80, v4, vm0, $0xb8;
	[tilespmem:$0x1C080] =	vst v63  }
0xa1: {  	s16 =	sld [smem:$0x7EC]  }
0xa2: {  	[tilespmem:s15], [sflag:$0x5] =	stream.indirect_vreg.gather [hbm4b:s7+s2], $0x80, v4, vm0, $0xb8;
	[tilespmem:$0x1C080] =	vst v63  }
0xa3: {  	s15 =	sld [smem:$0x7ED]  }
0xa4: {  	[tilespmem:s16], [sflag:$0x5] =	stream.indirect_vreg.gather [hbm4b:s4+s2], $0x80, v3, vm0, $0xb8;
	[tilespmem:$0x1C080] =	vst v63  }
0xa5: {  	s16 =	sld [smem:$0x7EE]  }
0xa6: {  	[tilespmem:s15], [sflag:$0x5] =	stream.indirect_vreg.gather [hbm4b:s5+s2], $0x80, v3, vm0, $0xb8;
	[tilespmem:$0x1C080] =	vst v63  }
0xa7: {  	s15 =	sld [smem:$0x7EF]  }
0xa8: {  	[tilespmem:s16], [sflag:$0x5] =	stream.indirect_vreg.gather [hbm4b:s6+s2], $0x80, v3, vm0, $0xb8;
	[tilespmem:$0x1C080] =	vst v63  }
0xa9: {  	_ = 	snop  }
0xaa: {  	[tilespmem:s15], [sflag:$0x5] =	stream.indirect_vreg.gather [hbm4b:s7+s2], $0x80, v3, vm0, $0xb8;
	[tilespmem:$0x1C080] =	vst v63  }
0xab: {  	v3 =	vld [tilespmem:$0x50];
	_ =	sdelay $0x4  }
0xac: {  	v61 =	vshll.u32 v3, $0x3  }
0xad: {  	v3 =	vand.u32 $0x7, v3;
	v4 =	vand.u32 $0xFFFFFFC0, v61  }
0xae: {  	v3 =	vor.u32 v3, v4  }
0xaf: {  	v4 =	vperm.xlane v3, v0;
	_ =	sdelay $0x1  }
0xb0: {  	v4 =	vadd.s32 v1, v4;
	_ =	sdelay $0x3  }
0xb1: {  	s15 =	sld [smem:$0x7F0]  }
0xb2: {  	[tilespmem:s30], [sflag:$0x6] =	stream.indirect_vreg.gather [hbm4b:s4+s2], $0x80, v4, vm0, $0xb8;
	[tilespmem:$0x1C080] =	vst v63  }
0xb3: {  	s16 =	sld [smem:$0x7F1];
	v3 =	vperm.xlane v3, v2  }
0xb4: {  	[tilespmem:s15], [sflag:$0x6] =	stream.indirect_vreg.gather [hbm4b:s5+s2], $0x80, v4, vm0, $0xb8;
	[tilespmem:$0x1C080] =	vst v63  }
0xb5: {  	v3 =	vadd.s32 v1, v3;
	s15 =	sld [smem:$0x7F2]  }
0xb6: {  	[tilespmem:s16], [sflag:$0x6] =	stream.indirect_vreg.gather [hbm4b:s6+s2], $0x80, v4, vm0, $0xb8;
	[tilespmem:$0x1C080] =	vst v63  }
0xb7: {  	s16 =	sld [smem:$0x7F3]  }
0xb8: {  	[tilespmem:s15], [sflag:$0x6] =	stream.indirect_vreg.gather [hbm4b:s7+s2], $0x80, v4, vm0, $0xb8;
	[tilespmem:$0x1C080] =	vst v63  }
0xb9: {  	s15 =	sld [smem:$0x7F4]  }
0xba: {  	[tilespmem:s16], [sflag:$0x6] =	stream.indirect_vreg.gather [hbm4b:s4+s2], $0x80, v3, vm0, $0xb8;
	[tilespmem:$0x1C080] =	vst v63  }
0xbb: {  	s16 =	sld [smem:$0x7F5]  }
0xbc: {  	[tilespmem:s15], [sflag:$0x6] =	stream.indirect_vreg.gather [hbm4b:s5+s2], $0x80, v3, vm0, $0xb8;
	[tilespmem:$0x1C080] =	vst v63  }
0xbd: {  	s15 =	sld [smem:$0x7F6]  }
0xbe: {  	[tilespmem:s16], [sflag:$0x6] =	stream.indirect_vreg.gather [hbm4b:s6+s2], $0x80, v3, vm0, $0xb8;
	[tilespmem:$0x1C080] =	vst v63  }
0xbf: {  	_ = 	snop  }
0xc0: {  	[tilespmem:s15], [sflag:$0x6] =	stream.indirect_vreg.gather [hbm4b:s7+s2], $0x80, v3, vm0, $0xb8;
	[tilespmem:$0x1C080] =	vst v63  }
0xc1: {  	v3 =	vld [tilespmem:$0x60];
	_ =	sdelay $0x4  }
0xc2: {  	v62 =	vshll.u32 v3, $0x3  }
0xc3: {  	v3 =	vand.u32 $0x7, v3;
	v4 =	vand.u32 $0xFFFFFFC0, v62  }
0xc4: {  	v3 =	vor.u32 v3, v4  }
0xc5: {  	v4 =	vperm.xlane v3, v0;
	_ =	sdelay $0x1  }
0xc6: {  	v4 =	vadd.s32 v1, v4;
	_ =	sdelay $0x3  }
0xc7: {  	s15 =	sld [smem:$0x7F7]  }
0xc8: {  	[tilespmem:s31], [sflag:$0x7] =	stream.indirect_vreg.gather [hbm4b:s4+s2], $0x80, v4, vm0, $0xb8;
	[tilespmem:$0x1C080] =	vst v63  }
0xc9: {  	s16 =	sld [smem:$0x7F8];
	v3 =	vperm.xlane v3, v2  }
0xca: {  	[tilespmem:s15], [sflag:$0x7] =	stream.indirect_vreg.gather [hbm4b:s5+s2], $0x80, v4, vm0, $0xb8;
	[tilespmem:$0x1C080] =	vst v63  }
0xcb: {  	v3 =	vadd.s32 v1, v3;
	s15 =	sld [smem:$0x7F9]  }
0xcc: {  	[tilespmem:s16], [sflag:$0x7] =	stream.indirect_vreg.gather [hbm4b:s6+s2], $0x80, v4, vm0, $0xb8;
	[tilespmem:$0x1C080] =	vst v63  }
0xcd: {  	s16 =	sld [smem:$0x7FA]  }
0xce: {  	[tilespmem:s15], [sflag:$0x7] =	stream.indirect_vreg.gather [hbm4b:s7+s2], $0x80, v4, vm0, $0xb8;
	[tilespmem:$0x1C080] =	vst v63  }
0xcf: {  	s15 =	sld [smem:$0x7FB]  }
0xd0: {  	[tilespmem:s16], [sflag:$0x7] =	stream.indirect_vreg.gather [hbm4b:s4+s2], $0x80, v3, vm0, $0xb8;
	[tilespmem:$0x1C080] =	vst v63  }
0xd1: {  	s16 =	sld [smem:$0x7FC]  }
0xd2: {  	[tilespmem:s15], [sflag:$0x7] =	stream.indirect_vreg.gather [hbm4b:s5+s2], $0x80, v3, vm0, $0xb8;
	[tilespmem:$0x1C080] =	vst v63  }
0xd3: {  	s15 =	sld [smem:$0x7FD]  }
0xd4: {  	[tilespmem:s16], [sflag:$0x7] =	stream.indirect_vreg.gather [hbm4b:s6+s2], $0x80, v3, vm0, $0xb8;
	[tilespmem:$0x1C080] =	vst v63  }
0xd5: {  	_ = 	snop  }
0xd6: {  	[tilespmem:s15], [sflag:$0x7] =	stream.indirect_vreg.gather [hbm4b:s7+s2], $0x80, v3, vm0, $0xb8;
	[tilespmem:$0x1C080] =	vst v63  }
0xd7: {  	_ =	swait.ge [sflag:s24], $0x4000  }
0xd8: {  	s16 =	sld [smem:$0x7E8]  }
0xd9: {  	[sflag:s24] =	ssyncset.done $0x0  }
0xda: {  	[sflag:s24] =	ssyncadd.s32 $0xFFFFC000  }
0xdb: {  	[hbm4b:s16+s2] =	stream.linear.scatter [tilespmem:s10], [sflag:$0x8], $0x4000, $0x38;
	[tilespmem:$0x1C080] =	vst v63  }
0xdc: {  	s16 =	simm.s32 $0x2  }
0xdd: {  	_ =	swait.ge [sflag:s16], $0x4000  }
0xde: {  	[sflag:s16] =	ssyncset.done $0x0  }
0xdf: {  	s15 =	rddreg [dreg:$0x4];
	[sflag:s16] =	ssyncadd.s32 $0xFFFFC000  }
0xe0: {  	[hbm4b:s15+s2] =	stream.linear.scatter [tilespmem:s9], [sflag:$0x9], $0x4000, $0x38;
	[tilespmem:$0x1C080] =	vst v63  }
0xe1: {  	_ =	swait.ge [sflag:s26], $0x4000  }
0xe2: {  	[sflag:s26] =	ssyncset.done $0x0  }
0xe3: {  	[sflag:s26] =	ssyncadd.s32 $0xFFFFC000  }
0xe4: {  	v3 =	vld [tilespmem:$0x70];
	_ =	sdelay $0x4  }
0xe5: {  	v63 =	vshll.u32 v3, $0x3  }
0xe6: {  	v3 =	vand.u32 $0x7, v3;
	v4 =	vand.u32 $0xFFFFFFC0, v63  }
0xe7: {  	v3 =	vor.u32 v3, v4  }
0xe8: {  	v4 =	vperm.xlane v3, v0;
	_ =	sdelay $0x1  }
0xe9: {  	v4 =	vadd.s32 v1, v4;
	_ =	sdelay $0x4  }
0xea: {  	[tilespmem:s10], [sflag:$0x1] =	stream.indirect_vreg.gather [hbm4b:s4+s2], $0x80, v4, vm0, $0xb8;
	[tilespmem:$0x1C080] =	vst v63  }
0xeb: {  	v3 =	vperm.xlane v3, v2  }
0xec: {  	[tilespmem:s17], [sflag:$0x1] =	stream.indirect_vreg.gather [hbm4b:s5+s2], $0x80, v4, vm0, $0xb8;
	[tilespmem:$0x1C080] =	vst v63  }
0xed: {  	v3 =	vadd.s32 v1, v3  }
0xee: {  	[tilespmem:s18], [sflag:$0x1] =	stream.indirect_vreg.gather [hbm4b:s6+s2], $0x80, v4, vm0, $0xb8;
	[tilespmem:$0x1C080] =	vst v63  }
0xef: {  	_ = 	snop  }
0xf0: {  	[tilespmem:s19], [sflag:$0x1] =	stream.indirect_vreg.gather [hbm4b:s7+s2], $0x80, v4, vm0, $0xb8;
	[tilespmem:$0x1C080] =	vst v63  }
0xf1: {  	_ = 	snop  }
0xf2: {  	[tilespmem:s20], [sflag:$0x1] =	stream.indirect_vreg.gather [hbm4b:s4+s2], $0x80, v3, vm0, $0xb8;
	[tilespmem:$0x1C080] =	vst v63  }
0xf3: {  	_ = 	snop  }
0xf4: {  	[tilespmem:s21], [sflag:$0x1] =	stream.indirect_vreg.gather [hbm4b:s5+s2], $0x80, v3, vm0, $0xb8;
	[tilespmem:$0x1C080] =	vst v63  }
0xf5: {  	_ = 	snop  }
0xf6: {  	[tilespmem:s22], [sflag:$0x1] =	stream.indirect_vreg.gather [hbm4b:s6+s2], $0x80, v3, vm0, $0xb8;
	[tilespmem:$0x1C080] =	vst v63  }
0xf7: {  	s15 =	simm.s32 $0x3  }
0xf8: {  	[tilespmem:s23], [sflag:$0x1] =	stream.indirect_vreg.gather [hbm4b:s7+s2], $0x80, v3, vm0, $0xb8;
	[tilespmem:$0x1C080] =	vst v63  }
0xf9: {  	_ =	swait.ge [sflag:s15], $0x4000  }
0xfa: {  	[sflag:s15] =	ssyncset.done $0x0  }
0xfb: {  	s16 =	rddreg [dreg:$0x5];
	[sflag:s15] =	ssyncadd.s32 $0xFFFFC000;
	s15 =	simm.s32 $0x4  }
0xfc: {  	[hbm4b:s16+s2] =	stream.linear.scatter [tilespmem:s25], [sflag:$0xA], $0x4000, $0x38;
	[tilespmem:$0x1C080] =	vst v63  }
0xfd: {  	_ =	swait.ge [sflag:s15], $0x4000  }
0xfe: {  	[sflag:s15] =	ssyncset.done $0x0  }
0xff: {  	s16 =	rddreg [dreg:$0x6];
	[sflag:s15] =	ssyncadd.s32 $0xFFFFC000;
	s15 =	simm.s32 $0x5  }
0x100: {  	[hbm4b:s16+s2] =	stream.linear.scatter [tilespmem:s28], [sflag:$0xB], $0x4000, $0x38;
	[tilespmem:$0x1C080] =	vst v63  }
0x101: {  	_ =	swait.ge [sflag:s15], $0x4000  }
0x102: {  	[sflag:s15] =	ssyncset.done $0x0  }
0x103: {  	s16 =	rddreg [dreg:$0x7];
	[sflag:s15] =	ssyncadd.s32 $0xFFFFC000;
	s15 =	simm.s32 $0x6  }
0x104: {  	[hbm4b:s16+s2] =	stream.linear.scatter [tilespmem:s29], [sflag:$0xC], $0x4000, $0x38;
	[tilespmem:$0x1C080] =	vst v63  }
0x105: {  	_ =	swait.ge [sflag:s15], $0x4000  }
0x106: {  	[sflag:s15] =	ssyncset.done $0x0  }
0x107: {  	s16 =	rddreg [dreg:$0x8];
	[sflag:s15] =	ssyncadd.s32 $0xFFFFC000  }
0x108: {  	[hbm4b:s16+s2] =	stream.linear.scatter [tilespmem:s30], [sflag:$0xD], $0x4000, $0x38;
	[tilespmem:$0x1C080] =	vst v63  }
0x109: {  	_ =	swait.ge [sflag:s1], $0x4000  }
0x10a: {  	[sflag:s1] =	ssyncset.done $0x0  }
0x10b: {  	s9 =	rddreg [dreg:$0x9];
	[sflag:s1] =	ssyncadd.s32 $0xFFFFC000  }
0x10c: {  	[hbm4b:s9+s2] =	stream.linear.scatter [tilespmem:s31], [sflag:$0xE], $0x4000, $0x38;
	[tilespmem:$0x1C080] =	vst v63  }
0x10d: {  	_ =	swait.ge [sflag:s24], $0x4000  }
0x10e: {  	[sflag:s24] =	ssyncset.done $0x0  }
0x10f: {  	s16 =	rddreg [dreg:$0xa];
	[sflag:s24] =	ssyncadd.s32 $0xFFFFC000  }
0x110: {  	[hbm4b:s16+s2] =	stream.linear.scatter [tilespmem:s10], [sflag:$0x8], $0x4000, $0x38;
	[tilespmem:$0x1C080] =	vst v63  }
0x111: {  	_ =	swait.ge [sflag:s0], $0x4000  }
0x112: {  	[sflag:s0] =	ssyncset.done $0x0  }
0x113: {  	[sflag:s0] =	ssyncadd.s32 $0xFFFFC000  }
0x114: {  	_ =	swait.ge [sflag:s3], $0x4000  }
0x115: {  	[sflag:s3] =	ssyncset.done $0x0  }
0x116: {  	[sflag:s3] =	ssyncadd.s32 $0xFFFFC000  }
0x117: {  	_ =	swait.ge [sflag:s11], $0x4000  }
0x118: {  	[sflag:s11] =	ssyncset.done $0x0  }
0x119: {  	[sflag:s11] =	ssyncadd.s32 $0xFFFFC000  }
0x11a: {  	_ =	swait.ge [sflag:s12], $0x4000  }
0x11b: {  	[sflag:s12] =	ssyncset.done $0x0  }
0x11c: {  	[sflag:s12] =	ssyncadd.s32 $0xFFFFC000  }
0x11d: {  	_ =	swait.ge [sflag:s13], $0x4000  }
0x11e: {  	[sflag:s13] =	ssyncset.done $0x0  }
0x11f: {  	[sflag:s13] =	ssyncadd.s32 $0xFFFFC000  }
0x120: {  	p0 =	sne.s32 s8, $0x1;
	_ =	swait.ge [sflag:s14], $0x4000  }
.Ltmp0:
0x121: {  	[sflag:s14] =	ssyncset.done $0x0;
	(pc) =	sbr.rel @p0 .LBB2_1-.Ltmp0, $4  }
0x122: {  	[sflag:s14] =	ssyncadd.s32 $0xFFFFC000  }
0x123: {  	_ =	swait.ge [sflag:s26], $0x4000  }
0x124: {  	[sflag:s26] =	ssyncset.done $0x0  }
0x125: {  	s8 =	sadd.s32 $0xFFFFFFFF, s8;
	[sflag:s26] =	ssyncadd.s32 $0xFFFFC000  }
0x126: {  	_ =	sfence.sel $0x180000  }
0x127: {  	[bflag:$0x0] =	sbarrier.arrive $0xFFFF  }
0x128: {  	_ =	strace $0x9000004A  }
0x129: {  	s0 =	stileid.u32;
	[bflag:$0x2] =	sbarrier.arrive $0xFFFF  }
0x12a: {  	p0 =	sne.s32 s0, $0x0;
	s0 =	rddreg [dreg:$0x2]  }
0x12b: {  	s0 =	sadd.s32 @!p0 $0x100000, s0  }
0x12c: {  	[sflag:s0] =	ssyncadd.tile.s32 @!p0 $0x1;
	_ =	shalt  }
.Lfunc_end2:
_tile_overlayer_lowered:
.L_overlay_start_2:
0x12d: {  	(tag) =	ssettag $0x2  }
0x12e: {  	s0 =	rddreg [dreg:$0x0];
	s2 =	stileid.u32  }
0x12f: {  	s1 =	rddreg [dreg:$0x1];
	p0 =	sne.s32 s2, $0x0  }
0x130: {  	s3 =	rddreg [dreg:$0x2];
	[bflag:$0x3] =	sbarrier.arrive $0xFFFF;
	s2 =	simm.s32 @!p0 $0x1C0F  }
0x131: {  	[timem:s3], [sflag:s2] =	dma.local @!p0 [hbm:s0], s1  }
0x132: {  	s0 =	simm.s32 @!p0 $0xF  }
0x133: {  	_ =	swait.ge @!p0 [sflag:s0], s1  }
0x134: {  	s1 =	ssub.s32 @!p0 $0x0, s1;
	[sflag:s0] =	ssyncset.done @!p0 $0x0  }
0x135: {  	[sflag:s0] =	ssyncadd.s32 @!p0 s1  }
0x136: {  	[bflag:$0x3] =	sbarrier.arrive $0xFFFF  }
0x137: {  	_ =	shalt  }

</sc_bundles>
